<compile_context>
chip_gen: v7x
topology: tpu7x:2x2x1
jax: 0.10.2.dev20260603
libtpu: 0.0.44.dev20260713+nightly
codegen_flags: <defaults>
</compile_context>

<pallas_src>
import functools

import jax
import jax.numpy as jnp
from jax import lax
from jax.experimental import pallas as pl
from jax.experimental.pallas import tpu as pltpu
from jax.experimental.pallas import tpu_sc as plsc

A = 33600
N = 20000
C = 80

NC = 2
NS = 16
NW = NC * NS
BPW = 640
B_PAD = BPW * NW
LANES = 16
CHUNK = 128
KPW = BPW // CHUNK

BLK = 8192


def _tc_reduce_body(s_ref, packed_ref):
    s = s_ref[...]
    m = jnp.max(s, axis=0)
    iot = lax.broadcasted_iota(jnp.int32, s.shape, 0)
    a = jnp.min(jnp.where(s == m[None], iot, C), axis=0)
    u = lax.bitcast_convert_type(m + 1.0, jnp.int32)
    packed_ref[...] = lax.bitcast_convert_type((u & ~127) | a, jnp.float32)


_tc_reduce = pl.pallas_call(
    _tc_reduce_body,
    grid=(pl.cdiv(A, BLK),),
    in_specs=[pl.BlockSpec((C, BLK), lambda i: (0, i))],
    out_specs=pl.BlockSpec((BLK,), lambda i: (i,)),
    out_shape=jax.ShapeDtypeStruct((A,), jnp.float32),
)


def _sc_boxes_body(idx_hbm, boxes_hbm, out_hbm,
                   idx_v, ib1, ib2, ib3, rows_v, sem):
    wid = lax.axis_index("s") * NC + lax.axis_index("c")
    pltpu.sync_copy(idx_hbm.at[wid], idx_v)
    for j, ib in ((1, ib1), (2, ib2), (3, ib3)):
        off = jnp.full((LANES,), j * A, jnp.int32)
        for k in range(KPW):
            for c in range(CHUNK // LANES):
                sl = pl.ds(c * LANES, LANES)
                ib[k, sl] = idx_v[k, sl] + off
    fields = ((boxes_hbm, idx_v), (boxes_hbm, ib1),
              (boxes_hbm, ib2), (boxes_hbm, ib3))
    copies = [
        pltpu.async_copy(
            tbl.at[ib.at[k]],
            rows_v.at[pl.ds((f * KPW + k) * CHUNK, CHUNK)],
            sem,
        )
        for f, (tbl, ib) in enumerate(fields)
        for k in range(KPW)
    ]
    for cp in copies:
        cp.wait()
    for f in range(4):
        pltpu.sync_copy(
            rows_v.at[pl.ds(f * BPW, BPW)],
            out_hbm.at[f, pl.ds(wid * BPW, BPW)],
        )


def _sc_packed_body(idx_hbm, packed_hbm, out_hbm, idx_v, rows_v, sem):
    wid = lax.axis_index("s") * NC + lax.axis_index("c")
    base = wid * BPW
    pltpu.sync_copy(idx_hbm.at[wid], idx_v)
    copies = [
        pltpu.async_copy(
            packed_hbm.at[idx_v.at[k]],
            rows_v.at[pl.ds(k * CHUNK, CHUNK)],
            sem,
        )
        for k in range(KPW)
    ]
    for cp in copies:
        cp.wait()
    pltpu.sync_copy(rows_v, out_hbm.at[pl.ds(base, BPW)])


@functools.cache
def _make_sc_kernels():
    mesh = plsc.VectorSubcoreMesh(
        core_axis_name="c", subcore_axis_name="s",
        num_cores=NC, num_subcores=NS,
    )
    boxes_k = pl.kernel(
        _sc_boxes_body,
        out_type=jax.ShapeDtypeStruct((4, B_PAD), jnp.float32),
        mesh=mesh,
        scratch_types=[
            pltpu.VMEM((KPW, CHUNK), jnp.int32),
            pltpu.VMEM((KPW, CHUNK), jnp.int32),
            pltpu.VMEM((KPW, CHUNK), jnp.int32),
            pltpu.VMEM((KPW, CHUNK), jnp.int32),
            pltpu.VMEM((4 * BPW,), jnp.float32),
            pltpu.SemaphoreType.DMA,
        ],
    )
    packed_k = pl.kernel(
        _sc_packed_body,
        out_type=jax.ShapeDtypeStruct((B_PAD,), jnp.float32),
        mesh=mesh,
        scratch_types=[
            pltpu.VMEM((KPW, CHUNK), jnp.int32),
            pltpu.VMEM((BPW,), jnp.float32),
            pltpu.SemaphoreType.DMA,
        ],
    )
    return boxes_k, packed_k


def kernel(idxTensor, boxes, scores):
    boxes_k, packed_k = _make_sc_kernels()
    idx = idxTensor[:, 2]
    idx_pad = jnp.concatenate([idx, jnp.zeros((B_PAD - N,), jnp.int32)])
    idx3 = idx_pad.reshape(NW, KPW, CHUNK)
    rows_b4 = boxes_k(idx3, boxes.reshape(4 * A))
    packed = _tc_reduce(scores[0])
    packed, rows_b = lax.optimization_barrier((packed, rows_b4))
    rows_p = packed_k(idx3, packed)
    r = lax.bitcast_convert_type(rows_p[:N], jnp.int32)
    bbox_result = rows_b[:, :N].T[None]
    score_result = (lax.bitcast_convert_type(r & -128, jnp.float32) - 1.0)[None]
    classes_result = (r & 127)[None]
    num_dets = jnp.array(N, jnp.int32)
    return (bbox_result, score_result, classes_result, num_dets)

# --- scband reference (transcript-rebuilt; emitter-appended) ---
"""Pipeline reference for scband-transform-36490042147032 (READ-ONLY COPY).

The authoritative reference and input builder live on the scoring server;
editing this copy changes nothing except your own understanding.
"""

import jax, jax.numpy as jnp
import numpy as np

A = 33600
N = 20000
C = 80


def setup_inputs(seed: int = 0) -> dict:
    key = jax.random.key(seed)
    k1, k2, k3 = jax.random.split(key, 3)
    idxTensor = jax.random.randint(k1, (N, 3), 0, A, dtype=jnp.int32)
    boxes = jax.random.normal(k2, (1, 4, A), dtype=jnp.float32)
    scores = jax.random.uniform(k3, (1, C, A), dtype=jnp.float32)
    return {"idxTensor": idxTensor, "boxes": boxes, "scores": scores}


def _gather(target, idxTensor):
    # torch: idxTensor[:, -1:].repeat(1, target.shape[1]).unsqueeze(0)
    pick = jnp.repeat(idxTensor[:, -1:], target.shape[1], axis=1)[None, :, :]  # [1, N, C']
    tp = jnp.transpose(target, (0, 2, 1))  # [1, A, C']
    # torch.gather(tp, 1, pick): out[0, n, c] = tp[0, pick[0, n, c], c]
    return jnp.take_along_axis(tp, pick, axis=1)


def reference(idxTensor, boxes, scores):
    bbox_result = _gather(boxes, idxTensor)          # [1, N, 4]
    sg = _gather(scores, idxTensor)                  # [1, N, C]
    score_result = jnp.max(sg, axis=-1)              # [1, N]
    classes_result = jnp.argmax(sg, axis=-1)         # [1, N]
    num_dets = jnp.array(score_result.shape[-1])
    return (bbox_result, score_result, classes_result, num_dets)

if __name__ == "__main__":
    import jax
    _d = setup_inputs()
    print(jax.jit(kernel)(*tuple(_d.values())))

</pallas_src>

<mosaic_0001>
#map = affine_map<(d0, d1) -> (0, 0, 0)>
#map1 = affine_map<(d0, d1) -> (0)>
#map2 = affine_map<(d0, d1) -> (0, 0)>
module attributes {stable_mosaic.version = 14 : i64} {
  func.func @_sc_boxes_body(%arg0: i32, %arg1: i32, %arg2: memref<32x5x128xi32, #tpu.memory_space<hbm>>, %arg3: memref<134400xf32, #tpu.memory_space<hbm>>, %arg4: memref<4x20480xf32, #tpu.memory_space<hbm>>, %arg5: memref<5x128xi32, #tpu.memory_space<vmem>>, %arg6: memref<5x128xi32, #tpu.memory_space<vmem>>, %arg7: memref<5x128xi32, #tpu.memory_space<vmem>>, %arg8: memref<5x128xi32, #tpu.memory_space<vmem>>, %arg9: memref<2560xf32, #tpu.memory_space<vmem>>, %arg10: memref<!tpu.dma_semaphore, #tpu.memory_space<semaphore_mem>>) attributes {dimension_semantics = [#tpu.dimension_semantics<core_parallel>, #tpu.dimension_semantics<subcore_parallel>], iteration_bounds = array<i64: 2, 16>, scalar_prefetch = 0 : i64, scratch_operands = 6 : i64, tpu.core_type = #tpu.core_type<sc_vector_subcore>, window_params = [{transform_indices = #map}, {transform_indices = #map1}, {transform_indices = #map2}]} {
    %mul3A = arith.constant 2 : i32
    %mul3A_0 = arith.muli %arg1, %mul3A : i32
    %add3A = arith.addi %mul3A_0, %arg0 : i32
    "tpu.region"() ({
      %run_scoped3A_1773 = tpu.sem_alloc : memref<!tpu.dma_semaphore, #tpu.memory_space<semaphore_mem>>
      %dma_start3A_1774 = arith.constant 0 : i32
      %dma_start3A_1775 = arith.constant 0 : i32
      %dma_start3A_1776 = tpu.memref_slice %arg2[%add3A, %dma_start3A_1774, %dma_start3A_1775] : memref<32x5x128xi32, #tpu.memory_space<hbm>> -> memref<1x5x128xi32, #tpu.memory_space<hbm>>
      %dma_start3A_1777 = tpu.memref_squeeze %dma_start3A_1776 : memref<1x5x128xi32, #tpu.memory_space<hbm>> -> memref<5x128xi32, #tpu.memory_space<hbm>>
      %dma_start3A_1778 = arith.constant 0 : i32
      %dma_start3A_1779 = arith.constant 0 : i32
      %dma_start3A_1780 = tpu.memref_slice %arg2[%add3A, %dma_start3A_1778, %dma_start3A_1779] : memref<32x5x128xi32, #tpu.memory_space<hbm>> -> memref<1x5x128xi32, #tpu.memory_space<hbm>>
      %dma_start3A_1781 = tpu.memref_squeeze %dma_start3A_1780 : memref<1x5x128xi32, #tpu.memory_space<hbm>> -> memref<5x128xi32, #tpu.memory_space<hbm>>
      tpu.enqueue_dma source(%dma_start3A_1781 : memref<5x128xi32, #tpu.memory_space<hbm>>) target(%arg5 : memref<5x128xi32, #tpu.memory_space<vmem>>) target_semaphore(%run_scoped3A_1773 : memref<!tpu.dma_semaphore, #tpu.memory_space<semaphore_mem>>)
      %dma_wait3A_1782 = arith.constant 0 : i32
      %dma_wait3A_1783 = arith.constant 0 : i32
      %dma_wait3A_1784 = tpu.memref_slice %arg2[%add3A, %dma_wait3A_1782, %dma_wait3A_1783] : memref<32x5x128xi32, #tpu.memory_space<hbm>> -> memref<1x5x128xi32, #tpu.memory_space<hbm>>
      %dma_wait3A_1785 = tpu.memref_squeeze %dma_wait3A_1784 : memref<1x5x128xi32, #tpu.memory_space<hbm>> -> memref<5x128xi32, #tpu.memory_space<hbm>>
      %dma_wait3A_1786 = arith.constant 0 : i32
      %dma_wait3A_1787 = arith.constant 0 : i32
      %dma_wait3A_1788 = tpu.memref_slice %arg2[%add3A, %dma_wait3A_1786, %dma_wait3A_1787] : memref<32x5x128xi32, #tpu.memory_space<hbm>> -> memref<1x5x128xi32, #tpu.memory_space<hbm>>
      %dma_wait3A_1789 = tpu.memref_squeeze %dma_wait3A_1788 : memref<1x5x128xi32, #tpu.memory_space<hbm>> -> memref<5x128xi32, #tpu.memory_space<hbm>>
      tpu.wait_dma2 semaphore(%run_scoped3A_1773 : memref<!tpu.dma_semaphore, #tpu.memory_space<semaphore_mem>>) src(%dma_wait3A_1789 : memref<5x128xi32, #tpu.memory_space<hbm>>) dst(%arg5 : memref<5x128xi32, #tpu.memory_space<vmem>>)
      tpu.yield
    }) : () -> ()
    %broadcast_in_dim3A = arith.constant 33600 : i32
    %broadcast_in_dim3A_1 = vector.broadcast %broadcast_in_dim3A : i32 to vector<16xi32>
    %get3A = arith.constant 0 : i32
    %get3A_2 = arith.index_cast %get3A : i32 to index
    %get3A_3 = arith.constant 0 : index
    %get3A_4 = tpu.vector_load %arg5[%get3A_2, %get3A_3] {strides = array<i32>} : memref<5x128xi32, #tpu.memory_space<vmem>>, vector<1x16xi32>,
    %get3A_5 = vector.shape_cast %get3A_4 : vector<1x16xi32> to vector<16xi32>
    %add3A_6 = arith.addi %get3A_5, %broadcast_in_dim3A_1 : vector<16xi32>
    %swap3A = arith.constant 0 : i32
    %swap3A_7 = arith.index_cast %swap3A : i32 to index
    %swap3A_8 = arith.constant 0 : index
    %swap3A_9 = tpu.vector_load %arg6[%swap3A_7, %swap3A_8] {strides = array<i32>} : memref<5x128xi32, #tpu.memory_space<vmem>>, vector<1x16xi32>,
    %swap3A_10 = vector.shape_cast %swap3A_9 : vector<1x16xi32> to vector<16xi32>
    %swap3A_11 = vector.shape_cast %add3A_6 : vector<16xi32> to vector<1x16xi32>
    tpu.vector_store %arg6[%swap3A_7, %swap3A_8], %swap3A_11 {strides = array<i32>} : memref<5x128xi32, #tpu.memory_space<vmem>>, vector<1x16xi32>,
    %get3A_12 = arith.constant 0 : i32
    %get3A_13 = arith.index_cast %get3A_12 : i32 to index
    %get3A_14 = arith.constant 16 : index
    %get3A_15 = tpu.vector_load %arg5[%get3A_13, %get3A_14] {strides = array<i32>} : memref<5x128xi32, #tpu.memory_space<vmem>>, vector<1x16xi32>,
    %get3A_16 = vector.shape_cast %get3A_15 : vector<1x16xi32> to vector<16xi32>
    %add3A_17 = arith.addi %get3A_16, %broadcast_in_dim3A_1 : vector<16xi32>
    %swap3A_18 = arith.constant 0 : i32
    %swap3A_19 = arith.index_cast %swap3A_18 : i32 to index
    %swap3A_20 = arith.constant 16 : index
    %swap3A_21 = tpu.vector_load %arg6[%swap3A_19, %swap3A_20] {strides = array<i32>} : memref<5x128xi32, #tpu.memory_space<vmem>>, vector<1x16xi32>,
    %swap3A_22 = vector.shape_cast %swap3A_21 : vector<1x16xi32> to vector<16xi32>
    %swap3A_23 = vector.shape_cast %add3A_17 : vector<16xi32> to vector<1x16xi32>
    tpu.vector_store %arg6[%swap3A_19, %swap3A_20], %swap3A_23 {strides = array<i32>} : memref<5x128xi32, #tpu.memory_space<vmem>>, vector<1x16xi32>,
    %get3A_24 = arith.constant 0 : i32
    %get3A_25 = arith.index_cast %get3A_24 : i32 to index
    %get3A_26 = arith.constant 32 : index
    %get3A_27 = tpu.vector_load %arg5[%get3A_25, %get3A_26] {strides = array<i32>} : memref<5x128xi32, #tpu.memory_space<vmem>>, vector<1x16xi32>,
    %get3A_28 = vector.shape_cast %get3A_27 : vector<1x16xi32> to vector<16xi32>
    %add3A_29 = arith.addi %get3A_28, %broadcast_in_dim3A_1 : vector<16xi32>
    %swap3A_30 = arith.constant 0 : i32
    %swap3A_31 = arith.index_cast %swap3A_30 : i32 to index
    %swap3A_32 = arith.constant 32 : index
    %swap3A_33 = tpu.vector_load %arg6[%swap3A_31, %swap3A_32] {strides = array<i32>} : memref<5x128xi32, #tpu.memory_space<vmem>>, vector<1x16xi32>,
    %swap3A_34 = vector.shape_cast %swap3A_33 : vector<1x16xi32> to vector<16xi32>
    %swap3A_35 = vector.shape_cast %add3A_29 : vector<16xi32> to vector<1x16xi32>
    tpu.vector_store %arg6[%swap3A_31, %swap3A_32], %swap3A_35 {strides = array<i32>} : memref<5x128xi32, #tpu.memory_space<vmem>>, vector<1x16xi32>,
    %get3A_36 = arith.constant 0 : i32
    %get3A_37 = arith.index_cast %get3A_36 : i32 to index
    %get3A_38 = arith.constant 48 : index
    %get3A_39 = tpu.vector_load %arg5[%get3A_37, %get3A_38] {strides = array<i32>} : memref<5x128xi32, #tpu.memory_space<vmem>>, vector<1x16xi32>,
    %get3A_40 = vector.shape_cast %get3A_39 : vector<1x16xi32> to vector<16xi32>
    %add3A_41 = arith.addi %get3A_40, %broadcast_in_dim3A_1 : vector<16xi32>
    %swap3A_42 = arith.constant 0 : i32
    %swap3A_43 = arith.index_cast %swap3A_42 : i32 to index
    %swap3A_44 = arith.constant 48 : index
    %swap3A_45 = tpu.vector_load %arg6[%swap3A_43, %swap3A_44] {strides = array<i32>} : memref<5x128xi32, #tpu.memory_space<vmem>>, vector<1x16xi32>,
    %swap3A_46 = vector.shape_cast %swap3A_45 : vector<1x16xi32> to vector<16xi32>
    %swap3A_47 = vector.shape_cast %add3A_41 : vector<16xi32> to vector<1x16xi32>
    tpu.vector_store %arg6[%swap3A_43, %swap3A_44], %swap3A_47 {strides = array<i32>} : memref<5x128xi32, #tpu.memory_space<vmem>>, vector<1x16xi32>,
    %get3A_48 = arith.constant 0 : i32
    %get3A_49 = arith.index_cast %get3A_48 : i32 to index
    %get3A_50 = arith.constant 64 : index
    %get3A_51 = tpu.vector_load %arg5[%get3A_49, %get3A_50] {strides = array<i32>} : memref<5x128xi32, #tpu.memory_space<vmem>>, vector<1x16xi32>,
    %get3A_52 = vector.shape_cast %get3A_51 : vector<1x16xi32> to vector<16xi32>
    %add3A_53 = arith.addi %get3A_52, %broadcast_in_dim3A_1 : vector<16xi32>
    %swap3A_54 = arith.constant 0 : i32
    %swap3A_55 = arith.index_cast %swap3A_54 : i32 to index
    %swap3A_56 = arith.constant 64 : index
    %swap3A_57 = tpu.vector_load %arg6[%swap3A_55, %swap3A_56] {strides = array<i32>} : memref<5x128xi32, #tpu.memory_space<vmem>>, vector<1x16xi32>,
    %swap3A_58 = vector.shape_cast %swap3A_57 : vector<1x16xi32> to vector<16xi32>
    %swap3A_59 = vector.shape_cast %add3A_53 : vector<16xi32> to vector<1x16xi32>
    tpu.vector_store %arg6[%swap3A_55, %swap3A_56], %swap3A_59 {strides = array<i32>} : memref<5x128xi32, #tpu.memory_space<vmem>>, vector<1x16xi32>,
    %get3A_60 = arith.constant 0 : i32
    %get3A_61 = arith.index_cast %get3A_60 : i32 to index
    %get3A_62 = arith.constant 80 : index
    %get3A_63 = tpu.vector_load %arg5[%get3A_61, %get3A_62] {strides = array<i32>} : memref<5x128xi32, #tpu.memory_space<vmem>>, vector<1x16xi32>,
    %get3A_64 = vector.shape_cast %get3A_63 : vector<1x16xi32> to vector<16xi32>
    %add3A_65 = arith.addi %get3A_64, %broadcast_in_dim3A_1 : vector<16xi32>
    %swap3A_66 = arith.constant 0 : i32
    %swap3A_67 = arith.index_cast %swap3A_66 : i32 to index
    %swap3A_68 = arith.constant 80 : index
    %swap3A_69 = tpu.vector_load %arg6[%swap3A_67, %swap3A_68] {strides = array<i32>} : memref<5x128xi32, #tpu.memory_space<vmem>>, vector<1x16xi32>,
    %swap3A_70 = vector.shape_cast %swap3A_69 : vector<1x16xi32> to vector<16xi32>
    %swap3A_71 = vector.shape_cast %add3A_65 : vector<16xi32> to vector<1x16xi32>
    tpu.vector_store %arg6[%swap3A_67, %swap3A_68], %swap3A_71 {strides = array<i32>} : memref<5x128xi32, #tpu.memory_space<vmem>>, vector<1x16xi32>,
    %get3A_72 = arith.constant 0 : i32
    %get3A_73 = arith.index_cast %get3A_72 : i32 to index
    %get3A_74 = arith.constant 96 : index
    %get3A_75 = tpu.vector_load %arg5[%get3A_73, %get3A_74] {strides = array<i32>} : memref<5x128xi32, #tpu.memory_space<vmem>>, vector<1x16xi32>,
    %get3A_76 = vector.shape_cast %get3A_75 : vector<1x16xi32> to vector<16xi32>
    %add3A_77 = arith.addi %get3A_76, %broadcast_in_dim3A_1 : vector<16xi32>
    %swap3A_78 = arith.constant 0 : i32
    %swap3A_79 = arith.index_cast %swap3A_78 : i32 to index
    %swap3A_80 = arith.constant 96 : index
    %swap3A_81 = tpu.vector_load %arg6[%swap3A_79, %swap3A_80] {strides = array<i32>} : memref<5x128xi32, #tpu.memory_space<vmem>>, vector<1x16xi32>,
    %swap3A_82 = vector.shape_cast %swap3A_81 : vector<1x16xi32> to vector<16xi32>
    %swap3A_83 = vector.shape_cast %add3A_77 : vector<16xi32> to vector<1x16xi32>
    tpu.vector_store %arg6[%swap3A_79, %swap3A_80], %swap3A_83 {strides = array<i32>} : memref<5x128xi32, #tpu.memory_space<vmem>>, vector<1x16xi32>,
    %get3A_84 = arith.constant 0 : i32
    %get3A_85 = arith.index_cast %get3A_84 : i32 to index
    %get3A_86 = arith.constant 112 : index
    %get3A_87 = tpu.vector_load %arg5[%get3A_85, %get3A_86] {strides = array<i32>} : memref<5x128xi32, #tpu.memory_space<vmem>>, vector<1x16xi32>,
    %get3A_88 = vector.shape_cast %get3A_87 : vector<1x16xi32> to vector<16xi32>
    %add3A_89 = arith.addi %get3A_88, %broadcast_in_dim3A_1 : vector<16xi32>
    %swap3A_90 = arith.constant 0 : i32
    %swap3A_91 = arith.index_cast %swap3A_90 : i32 to index
    %swap3A_92 = arith.constant 112 : index
    %swap3A_93 = tpu.vector_load %arg6[%swap3A_91, %swap3A_92] {strides = array<i32>} : memref<5x128xi32, #tpu.memory_space<vmem>>, vector<1x16xi32>,
    %swap3A_94 = vector.shape_cast %swap3A_93 : vector<1x16xi32> to vector<16xi32>
    %swap3A_95 = vector.shape_cast %add3A_89 : vector<16xi32> to vector<1x16xi32>
    tpu.vector_store %arg6[%swap3A_91, %swap3A_92], %swap3A_95 {strides = array<i32>} : memref<5x128xi32, #tpu.memory_space<vmem>>, vector<1x16xi32>,
    %get3A_96 = arith.constant 1 : i32
    %get3A_97 = arith.index_cast %get3A_96 : i32 to index
    %get3A_98 = arith.constant 0 : index
    %get3A_99 = tpu.vector_load %arg5[%get3A_97, %get3A_98] {strides = array<i32>} : memref<5x128xi32, #tpu.memory_space<vmem>>, vector<1x16xi32>,
    %get3A_100 = vector.shape_cast %get3A_99 : vector<1x16xi32> to vector<16xi32>
    %add3A_101 = arith.addi %get3A_100, %broadcast_in_dim3A_1 : vector<16xi32>
    %swap3A_102 = arith.constant 1 : i32
    %swap3A_103 = arith.index_cast %swap3A_102 : i32 to index
    %swap3A_104 = arith.constant 0 : index
    %swap3A_105 = tpu.vector_load %arg6[%swap3A_103, %swap3A_104] {strides = array<i32>} : memref<5x128xi32, #tpu.memory_space<vmem>>, vector<1x16xi32>,
    %swap3A_106 = vector.shape_cast %swap3A_105 : vector<1x16xi32> to vector<16xi32>
    %swap3A_107 = vector.shape_cast %add3A_101 : vector<16xi32> to vector<1x16xi32>
    tpu.vector_store %arg6[%swap3A_103, %swap3A_104], %swap3A_107 {strides = array<i32>} : memref<5x128xi32, #tpu.memory_space<vmem>>, vector<1x16xi32>,
    %get3A_108 = arith.constant 1 : i32
    %get3A_109 = arith.index_cast %get3A_108 : i32 to index
    %get3A_110 = arith.constant 16 : index
    %get3A_111 = tpu.vector_load %arg5[%get3A_109, %get3A_110] {strides = array<i32>} : memref<5x128xi32, #tpu.memory_space<vmem>>, vector<1x16xi32>,
    %get3A_112 = vector.shape_cast %get3A_111 : vector<1x16xi32> to vector<16xi32>
    %add3A_113 = arith.addi %get3A_112, %broadcast_in_dim3A_1 : vector<16xi32>
    %swap3A_114 = arith.constant 1 : i32
    %swap3A_115 = arith.index_cast %swap3A_114 : i32 to index
    %swap3A_116 = arith.constant 16 : index
    %swap3A_117 = tpu.vector_load %arg6[%swap3A_115, %swap3A_116] {strides = array<i32>} : memref<5x128xi32, #tpu.memory_space<vmem>>, vector<1x16xi32>,
    %swap3A_118 = vector.shape_cast %swap3A_117 : vector<1x16xi32> to vector<16xi32>
    %swap3A_119 = vector.shape_cast %add3A_113 : vector<16xi32> to vector<1x16xi32>
    tpu.vector_store %arg6[%swap3A_115, %swap3A_116], %swap3A_119 {strides = array<i32>} : memref<5x128xi32, #tpu.memory_space<vmem>>, vector<1x16xi32>,
    %get3A_120 = arith.constant 1 : i32
    %get3A_121 = arith.index_cast %get3A_120 : i32 to index
    %get3A_122 = arith.constant 32 : index
    %get3A_123 = tpu.vector_load %arg5[%get3A_121, %get3A_122] {strides = array<i32>} : memref<5x128xi32, #tpu.memory_space<vmem>>, vector<1x16xi32>,
    %get3A_124 = vector.shape_cast %get3A_123 : vector<1x16xi32> to vector<16xi32>
    %add3A_125 = arith.addi %get3A_124, %broadcast_in_dim3A_1 : vector<16xi32>
    %swap3A_126 = arith.constant 1 : i32
    %swap3A_127 = arith.index_cast %swap3A_126 : i32 to index
    %swap3A_128 = arith.constant 32 : index
    %swap3A_129 = tpu.vector_load %arg6[%swap3A_127, %swap3A_128] {strides = array<i32>} : memref<5x128xi32, #tpu.memory_space<vmem>>, vector<1x16xi32>,
    %swap3A_130 = vector.shape_cast %swap3A_129 : vector<1x16xi32> to vector<16xi32>
    %swap3A_131 = vector.shape_cast %add3A_125 : vector<16xi32> to vector<1x16xi32>
    tpu.vector_store %arg6[%swap3A_127, %swap3A_128], %swap3A_131 {strides = array<i32>} : memref<5x128xi32, #tpu.memory_space<vmem>>, vector<1x16xi32>,
    %get3A_132 = arith.constant 1 : i32
    %get3A_133 = arith.index_cast %get3A_132 : i32 to index
    %get3A_134 = arith.constant 48 : index
    %get3A_135 = tpu.vector_load %arg5[%get3A_133, %get3A_134] {strides = array<i32>} : memref<5x128xi32, #tpu.memory_space<vmem>>, vector<1x16xi32>,
    %get3A_136 = vector.shape_cast %get3A_135 : vector<1x16xi32> to vector<16xi32>
    %add3A_137 = arith.addi %get3A_136, %broadcast_in_dim3A_1 : vector<16xi32>
    %swap3A_138 = arith.constant 1 : i32
    %swap3A_139 = arith.index_cast %swap3A_138 : i32 to index
    %swap3A_140 = arith.constant 48 : index
    %swap3A_141 = tpu.vector_load %arg6[%swap3A_139, %swap3A_140] {strides = array<i32>} : memref<5x128xi32, #tpu.memory_space<vmem>>, vector<1x16xi32>,
    %swap3A_142 = vector.shape_cast %swap3A_141 : vector<1x16xi32> to vector<16xi32>
    %swap3A_143 = vector.shape_cast %add3A_137 : vector<16xi32> to vector<1x16xi32>
    tpu.vector_store %arg6[%swap3A_139, %swap3A_140], %swap3A_143 {strides = array<i32>} : memref<5x128xi32, #tpu.memory_space<vmem>>, vector<1x16xi32>,
    %get3A_144 = arith.constant 1 : i32
    %get3A_145 = arith.index_cast %get3A_144 : i32 to index
    %get3A_146 = arith.constant 64 : index
    %get3A_147 = tpu.vector_load %arg5[%get3A_145, %get3A_146] {strides = array<i32>} : memref<5x128xi32, #tpu.memory_space<vmem>>, vector<1x16xi32>,
    %get3A_148 = vector.shape_cast %get3A_147 : vector<1x16xi32> to vector<16xi32>
    %add3A_149 = arith.addi %get3A_148, %broadcast_in_dim3A_1 : vector<16xi32>
    %swap3A_150 = arith.constant 1 : i32
    %swap3A_151 = arith.index_cast %swap3A_150 : i32 to index
    %swap3A_152 = arith.constant 64 : index
    %swap3A_153 = tpu.vector_load %arg6[%swap3A_151, %swap3A_152] {strides = array<i32>} : memref<5x128xi32, #tpu.memory_space<vmem>>, vector<1x16xi32>,
    %swap3A_154 = vector.shape_cast %swap3A_153 : vector<1x16xi32> to vector<16xi32>
    %swap3A_155 = vector.shape_cast %add3A_149 : vector<16xi32> to vector<1x16xi32>
    tpu.vector_store %arg6[%swap3A_151, %swap3A_152], %swap3A_155 {strides = array<i32>} : memref<5x128xi32, #tpu.memory_space<vmem>>, vector<1x16xi32>,
    %get3A_156 = arith.constant 1 : i32
    %get3A_157 = arith.index_cast %get3A_156 : i32 to index
    %get3A_158 = arith.constant 80 : index
    %get3A_159 = tpu.vector_load %arg5[%get3A_157, %get3A_158] {strides = array<i32>} : memref<5x128xi32, #tpu.memory_space<vmem>>, vector<1x16xi32>,
    %get3A_160 = vector.shape_cast %get3A_159 : vector<1x16xi32> to vector<16xi32>
    %add3A_161 = arith.addi %get3A_160, %broadcast_in_dim3A_1 : vector<16xi32>
    %swap3A_162 = arith.constant 1 : i32
    %swap3A_163 = arith.index_cast %swap3A_162 : i32 to index
    %swap3A_164 = arith.constant 80 : index
    %swap3A_165 = tpu.vector_load %arg6[%swap3A_163, %swap3A_164] {strides = array<i32>} : memref<5x128xi32, #tpu.memory_space<vmem>>, vector<1x16xi32>,
    %swap3A_166 = vector.shape_cast %swap3A_165 : vector<1x16xi32> to vector<16xi32>
    %swap3A_167 = vector.shape_cast %add3A_161 : vector<16xi32> to vector<1x16xi32>
    tpu.vector_store %arg6[%swap3A_163, %swap3A_164], %swap3A_167 {strides = array<i32>} : memref<5x128xi32, #tpu.memory_space<vmem>>, vector<1x16xi32>,
    %get3A_168 = arith.constant 1 : i32
    %get3A_169 = arith.index_cast %get3A_168 : i32 to index
    %get3A_170 = arith.constant 96 : index
    %get3A_171 = tpu.vector_load %arg5[%get3A_169, %get3A_170] {strides = array<i32>} : memref<5x128xi32, #tpu.memory_space<vmem>>, vector<1x16xi32>,
    %get3A_172 = vector.shape_cast %get3A_171 : vector<1x16xi32> to vector<16xi32>
    %add3A_173 = arith.addi %get3A_172, %broadcast_in_dim3A_1 : vector<16xi32>
    %swap3A_174 = arith.constant 1 : i32
    %swap3A_175 = arith.index_cast %swap3A_174 : i32 to index
    %swap3A_176 = arith.constant 96 : index
    %swap3A_177 = tpu.vector_load %arg6[%swap3A_175, %swap3A_176] {strides = array<i32>} : memref<5x128xi32, #tpu.memory_space<vmem>>, vector<1x16xi32>,
    %swap3A_178 = vector.shape_cast %swap3A_177 : vector<1x16xi32> to vector<16xi32>
    %swap3A_179 = vector.shape_cast %add3A_173 : vector<16xi32> to vector<1x16xi32>
    tpu.vector_store %arg6[%swap3A_175, %swap3A_176], %swap3A_179 {strides = array<i32>} : memref<5x128xi32, #tpu.memory_space<vmem>>, vector<1x16xi32>,
    %get3A_180 = arith.constant 1 : i32
    %get3A_181 = arith.index_cast %get3A_180 : i32 to index
    %get3A_182 = arith.constant 112 : index
    %get3A_183 = tpu.vector_load %arg5[%get3A_181, %get3A_182] {strides = array<i32>} : memref<5x128xi32, #tpu.memory_space<vmem>>, vector<1x16xi32>,
    %get3A_184 = vector.shape_cast %get3A_183 : vector<1x16xi32> to vector<16xi32>
    %add3A_185 = arith.addi %get3A_184, %broadcast_in_dim3A_1 : vector<16xi32>
    %swap3A_186 = arith.constant 1 : i32
    %swap3A_187 = arith.index_cast %swap3A_186 : i32 to index
    %swap3A_188 = arith.constant 112 : index
    %swap3A_189 = tpu.vector_load %arg6[%swap3A_187, %swap3A_188] {strides = array<i32>} : memref<5x128xi32, #tpu.memory_space<vmem>>, vector<1x16xi32>,
    %swap3A_190 = vector.shape_cast %swap3A_189 : vector<1x16xi32> to vector<16xi32>
    %swap3A_191 = vector.shape_cast %add3A_185 : vector<16xi32> to vector<1x16xi32>
    tpu.vector_store %arg6[%swap3A_187, %swap3A_188], %swap3A_191 {strides = array<i32>} : memref<5x128xi32, #tpu.memory_space<vmem>>, vector<1x16xi32>,
    %get3A_192 = arith.constant 2 : i32
    %get3A_193 = arith.index_cast %get3A_192 : i32 to index
    %get3A_194 = arith.constant 0 : index
    %get3A_195 = tpu.vector_load %arg5[%get3A_193, %get3A_194] {strides = array<i32>} : memref<5x128xi32, #tpu.memory_space<vmem>>, vector<1x16xi32>,
    %get3A_196 = vector.shape_cast %get3A_195 : vector<1x16xi32> to vector<16xi32>
    %add3A_197 = arith.addi %get3A_196, %broadcast_in_dim3A_1 : vector<16xi32>
    %swap3A_198 = arith.constant 2 : i32
    %swap3A_199 = arith.index_cast %swap3A_198 : i32 to index
    %swap3A_200 = arith.constant 0 : index
    %swap3A_201 = tpu.vector_load %arg6[%swap3A_199, %swap3A_200] {strides = array<i32>} : memref<5x128xi32, #tpu.memory_space<vmem>>, vector<1x16xi32>,
    %swap3A_202 = vector.shape_cast %swap3A_201 : vector<1x16xi32> to vector<16xi32>
    %swap3A_203 = vector.shape_cast %add3A_197 : vector<16xi32> to vector<1x16xi32>
    tpu.vector_store %arg6[%swap3A_199, %swap3A_200], %swap3A_203 {strides = array<i32>} : memref<5x128xi32, #tpu.memory_space<vmem>>, vector<1x16xi32>,
    %get3A_204 = arith.constant 2 : i32
    %get3A_205 = arith.index_cast %get3A_204 : i32 to index
    %get3A_206 = arith.constant 16 : index
    %get3A_207 = tpu.vector_load %arg5[%get3A_205, %get3A_206] {strides = array<i32>} : memref<5x128xi32, #tpu.memory_space<vmem>>, vector<1x16xi32>,
    %get3A_208 = vector.shape_cast %get3A_207 : vector<1x16xi32> to vector<16xi32>
    %add3A_209 = arith.addi %get3A_208, %broadcast_in_dim3A_1 : vector<16xi32>
    %swap3A_210 = arith.constant 2 : i32
    %swap3A_211 = arith.index_cast %swap3A_210 : i32 to index
    %swap3A_212 = arith.constant 16 : index
    %swap3A_213 = tpu.vector_load %arg6[%swap3A_211, %swap3A_212] {strides = array<i32>} : memref<5x128xi32, #tpu.memory_space<vmem>>, vector<1x16xi32>,
    %swap3A_214 = vector.shape_cast %swap3A_213 : vector<1x16xi32> to vector<16xi32>
    %swap3A_215 = vector.shape_cast %add3A_209 : vector<16xi32> to vector<1x16xi32>
    tpu.vector_store %arg6[%swap3A_211, %swap3A_212], %swap3A_215 {strides = array<i32>} : memref<5x128xi32, #tpu.memory_space<vmem>>, vector<1x16xi32>,
    %get3A_216 = arith.constant 2 : i32
    %get3A_217 = arith.index_cast %get3A_216 : i32 to index
    %get3A_218 = arith.constant 32 : index
    %get3A_219 = tpu.vector_load %arg5[%get3A_217, %get3A_218] {strides = array<i32>} : memref<5x128xi32, #tpu.memory_space<vmem>>, vector<1x16xi32>,
    %get3A_220 = vector.shape_cast %get3A_219 : vector<1x16xi32> to vector<16xi32>
    %add3A_221 = arith.addi %get3A_220, %broadcast_in_dim3A_1 : vector<16xi32>
    %swap3A_222 = arith.constant 2 : i32
    %swap3A_223 = arith.index_cast %swap3A_222 : i32 to index
    %swap3A_224 = arith.constant 32 : index
    %swap3A_225 = tpu.vector_load %arg6[%swap3A_223, %swap3A_224] {strides = array<i32>} : memref<5x128xi32, #tpu.memory_space<vmem>>, vector<1x16xi32>,
    %swap3A_226 = vector.shape_cast %swap3A_225 : vector<1x16xi32> to vector<16xi32>
    %swap3A_227 = vector.shape_cast %add3A_221 : vector<16xi32> to vector<1x16xi32>
    tpu.vector_store %arg6[%swap3A_223, %swap3A_224], %swap3A_227 {strides = array<i32>} : memref<5x128xi32, #tpu.memory_space<vmem>>, vector<1x16xi32>,
    %get3A_228 = arith.constant 2 : i32
    %get3A_229 = arith.index_cast %get3A_228 : i32 to index
    %get3A_230 = arith.constant 48 : index
    %get3A_231 = tpu.vector_load %arg5[%get3A_229, %get3A_230] {strides = array<i32>} : memref<5x128xi32, #tpu.memory_space<vmem>>, vector<1x16xi32>,
    %get3A_232 = vector.shape_cast %get3A_231 : vector<1x16xi32> to vector<16xi32>
    %add3A_233 = arith.addi %get3A_232, %broadcast_in_dim3A_1 : vector<16xi32>
    %swap3A_234 = arith.constant 2 : i32
    %swap3A_235 = arith.index_cast %swap3A_234 : i32 to index
    %swap3A_236 = arith.constant 48 : index
    %swap3A_237 = tpu.vector_load %arg6[%swap3A_235, %swap3A_236] {strides = array<i32>} : memref<5x128xi32, #tpu.memory_space<vmem>>, vector<1x16xi32>,
    %swap3A_238 = vector.shape_cast %swap3A_237 : vector<1x16xi32> to vector<16xi32>
    %swap3A_239 = vector.shape_cast %add3A_233 : vector<16xi32> to vector<1x16xi32>
    tpu.vector_store %arg6[%swap3A_235, %swap3A_236], %swap3A_239 {strides = array<i32>} : memref<5x128xi32, #tpu.memory_space<vmem>>, vector<1x16xi32>,
    %get3A_240 = arith.constant 2 : i32
    %get3A_241 = arith.index_cast %get3A_240 : i32 to index
    %get3A_242 = arith.constant 64 : index
    %get3A_243 = tpu.vector_load %arg5[%get3A_241, %get3A_242] {strides = array<i32>} : memref<5x128xi32, #tpu.memory_space<vmem>>, vector<1x16xi32>,
    %get3A_244 = vector.shape_cast %get3A_243 : vector<1x16xi32> to vector<16xi32>
    %add3A_245 = arith.addi %get3A_244, %broadcast_in_dim3A_1 : vector<16xi32>
    %swap3A_246 = arith.constant 2 : i32
    %swap3A_247 = arith.index_cast %swap3A_246 : i32 to index
    %swap3A_248 = arith.constant 64 : index
    %swap3A_249 = tpu.vector_load %arg6[%swap3A_247, %swap3A_248] {strides = array<i32>} : memref<5x128xi32, #tpu.memory_space<vmem>>, vector<1x16xi32>,
    %swap3A_250 = vector.shape_cast %swap3A_249 : vector<1x16xi32> to vector<16xi32>
    %swap3A_251 = vector.shape_cast %add3A_245 : vector<16xi32> to vector<1x16xi32>
    tpu.vector_store %arg6[%swap3A_247, %swap3A_248], %swap3A_251 {strides = array<i32>} : memref<5x128xi32, #tpu.memory_space<vmem>>, vector<1x16xi32>,
    %get3A_252 = arith.constant 2 : i32
    %get3A_253 = arith.index_cast %get3A_252 : i32 to index
    %get3A_254 = arith.constant 80 : index
    %get3A_255 = tpu.vector_load %arg5[%get3A_253, %get3A_254] {strides = array<i32>} : memref<5x128xi32, #tpu.memory_space<vmem>>, vector<1x16xi32>,
    %get3A_256 = vector.shape_cast %get3A_255 : vector<1x16xi32> to vector<16xi32>
    %add3A_257 = arith.addi %get3A_256, %broadcast_in_dim3A_1 : vector<16xi32>
    %swap3A_258 = arith.constant 2 : i32
    %swap3A_259 = arith.index_cast %swap3A_258 : i32 to index
    %swap3A_260 = arith.constant 80 : index
    %swap3A_261 = tpu.vector_load %arg6[%swap3A_259, %swap3A_260] {strides = array<i32>} : memref<5x128xi32, #tpu.memory_space<vmem>>, vector<1x16xi32>,
    %swap3A_262 = vector.shape_cast %swap3A_261 : vector<1x16xi32> to vector<16xi32>
    %swap3A_263 = vector.shape_cast %add3A_257 : vector<16xi32> to vector<1x16xi32>
    tpu.vector_store %arg6[%swap3A_259, %swap3A_260], %swap3A_263 {strides = array<i32>} : memref<5x128xi32, #tpu.memory_space<vmem>>, vector<1x16xi32>,
    %get3A_264 = arith.constant 2 : i32
    %get3A_265 = arith.index_cast %get3A_264 : i32 to index
    %get3A_266 = arith.constant 96 : index
    %get3A_267 = tpu.vector_load %arg5[%get3A_265, %get3A_266] {strides = array<i32>} : memref<5x128xi32, #tpu.memory_space<vmem>>, vector<1x16xi32>,
    %get3A_268 = vector.shape_cast %get3A_267 : vector<1x16xi32> to vector<16xi32>
    %add3A_269 = arith.addi %get3A_268, %broadcast_in_dim3A_1 : vector<16xi32>
    %swap3A_270 = arith.constant 2 : i32
    %swap3A_271 = arith.index_cast %swap3A_270 : i32 to index
    %swap3A_272 = arith.constant 96 : index
    %swap3A_273 = tpu.vector_load %arg6[%swap3A_271, %swap3A_272] {strides = array<i32>} : memref<5x128xi32, #tpu.memory_space<vmem>>, vector<1x16xi32>,
    %swap3A_274 = vector.shape_cast %swap3A_273 : vector<1x16xi32> to vector<16xi32>
    %swap3A_275 = vector.shape_cast %add3A_269 : vector<16xi32> to vector<1x16xi32>
    tpu.vector_store %arg6[%swap3A_271, %swap3A_272], %swap3A_275 {strides = array<i32>} : memref<5x128xi32, #tpu.memory_space<vmem>>, vector<1x16xi32>,
    %get3A_276 = arith.constant 2 : i32
    %get3A_277 = arith.index_cast %get3A_276 : i32 to index
    %get3A_278 = arith.constant 112 : index
    %get3A_279 = tpu.vector_load %arg5[%get3A_277, %get3A_278] {strides = array<i32>} : memref<5x128xi32, #tpu.memory_space<vmem>>, vector<1x16xi32>,
    %get3A_280 = vector.shape_cast %get3A_279 : vector<1x16xi32> to vector<16xi32>
    %add3A_281 = arith.addi %get3A_280, %broadcast_in_dim3A_1 : vector<16xi32>
    %swap3A_282 = arith.constant 2 : i32
    %swap3A_283 = arith.index_cast %swap3A_282 : i32 to index
    %swap3A_284 = arith.constant 112 : index
    %swap3A_285 = tpu.vector_load %arg6[%swap3A_283, %swap3A_284] {strides = array<i32>} : memref<5x128xi32, #tpu.memory_space<vmem>>, vector<1x16xi32>,
    %swap3A_286 = vector.shape_cast %swap3A_285 : vector<1x16xi32> to vector<16xi32>
    %swap3A_287 = vector.shape_cast %add3A_281 : vector<16xi32> to vector<1x16xi32>
    tpu.vector_store %arg6[%swap3A_283, %swap3A_284], %swap3A_287 {strides = array<i32>} : memref<5x128xi32, #tpu.memory_space<vmem>>, vector<1x16xi32>,
    %get3A_288 = arith.constant 3 : i32
    %get3A_289 = arith.index_cast %get3A_288 : i32 to index
    %get3A_290 = arith.constant 0 : index
    %get3A_291 = tpu.vector_load %arg5[%get3A_289, %get3A_290] {strides = array<i32>} : memref<5x128xi32, #tpu.memory_space<vmem>>, vector<1x16xi32>,
    %get3A_292 = vector.shape_cast %get3A_291 : vector<1x16xi32> to vector<16xi32>
    %add3A_293 = arith.addi %get3A_292, %broadcast_in_dim3A_1 : vector<16xi32>
    %swap3A_294 = arith.constant 3 : i32
    %swap3A_295 = arith.index_cast %swap3A_294 : i32 to index
    %swap3A_296 = arith.constant 0 : index
    %swap3A_297 = tpu.vector_load %arg6[%swap3A_295, %swap3A_296] {strides = array<i32>} : memref<5x128xi32, #tpu.memory_space<vmem>>, vector<1x16xi32>,
    %swap3A_298 = vector.shape_cast %swap3A_297 : vector<1x16xi32> to vector<16xi32>
    %swap3A_299 = vector.shape_cast %add3A_293 : vector<16xi32> to vector<1x16xi32>
    tpu.vector_store %arg6[%swap3A_295, %swap3A_296], %swap3A_299 {strides = array<i32>} : memref<5x128xi32, #tpu.memory_space<vmem>>, vector<1x16xi32>,
    %get3A_300 = arith.constant 3 : i32
    %get3A_301 = arith.index_cast %get3A_300 : i32 to index
    %get3A_302 = arith.constant 16 : index
    %get3A_303 = tpu.vector_load %arg5[%get3A_301, %get3A_302] {strides = array<i32>} : memref<5x128xi32, #tpu.memory_space<vmem>>, vector<1x16xi32>,
    %get3A_304 = vector.shape_cast %get3A_303 : vector<1x16xi32> to vector<16xi32>
    %add3A_305 = arith.addi %get3A_304, %broadcast_in_dim3A_1 : vector<16xi32>
    %swap3A_306 = arith.constant 3 : i32
    %swap3A_307 = arith.index_cast %swap3A_306 : i32 to index
    %swap3A_308 = arith.constant 16 : index
    %swap3A_309 = tpu.vector_load %arg6[%swap3A_307, %swap3A_308] {strides = array<i32>} : memref<5x128xi32, #tpu.memory_space<vmem>>, vector<1x16xi32>,
    %swap3A_310 = vector.shape_cast %swap3A_309 : vector<1x16xi32> to vector<16xi32>
    %swap3A_311 = vector.shape_cast %add3A_305 : vector<16xi32> to vector<1x16xi32>
    tpu.vector_store %arg6[%swap3A_307, %swap3A_308], %swap3A_311 {strides = array<i32>} : memref<5x128xi32, #tpu.memory_space<vmem>>, vector<1x16xi32>,
    %get3A_312 = arith.constant 3 : i32
    %get3A_313 = arith.index_cast %get3A_312 : i32 to index
    %get3A_314 = arith.constant 32 : index
    %get3A_315 = tpu.vector_load %arg5[%get3A_313, %get3A_314] {strides = array<i32>} : memref<5x128xi32, #tpu.memory_space<vmem>>, vector<1x16xi32>,
    %get3A_316 = vector.shape_cast %get3A_315 : vector<1x16xi32> to vector<16xi32>
    %add3A_317 = arith.addi %get3A_316, %broadcast_in_dim3A_1 : vector<16xi32>
    %swap3A_318 = arith.constant 3 : i32
    %swap3A_319 = arith.index_cast %swap3A_318 : i32 to index
    %swap3A_320 = arith.constant 32 : index
    %swap3A_321 = tpu.vector_load %arg6[%swap3A_319, %swap3A_320] {strides = array<i32>} : memref<5x128xi32, #tpu.memory_space<vmem>>, vector<1x16xi32>,
    %swap3A_322 = vector.shape_cast %swap3A_321 : vector<1x16xi32> to vector<16xi32>
    %swap3A_323 = vector.shape_cast %add3A_317 : vector<16xi32> to vector<1x16xi32>
    tpu.vector_store %arg6[%swap3A_319, %swap3A_320], %swap3A_323 {strides = array<i32>} : memref<5x128xi32, #tpu.memory_space<vmem>>, vector<1x16xi32>,
    %get3A_324 = arith.constant 3 : i32
    %get3A_325 = arith.index_cast %get3A_324 : i32 to index
    %get3A_326 = arith.constant 48 : index
    %get3A_327 = tpu.vector_load %arg5[%get3A_325, %get3A_326] {strides = array<i32>} : memref<5x128xi32, #tpu.memory_space<vmem>>, vector<1x16xi32>,
    %get3A_328 = vector.shape_cast %get3A_327 : vector<1x16xi32> to vector<16xi32>
    %add3A_329 = arith.addi %get3A_328, %broadcast_in_dim3A_1 : vector<16xi32>
    %swap3A_330 = arith.constant 3 : i32
    %swap3A_331 = arith.index_cast %swap3A_330 : i32 to index
    %swap3A_332 = arith.constant 48 : index
    %swap3A_333 = tpu.vector_load %arg6[%swap3A_331, %swap3A_332] {strides = array<i32>} : memref<5x128xi32, #tpu.memory_space<vmem>>, vector<1x16xi32>,
    %swap3A_334 = vector.shape_cast %swap3A_333 : vector<1x16xi32> to vector<16xi32>
    %swap3A_335 = vector.shape_cast %add3A_329 : vector<16xi32> to vector<1x16xi32>
    tpu.vector_store %arg6[%swap3A_331, %swap3A_332], %swap3A_335 {strides = array<i32>} : memref<5x128xi32, #tpu.memory_space<vmem>>, vector<1x16xi32>,
    %get3A_336 = arith.constant 3 : i32
    %get3A_337 = arith.index_cast %get3A_336 : i32 to index
    %get3A_338 = arith.constant 64 : index
    %get3A_339 = tpu.vector_load %arg5[%get3A_337, %get3A_338] {strides = array<i32>} : memref<5x128xi32, #tpu.memory_space<vmem>>, vector<1x16xi32>,
    %get3A_340 = vector.shape_cast %get3A_339 : vector<1x16xi32> to vector<16xi32>
    %add3A_341 = arith.addi %get3A_340, %broadcast_in_dim3A_1 : vector<16xi32>
    %swap3A_342 = arith.constant 3 : i32
    %swap3A_343 = arith.index_cast %swap3A_342 : i32 to index
    %swap3A_344 = arith.constant 64 : index
    %swap3A_345 = tpu.vector_load %arg6[%swap3A_343, %swap3A_344] {strides = array<i32>} : memref<5x128xi32, #tpu.memory_space<vmem>>, vector<1x16xi32>,
    %swap3A_346 = vector.shape_cast %swap3A_345 : vector<1x16xi32> to vector<16xi32>
    %swap3A_347 = vector.shape_cast %add3A_341 : vector<16xi32> to vector<1x16xi32>
    tpu.vector_store %arg6[%swap3A_343, %swap3A_344], %swap3A_347 {strides = array<i32>} : memref<5x128xi32, #tpu.memory_space<vmem>>, vector<1x16xi32>,
    %get3A_348 = arith.constant 3 : i32
    %get3A_349 = arith.index_cast %get3A_348 : i32 to index
    %get3A_350 = arith.constant 80 : index
    %get3A_351 = tpu.vector_load %arg5[%get3A_349, %get3A_350] {strides = array<i32>} : memref<5x128xi32, #tpu.memory_space<vmem>>, vector<1x16xi32>,
    %get3A_352 = vector.shape_cast %get3A_351 : vector<1x16xi32> to vector<16xi32>
    %add3A_353 = arith.addi %get3A_352, %broadcast_in_dim3A_1 : vector<16xi32>
    %swap3A_354 = arith.constant 3 : i32
    %swap3A_355 = arith.index_cast %swap3A_354 : i32 to index
    %swap3A_356 = arith.constant 80 : index
    %swap3A_357 = tpu.vector_load %arg6[%swap3A_355, %swap3A_356] {strides = array<i32>} : memref<5x128xi32, #tpu.memory_space<vmem>>, vector<1x16xi32>,
    %swap3A_358 = vector.shape_cast %swap3A_357 : vector<1x16xi32> to vector<16xi32>
    %swap3A_359 = vector.shape_cast %add3A_353 : vector<16xi32> to vector<1x16xi32>
    tpu.vector_store %arg6[%swap3A_355, %swap3A_356], %swap3A_359 {strides = array<i32>} : memref<5x128xi32, #tpu.memory_space<vmem>>, vector<1x16xi32>,
    %get3A_360 = arith.constant 3 : i32
    %get3A_361 = arith.index_cast %get3A_360 : i32 to index
    %get3A_362 = arith.constant 96 : index
    %get3A_363 = tpu.vector_load %arg5[%get3A_361, %get3A_362] {strides = array<i32>} : memref<5x128xi32, #tpu.memory_space<vmem>>, vector<1x16xi32>,
    %get3A_364 = vector.shape_cast %get3A_363 : vector<1x16xi32> to vector<16xi32>
    %add3A_365 = arith.addi %get3A_364, %broadcast_in_dim3A_1 : vector<16xi32>
    %swap3A_366 = arith.constant 3 : i32
    %swap3A_367 = arith.index_cast %swap3A_366 : i32 to index
    %swap3A_368 = arith.constant 96 : index
    %swap3A_369 = tpu.vector_load %arg6[%swap3A_367, %swap3A_368] {strides = array<i32>} : memref<5x128xi32, #tpu.memory_space<vmem>>, vector<1x16xi32>,
    %swap3A_370 = vector.shape_cast %swap3A_369 : vector<1x16xi32> to vector<16xi32>
    %swap3A_371 = vector.shape_cast %add3A_365 : vector<16xi32> to vector<1x16xi32>
    tpu.vector_store %arg6[%swap3A_367, %swap3A_368], %swap3A_371 {strides = array<i32>} : memref<5x128xi32, #tpu.memory_space<vmem>>, vector<1x16xi32>,
    %get3A_372 = arith.constant 3 : i32
    %get3A_373 = arith.index_cast %get3A_372 : i32 to index
    %get3A_374 = arith.constant 112 : index
    %get3A_375 = tpu.vector_load %arg5[%get3A_373, %get3A_374] {strides = array<i32>} : memref<5x128xi32, #tpu.memory_space<vmem>>, vector<1x16xi32>,
    %get3A_376 = vector.shape_cast %get3A_375 : vector<1x16xi32> to vector<16xi32>
    %add3A_377 = arith.addi %get3A_376, %broadcast_in_dim3A_1 : vector<16xi32>
    %swap3A_378 = arith.constant 3 : i32
    %swap3A_379 = arith.index_cast %swap3A_378 : i32 to index
    %swap3A_380 = arith.constant 112 : index
    %swap3A_381 = tpu.vector_load %arg6[%swap3A_379, %swap3A_380] {strides = array<i32>} : memref<5x128xi32, #tpu.memory_space<vmem>>, vector<1x16xi32>,
    %swap3A_382 = vector.shape_cast %swap3A_381 : vector<1x16xi32> to vector<16xi32>
    %swap3A_383 = vector.shape_cast %add3A_377 : vector<16xi32> to vector<1x16xi32>
    tpu.vector_store %arg6[%swap3A_379, %swap3A_380], %swap3A_383 {strides = array<i32>} : memref<5x128xi32, #tpu.memory_space<vmem>>, vector<1x16xi32>,
    %get3A_384 = arith.constant 4 : i32
    %get3A_385 = arith.index_cast %get3A_384 : i32 to index
    %get3A_386 = arith.constant 0 : index
    %get3A_387 = tpu.vector_load %arg5[%get3A_385, %get3A_386] {strides = array<i32>} : memref<5x128xi32, #tpu.memory_space<vmem>>, vector<1x16xi32>,
    %get3A_388 = vector.shape_cast %get3A_387 : vector<1x16xi32> to vector<16xi32>
    %add3A_389 = arith.addi %get3A_388, %broadcast_in_dim3A_1 : vector<16xi32>
    %swap3A_390 = arith.constant 4 : i32
    %swap3A_391 = arith.index_cast %swap3A_390 : i32 to index
    %swap3A_392 = arith.constant 0 : index
    %swap3A_393 = tpu.vector_load %arg6[%swap3A_391, %swap3A_392] {strides = array<i32>} : memref<5x128xi32, #tpu.memory_space<vmem>>, vector<1x16xi32>,
    %swap3A_394 = vector.shape_cast %swap3A_393 : vector<1x16xi32> to vector<16xi32>
    %swap3A_395 = vector.shape_cast %add3A_389 : vector<16xi32> to vector<1x16xi32>
    tpu.vector_store %arg6[%swap3A_391, %swap3A_392], %swap3A_395 {strides = array<i32>} : memref<5x128xi32, #tpu.memory_space<vmem>>, vector<1x16xi32>,
    %get3A_396 = arith.constant 4 : i32
    %get3A_397 = arith.index_cast %get3A_396 : i32 to index
    %get3A_398 = arith.constant 16 : index
    %get3A_399 = tpu.vector_load %arg5[%get3A_397, %get3A_398] {strides = array<i32>} : memref<5x128xi32, #tpu.memory_space<vmem>>, vector<1x16xi32>,
    %get3A_400 = vector.shape_cast %get3A_399 : vector<1x16xi32> to vector<16xi32>
    %add3A_401 = arith.addi %get3A_400, %broadcast_in_dim3A_1 : vector<16xi32>
    %swap3A_402 = arith.constant 4 : i32
    %swap3A_403 = arith.index_cast %swap3A_402 : i32 to index
    %swap3A_404 = arith.constant 16 : index
    %swap3A_405 = tpu.vector_load %arg6[%swap3A_403, %swap3A_404] {strides = array<i32>} : memref<5x128xi32, #tpu.memory_space<vmem>>, vector<1x16xi32>,
    %swap3A_406 = vector.shape_cast %swap3A_405 : vector<1x16xi32> to vector<16xi32>
    %swap3A_407 = vector.shape_cast %add3A_401 : vector<16xi32> to vector<1x16xi32>
    tpu.vector_store %arg6[%swap3A_403, %swap3A_404], %swap3A_407 {strides = array<i32>} : memref<5x128xi32, #tpu.memory_space<vmem>>, vector<1x16xi32>,
    %get3A_408 = arith.constant 4 : i32
    %get3A_409 = arith.index_cast %get3A_408 : i32 to index
    %get3A_410 = arith.constant 32 : index
    %get3A_411 = tpu.vector_load %arg5[%get3A_409, %get3A_410] {strides = array<i32>} : memref<5x128xi32, #tpu.memory_space<vmem>>, vector<1x16xi32>,
    %get3A_412 = vector.shape_cast %get3A_411 : vector<1x16xi32> to vector<16xi32>
    %add3A_413 = arith.addi %get3A_412, %broadcast_in_dim3A_1 : vector<16xi32>
    %swap3A_414 = arith.constant 4 : i32
    %swap3A_415 = arith.index_cast %swap3A_414 : i32 to index
    %swap3A_416 = arith.constant 32 : index
    %swap3A_417 = tpu.vector_load %arg6[%swap3A_415, %swap3A_416] {strides = array<i32>} : memref<5x128xi32, #tpu.memory_space<vmem>>, vector<1x16xi32>,
    %swap3A_418 = vector.shape_cast %swap3A_417 : vector<1x16xi32> to vector<16xi32>
    %swap3A_419 = vector.shape_cast %add3A_413 : vector<16xi32> to vector<1x16xi32>
    tpu.vector_store %arg6[%swap3A_415, %swap3A_416], %swap3A_419 {strides = array<i32>} : memref<5x128xi32, #tpu.memory_space<vmem>>, vector<1x16xi32>,
    %get3A_420 = arith.constant 4 : i32
    %get3A_421 = arith.index_cast %get3A_420 : i32 to index
    %get3A_422 = arith.constant 48 : index
    %get3A_423 = tpu.vector_load %arg5[%get3A_421, %get3A_422] {strides = array<i32>} : memref<5x128xi32, #tpu.memory_space<vmem>>, vector<1x16xi32>,
    %get3A_424 = vector.shape_cast %get3A_423 : vector<1x16xi32> to vector<16xi32>
    %add3A_425 = arith.addi %get3A_424, %broadcast_in_dim3A_1 : vector<16xi32>
    %swap3A_426 = arith.constant 4 : i32
    %swap3A_427 = arith.index_cast %swap3A_426 : i32 to index
    %swap3A_428 = arith.constant 48 : index
    %swap3A_429 = tpu.vector_load %arg6[%swap3A_427, %swap3A_428] {strides = array<i32>} : memref<5x128xi32, #tpu.memory_space<vmem>>, vector<1x16xi32>,
    %swap3A_430 = vector.shape_cast %swap3A_429 : vector<1x16xi32> to vector<16xi32>
    %swap3A_431 = vector.shape_cast %add3A_425 : vector<16xi32> to vector<1x16xi32>
    tpu.vector_store %arg6[%swap3A_427, %swap3A_428], %swap3A_431 {strides = array<i32>} : memref<5x128xi32, #tpu.memory_space<vmem>>, vector<1x16xi32>,
    %get3A_432 = arith.constant 4 : i32
    %get3A_433 = arith.index_cast %get3A_432 : i32 to index
    %get3A_434 = arith.constant 64 : index
    %get3A_435 = tpu.vector_load %arg5[%get3A_433, %get3A_434] {strides = array<i32>} : memref<5x128xi32, #tpu.memory_space<vmem>>, vector<1x16xi32>,
    %get3A_436 = vector.shape_cast %get3A_435 : vector<1x16xi32> to vector<16xi32>
    %add3A_437 = arith.addi %get3A_436, %broadcast_in_dim3A_1 : vector<16xi32>
    %swap3A_438 = arith.constant 4 : i32
    %swap3A_439 = arith.index_cast %swap3A_438 : i32 to index
    %swap3A_440 = arith.constant 64 : index
    %swap3A_441 = tpu.vector_load %arg6[%swap3A_439, %swap3A_440] {strides = array<i32>} : memref<5x128xi32, #tpu.memory_space<vmem>>, vector<1x16xi32>,
    %swap3A_442 = vector.shape_cast %swap3A_441 : vector<1x16xi32> to vector<16xi32>
    %swap3A_443 = vector.shape_cast %add3A_437 : vector<16xi32> to vector<1x16xi32>
    tpu.vector_store %arg6[%swap3A_439, %swap3A_440], %swap3A_443 {strides = array<i32>} : memref<5x128xi32, #tpu.memory_space<vmem>>, vector<1x16xi32>,
    %get3A_444 = arith.constant 4 : i32
    %get3A_445 = arith.index_cast %get3A_444 : i32 to index
    %get3A_446 = arith.constant 80 : index
    %get3A_447 = tpu.vector_load %arg5[%get3A_445, %get3A_446] {strides = array<i32>} : memref<5x128xi32, #tpu.memory_space<vmem>>, vector<1x16xi32>,
    %get3A_448 = vector.shape_cast %get3A_447 : vector<1x16xi32> to vector<16xi32>
    %add3A_449 = arith.addi %get3A_448, %broadcast_in_dim3A_1 : vector<16xi32>
    %swap3A_450 = arith.constant 4 : i32
    %swap3A_451 = arith.index_cast %swap3A_450 : i32 to index
    %swap3A_452 = arith.constant 80 : index
    %swap3A_453 = tpu.vector_load %arg6[%swap3A_451, %swap3A_452] {strides = array<i32>} : memref<5x128xi32, #tpu.memory_space<vmem>>, vector<1x16xi32>,
    %swap3A_454 = vector.shape_cast %swap3A_453 : vector<1x16xi32> to vector<16xi32>
    %swap3A_455 = vector.shape_cast %add3A_449 : vector<16xi32> to vector<1x16xi32>
    tpu.vector_store %arg6[%swap3A_451, %swap3A_452], %swap3A_455 {strides = array<i32>} : memref<5x128xi32, #tpu.memory_space<vmem>>, vector<1x16xi32>,
    %get3A_456 = arith.constant 4 : i32
    %get3A_457 = arith.index_cast %get3A_456 : i32 to index
    %get3A_458 = arith.constant 96 : index
    %get3A_459 = tpu.vector_load %arg5[%get3A_457, %get3A_458] {strides = array<i32>} : memref<5x128xi32, #tpu.memory_space<vmem>>, vector<1x16xi32>,
    %get3A_460 = vector.shape_cast %get3A_459 : vector<1x16xi32> to vector<16xi32>
    %add3A_461 = arith.addi %get3A_460, %broadcast_in_dim3A_1 : vector<16xi32>
    %swap3A_462 = arith.constant 4 : i32
    %swap3A_463 = arith.index_cast %swap3A_462 : i32 to index
    %swap3A_464 = arith.constant 96 : index
    %swap3A_465 = tpu.vector_load %arg6[%swap3A_463, %swap3A_464] {strides = array<i32>} : memref<5x128xi32, #tpu.memory_space<vmem>>, vector<1x16xi32>,
    %swap3A_466 = vector.shape_cast %swap3A_465 : vector<1x16xi32> to vector<16xi32>
    %swap3A_467 = vector.shape_cast %add3A_461 : vector<16xi32> to vector<1x16xi32>
    tpu.vector_store %arg6[%swap3A_463, %swap3A_464], %swap3A_467 {strides = array<i32>} : memref<5x128xi32, #tpu.memory_space<vmem>>, vector<1x16xi32>,
    %get3A_468 = arith.constant 4 : i32
    %get3A_469 = arith.index_cast %get3A_468 : i32 to index
    %get3A_470 = arith.constant 112 : index
    %get3A_471 = tpu.vector_load %arg5[%get3A_469, %get3A_470] {strides = array<i32>} : memref<5x128xi32, #tpu.memory_space<vmem>>, vector<1x16xi32>,
    %get3A_472 = vector.shape_cast %get3A_471 : vector<1x16xi32> to vector<16xi32>
    %add3A_473 = arith.addi %get3A_472, %broadcast_in_dim3A_1 : vector<16xi32>
    %swap3A_474 = arith.constant 4 : i32
    %swap3A_475 = arith.index_cast %swap3A_474 : i32 to index
    %swap3A_476 = arith.constant 112 : index
    %swap3A_477 = tpu.vector_load %arg6[%swap3A_475, %swap3A_476] {strides = array<i32>} : memref<5x128xi32, #tpu.memory_space<vmem>>, vector<1x16xi32>,
    %swap3A_478 = vector.shape_cast %swap3A_477 : vector<1x16xi32> to vector<16xi32>
    %swap3A_479 = vector.shape_cast %add3A_473 : vector<16xi32> to vector<1x16xi32>
    tpu.vector_store %arg6[%swap3A_475, %swap3A_476], %swap3A_479 {strides = array<i32>} : memref<5x128xi32, #tpu.memory_space<vmem>>, vector<1x16xi32>,
    %broadcast_in_dim3A_480 = arith.constant 67200 : i32
    %broadcast_in_dim3A_481 = vector.broadcast %broadcast_in_dim3A_480 : i32 to vector<16xi32>
    %get3A_482 = arith.constant 0 : i32
    %get3A_483 = arith.index_cast %get3A_482 : i32 to index
    %get3A_484 = arith.constant 0 : index
    %get3A_485 = tpu.vector_load %arg5[%get3A_483, %get3A_484] {strides = array<i32>} : memref<5x128xi32, #tpu.memory_space<vmem>>, vector<1x16xi32>,
    %get3A_486 = vector.shape_cast %get3A_485 : vector<1x16xi32> to vector<16xi32>
    %add3A_487 = arith.addi %get3A_486, %broadcast_in_dim3A_481 : vector<16xi32>
    %swap3A_488 = arith.constant 0 : i32
    %swap3A_489 = arith.index_cast %swap3A_488 : i32 to index
    %swap3A_490 = arith.constant 0 : index
    %swap3A_491 = tpu.vector_load %arg7[%swap3A_489, %swap3A_490] {strides = array<i32>} : memref<5x128xi32, #tpu.memory_space<vmem>>, vector<1x16xi32>,
    %swap3A_492 = vector.shape_cast %swap3A_491 : vector<1x16xi32> to vector<16xi32>
    %swap3A_493 = vector.shape_cast %add3A_487 : vector<16xi32> to vector<1x16xi32>
    tpu.vector_store %arg7[%swap3A_489, %swap3A_490], %swap3A_493 {strides = array<i32>} : memref<5x128xi32, #tpu.memory_space<vmem>>, vector<1x16xi32>,
    %get3A_494 = arith.constant 0 : i32
    %get3A_495 = arith.index_cast %get3A_494 : i32 to index
    %get3A_496 = arith.constant 16 : index
    %get3A_497 = tpu.vector_load %arg5[%get3A_495, %get3A_496] {strides = array<i32>} : memref<5x128xi32, #tpu.memory_space<vmem>>, vector<1x16xi32>,
    %get3A_498 = vector.shape_cast %get3A_497 : vector<1x16xi32> to vector<16xi32>
    %add3A_499 = arith.addi %get3A_498, %broadcast_in_dim3A_481 : vector<16xi32>
    %swap3A_500 = arith.constant 0 : i32
    %swap3A_501 = arith.index_cast %swap3A_500 : i32 to index
    %swap3A_502 = arith.constant 16 : index
    %swap3A_503 = tpu.vector_load %arg7[%swap3A_501, %swap3A_502] {strides = array<i32>} : memref<5x128xi32, #tpu.memory_space<vmem>>, vector<1x16xi32>,
    %swap3A_504 = vector.shape_cast %swap3A_503 : vector<1x16xi32> to vector<16xi32>
    %swap3A_505 = vector.shape_cast %add3A_499 : vector<16xi32> to vector<1x16xi32>
    tpu.vector_store %arg7[%swap3A_501, %swap3A_502], %swap3A_505 {strides = array<i32>} : memref<5x128xi32, #tpu.memory_space<vmem>>, vector<1x16xi32>,
    %get3A_506 = arith.constant 0 : i32
    %get3A_507 = arith.index_cast %get3A_506 : i32 to index
    %get3A_508 = arith.constant 32 : index
    %get3A_509 = tpu.vector_load %arg5[%get3A_507, %get3A_508] {strides = array<i32>} : memref<5x128xi32, #tpu.memory_space<vmem>>, vector<1x16xi32>,
    %get3A_510 = vector.shape_cast %get3A_509 : vector<1x16xi32> to vector<16xi32>
    %add3A_511 = arith.addi %get3A_510, %broadcast_in_dim3A_481 : vector<16xi32>
    %swap3A_512 = arith.constant 0 : i32
    %swap3A_513 = arith.index_cast %swap3A_512 : i32 to index
    %swap3A_514 = arith.constant 32 : index
    %swap3A_515 = tpu.vector_load %arg7[%swap3A_513, %swap3A_514] {strides = array<i32>} : memref<5x128xi32, #tpu.memory_space<vmem>>, vector<1x16xi32>,
    %swap3A_516 = vector.shape_cast %swap3A_515 : vector<1x16xi32> to vector<16xi32>
    %swap3A_517 = vector.shape_cast %add3A_511 : vector<16xi32> to vector<1x16xi32>
    tpu.vector_store %arg7[%swap3A_513, %swap3A_514], %swap3A_517 {strides = array<i32>} : memref<5x128xi32, #tpu.memory_space<vmem>>, vector<1x16xi32>,
    %get3A_518 = arith.constant 0 : i32
    %get3A_519 = arith.index_cast %get3A_518 : i32 to index
    %get3A_520 = arith.constant 48 : index
    %get3A_521 = tpu.vector_load %arg5[%get3A_519, %get3A_520] {strides = array<i32>} : memref<5x128xi32, #tpu.memory_space<vmem>>, vector<1x16xi32>,
    %get3A_522 = vector.shape_cast %get3A_521 : vector<1x16xi32> to vector<16xi32>
    %add3A_523 = arith.addi %get3A_522, %broadcast_in_dim3A_481 : vector<16xi32>
    %swap3A_524 = arith.constant 0 : i32
    %swap3A_525 = arith.index_cast %swap3A_524 : i32 to index
    %swap3A_526 = arith.constant 48 : index
    %swap3A_527 = tpu.vector_load %arg7[%swap3A_525, %swap3A_526] {strides = array<i32>} : memref<5x128xi32, #tpu.memory_space<vmem>>, vector<1x16xi32>,
    %swap3A_528 = vector.shape_cast %swap3A_527 : vector<1x16xi32> to vector<16xi32>
    %swap3A_529 = vector.shape_cast %add3A_523 : vector<16xi32> to vector<1x16xi32>
    tpu.vector_store %arg7[%swap3A_525, %swap3A_526], %swap3A_529 {strides = array<i32>} : memref<5x128xi32, #tpu.memory_space<vmem>>, vector<1x16xi32>,
    %get3A_530 = arith.constant 0 : i32
    %get3A_531 = arith.index_cast %get3A_530 : i32 to index
    %get3A_532 = arith.constant 64 : index
    %get3A_533 = tpu.vector_load %arg5[%get3A_531, %get3A_532] {strides = array<i32>} : memref<5x128xi32, #tpu.memory_space<vmem>>, vector<1x16xi32>,
    %get3A_534 = vector.shape_cast %get3A_533 : vector<1x16xi32> to vector<16xi32>
    %add3A_535 = arith.addi %get3A_534, %broadcast_in_dim3A_481 : vector<16xi32>
    %swap3A_536 = arith.constant 0 : i32
    %swap3A_537 = arith.index_cast %swap3A_536 : i32 to index
    %swap3A_538 = arith.constant 64 : index
    %swap3A_539 = tpu.vector_load %arg7[%swap3A_537, %swap3A_538] {strides = array<i32>} : memref<5x128xi32, #tpu.memory_space<vmem>>, vector<1x16xi32>,
    %swap3A_540 = vector.shape_cast %swap3A_539 : vector<1x16xi32> to vector<16xi32>
    %swap3A_541 = vector.shape_cast %add3A_535 : vector<16xi32> to vector<1x16xi32>
    tpu.vector_store %arg7[%swap3A_537, %swap3A_538], %swap3A_541 {strides = array<i32>} : memref<5x128xi32, #tpu.memory_space<vmem>>, vector<1x16xi32>,
    %get3A_542 = arith.constant 0 : i32
    %get3A_543 = arith.index_cast %get3A_542 : i32 to index
    %get3A_544 = arith.constant 80 : index
    %get3A_545 = tpu.vector_load %arg5[%get3A_543, %get3A_544] {strides = array<i32>} : memref<5x128xi32, #tpu.memory_space<vmem>>, vector<1x16xi32>,
    %get3A_546 = vector.shape_cast %get3A_545 : vector<1x16xi32> to vector<16xi32>
    %add3A_547 = arith.addi %get3A_546, %broadcast_in_dim3A_481 : vector<16xi32>
    %swap3A_548 = arith.constant 0 : i32
    %swap3A_549 = arith.index_cast %swap3A_548 : i32 to index
    %swap3A_550 = arith.constant 80 : index
    %swap3A_551 = tpu.vector_load %arg7[%swap3A_549, %swap3A_550] {strides = array<i32>} : memref<5x128xi32, #tpu.memory_space<vmem>>, vector<1x16xi32>,
    %swap3A_552 = vector.shape_cast %swap3A_551 : vector<1x16xi32> to vector<16xi32>
    %swap3A_553 = vector.shape_cast %add3A_547 : vector<16xi32> to vector<1x16xi32>
    tpu.vector_store %arg7[%swap3A_549, %swap3A_550], %swap3A_553 {strides = array<i32>} : memref<5x128xi32, #tpu.memory_space<vmem>>, vector<1x16xi32>,
    %get3A_554 = arith.constant 0 : i32
    %get3A_555 = arith.index_cast %get3A_554 : i32 to index
    %get3A_556 = arith.constant 96 : index
    %get3A_557 = tpu.vector_load %arg5[%get3A_555, %get3A_556] {strides = array<i32>} : memref<5x128xi32, #tpu.memory_space<vmem>>, vector<1x16xi32>,
    %get3A_558 = vector.shape_cast %get3A_557 : vector<1x16xi32> to vector<16xi32>
    %add3A_559 = arith.addi %get3A_558, %broadcast_in_dim3A_481 : vector<16xi32>
    %swap3A_560 = arith.constant 0 : i32
    %swap3A_561 = arith.index_cast %swap3A_560 : i32 to index
    %swap3A_562 = arith.constant 96 : index
    %swap3A_563 = tpu.vector_load %arg7[%swap3A_561, %swap3A_562] {strides = array<i32>} : memref<5x128xi32, #tpu.memory_space<vmem>>, vector<1x16xi32>,
    %swap3A_564 = vector.shape_cast %swap3A_563 : vector<1x16xi32> to vector<16xi32>
    %swap3A_565 = vector.shape_cast %add3A_559 : vector<16xi32> to vector<1x16xi32>
    tpu.vector_store %arg7[%swap3A_561, %swap3A_562], %swap3A_565 {strides = array<i32>} : memref<5x128xi32, #tpu.memory_space<vmem>>, vector<1x16xi32>,
    %get3A_566 = arith.constant 0 : i32
    %get3A_567 = arith.index_cast %get3A_566 : i32 to index
    %get3A_568 = arith.constant 112 : index
    %get3A_569 = tpu.vector_load %arg5[%get3A_567, %get3A_568] {strides = array<i32>} : memref<5x128xi32, #tpu.memory_space<vmem>>, vector<1x16xi32>,
    %get3A_570 = vector.shape_cast %get3A_569 : vector<1x16xi32> to vector<16xi32>
    %add3A_571 = arith.addi %get3A_570, %broadcast_in_dim3A_481 : vector<16xi32>
    %swap3A_572 = arith.constant 0 : i32
    %swap3A_573 = arith.index_cast %swap3A_572 : i32 to index
    %swap3A_574 = arith.constant 112 : index
    %swap3A_575 = tpu.vector_load %arg7[%swap3A_573, %swap3A_574] {strides = array<i32>} : memref<5x128xi32, #tpu.memory_space<vmem>>, vector<1x16xi32>,
    %swap3A_576 = vector.shape_cast %swap3A_575 : vector<1x16xi32> to vector<16xi32>
    %swap3A_577 = vector.shape_cast %add3A_571 : vector<16xi32> to vector<1x16xi32>
    tpu.vector_store %arg7[%swap3A_573, %swap3A_574], %swap3A_577 {strides = array<i32>} : memref<5x128xi32, #tpu.memory_space<vmem>>, vector<1x16xi32>,
    %get3A_578 = arith.constant 1 : i32
    %get3A_579 = arith.index_cast %get3A_578 : i32 to index
    %get3A_580 = arith.constant 0 : index
    %get3A_581 = tpu.vector_load %arg5[%get3A_579, %get3A_580] {strides = array<i32>} : memref<5x128xi32, #tpu.memory_space<vmem>>, vector<1x16xi32>,
    %get3A_582 = vector.shape_cast %get3A_581 : vector<1x16xi32> to vector<16xi32>
    %add3A_583 = arith.addi %get3A_582, %broadcast_in_dim3A_481 : vector<16xi32>
    %swap3A_584 = arith.constant 1 : i32
    %swap3A_585 = arith.index_cast %swap3A_584 : i32 to index
    %swap3A_586 = arith.constant 0 : index
    %swap3A_587 = tpu.vector_load %arg7[%swap3A_585, %swap3A_586] {strides = array<i32>} : memref<5x128xi32, #tpu.memory_space<vmem>>, vector<1x16xi32>,
    %swap3A_588 = vector.shape_cast %swap3A_587 : vector<1x16xi32> to vector<16xi32>
    %swap3A_589 = vector.shape_cast %add3A_583 : vector<16xi32> to vector<1x16xi32>
    tpu.vector_store %arg7[%swap3A_585, %swap3A_586], %swap3A_589 {strides = array<i32>} : memref<5x128xi32, #tpu.memory_space<vmem>>, vector<1x16xi32>,
    %get3A_590 = arith.constant 1 : i32
    %get3A_591 = arith.index_cast %get3A_590 : i32 to index
    %get3A_592 = arith.constant 16 : index
    %get3A_593 = tpu.vector_load %arg5[%get3A_591, %get3A_592] {strides = array<i32>} : memref<5x128xi32, #tpu.memory_space<vmem>>, vector<1x16xi32>,
    %get3A_594 = vector.shape_cast %get3A_593 : vector<1x16xi32> to vector<16xi32>
    %add3A_595 = arith.addi %get3A_594, %broadcast_in_dim3A_481 : vector<16xi32>
    %swap3A_596 = arith.constant 1 : i32
    %swap3A_597 = arith.index_cast %swap3A_596 : i32 to index
    %swap3A_598 = arith.constant 16 : index
    %swap3A_599 = tpu.vector_load %arg7[%swap3A_597, %swap3A_598] {strides = array<i32>} : memref<5x128xi32, #tpu.memory_space<vmem>>, vector<1x16xi32>,
    %swap3A_600 = vector.shape_cast %swap3A_599 : vector<1x16xi32> to vector<16xi32>
    %swap3A_601 = vector.shape_cast %add3A_595 : vector<16xi32> to vector<1x16xi32>
    tpu.vector_store %arg7[%swap3A_597, %swap3A_598], %swap3A_601 {strides = array<i32>} : memref<5x128xi32, #tpu.memory_space<vmem>>, vector<1x16xi32>,
    %get3A_602 = arith.constant 1 : i32
    %get3A_603 = arith.index_cast %get3A_602 : i32 to index
    %get3A_604 = arith.constant 32 : index
    %get3A_605 = tpu.vector_load %arg5[%get3A_603, %get3A_604] {strides = array<i32>} : memref<5x128xi32, #tpu.memory_space<vmem>>, vector<1x16xi32>,
    %get3A_606 = vector.shape_cast %get3A_605 : vector<1x16xi32> to vector<16xi32>
    %add3A_607 = arith.addi %get3A_606, %broadcast_in_dim3A_481 : vector<16xi32>
    %swap3A_608 = arith.constant 1 : i32
    %swap3A_609 = arith.index_cast %swap3A_608 : i32 to index
    %swap3A_610 = arith.constant 32 : index
    %swap3A_611 = tpu.vector_load %arg7[%swap3A_609, %swap3A_610] {strides = array<i32>} : memref<5x128xi32, #tpu.memory_space<vmem>>, vector<1x16xi32>,
    %swap3A_612 = vector.shape_cast %swap3A_611 : vector<1x16xi32> to vector<16xi32>
    %swap3A_613 = vector.shape_cast %add3A_607 : vector<16xi32> to vector<1x16xi32>
    tpu.vector_store %arg7[%swap3A_609, %swap3A_610], %swap3A_613 {strides = array<i32>} : memref<5x128xi32, #tpu.memory_space<vmem>>, vector<1x16xi32>,
    %get3A_614 = arith.constant 1 : i32
    %get3A_615 = arith.index_cast %get3A_614 : i32 to index
    %get3A_616 = arith.constant 48 : index
    %get3A_617 = tpu.vector_load %arg5[%get3A_615, %get3A_616] {strides = array<i32>} : memref<5x128xi32, #tpu.memory_space<vmem>>, vector<1x16xi32>,
    %get3A_618 = vector.shape_cast %get3A_617 : vector<1x16xi32> to vector<16xi32>
    %add3A_619 = arith.addi %get3A_618, %broadcast_in_dim3A_481 : vector<16xi32>
    %swap3A_620 = arith.constant 1 : i32
    %swap3A_621 = arith.index_cast %swap3A_620 : i32 to index
    %swap3A_622 = arith.constant 48 : index
    %swap3A_623 = tpu.vector_load %arg7[%swap3A_621, %swap3A_622] {strides = array<i32>} : memref<5x128xi32, #tpu.memory_space<vmem>>, vector<1x16xi32>,
    %swap3A_624 = vector.shape_cast %swap3A_623 : vector<1x16xi32> to vector<16xi32>
    %swap3A_625 = vector.shape_cast %add3A_619 : vector<16xi32> to vector<1x16xi32>
    tpu.vector_store %arg7[%swap3A_621, %swap3A_622], %swap3A_625 {strides = array<i32>} : memref<5x128xi32, #tpu.memory_space<vmem>>, vector<1x16xi32>,
    %get3A_626 = arith.constant 1 : i32
    %get3A_627 = arith.index_cast %get3A_626 : i32 to index
    %get3A_628 = arith.constant 64 : index
    %get3A_629 = tpu.vector_load %arg5[%get3A_627, %get3A_628] {strides = array<i32>} : memref<5x128xi32, #tpu.memory_space<vmem>>, vector<1x16xi32>,
    %get3A_630 = vector.shape_cast %get3A_629 : vector<1x16xi32> to vector<16xi32>
    %add3A_631 = arith.addi %get3A_630, %broadcast_in_dim3A_481 : vector<16xi32>
    %swap3A_632 = arith.constant 1 : i32
    %swap3A_633 = arith.index_cast %swap3A_632 : i32 to index
    %swap3A_634 = arith.constant 64 : index
    %swap3A_635 = tpu.vector_load %arg7[%swap3A_633, %swap3A_634] {strides = array<i32>} : memref<5x128xi32, #tpu.memory_space<vmem>>, vector<1x16xi32>,
    %swap3A_636 = vector.shape_cast %swap3A_635 : vector<1x16xi32> to vector<16xi32>
    %swap3A_637 = vector.shape_cast %add3A_631 : vector<16xi32> to vector<1x16xi32>
    tpu.vector_store %arg7[%swap3A_633, %swap3A_634], %swap3A_637 {strides = array<i32>} : memref<5x128xi32, #tpu.memory_space<vmem>>, vector<1x16xi32>,
    %get3A_638 = arith.constant 1 : i32
    %get3A_639 = arith.index_cast %get3A_638 : i32 to index
    %get3A_640 = arith.constant 80 : index
    %get3A_641 = tpu.vector_load %arg5[%get3A_639, %get3A_640] {strides = array<i32>} : memref<5x128xi32, #tpu.memory_space<vmem>>, vector<1x16xi32>,
    %get3A_642 = vector.shape_cast %get3A_641 : vector<1x16xi32> to vector<16xi32>
    %add3A_643 = arith.addi %get3A_642, %broadcast_in_dim3A_481 : vector<16xi32>
    %swap3A_644 = arith.constant 1 : i32
    %swap3A_645 = arith.index_cast %swap3A_644 : i32 to index
    %swap3A_646 = arith.constant 80 : index
    %swap3A_647 = tpu.vector_load %arg7[%swap3A_645, %swap3A_646] {strides = array<i32>} : memref<5x128xi32, #tpu.memory_space<vmem>>, vector<1x16xi32>,
    %swap3A_648 = vector.shape_cast %swap3A_647 : vector<1x16xi32> to vector<16xi32>
    %swap3A_649 = vector.shape_cast %add3A_643 : vector<16xi32> to vector<1x16xi32>
    tpu.vector_store %arg7[%swap3A_645, %swap3A_646], %swap3A_649 {strides = array<i32>} : memref<5x128xi32, #tpu.memory_space<vmem>>, vector<1x16xi32>,
    %get3A_650 = arith.constant 1 : i32
    %get3A_651 = arith.index_cast %get3A_650 : i32 to index
    %get3A_652 = arith.constant 96 : index
    %get3A_653 = tpu.vector_load %arg5[%get3A_651, %get3A_652] {strides = array<i32>} : memref<5x128xi32, #tpu.memory_space<vmem>>, vector<1x16xi32>,
    %get3A_654 = vector.shape_cast %get3A_653 : vector<1x16xi32> to vector<16xi32>
    %add3A_655 = arith.addi %get3A_654, %broadcast_in_dim3A_481 : vector<16xi32>
    %swap3A_656 = arith.constant 1 : i32
    %swap3A_657 = arith.index_cast %swap3A_656 : i32 to index
    %swap3A_658 = arith.constant 96 : index
    %swap3A_659 = tpu.vector_load %arg7[%swap3A_657, %swap3A_658] {strides = array<i32>} : memref<5x128xi32, #tpu.memory_space<vmem>>, vector<1x16xi32>,
    %swap3A_660 = vector.shape_cast %swap3A_659 : vector<1x16xi32> to vector<16xi32>
    %swap3A_661 = vector.shape_cast %add3A_655 : vector<16xi32> to vector<1x16xi32>
    tpu.vector_store %arg7[%swap3A_657, %swap3A_658], %swap3A_661 {strides = array<i32>} : memref<5x128xi32, #tpu.memory_space<vmem>>, vector<1x16xi32>,
    %get3A_662 = arith.constant 1 : i32
    %get3A_663 = arith.index_cast %get3A_662 : i32 to index
    %get3A_664 = arith.constant 112 : index
    %get3A_665 = tpu.vector_load %arg5[%get3A_663, %get3A_664] {strides = array<i32>} : memref<5x128xi32, #tpu.memory_space<vmem>>, vector<1x16xi32>,
    %get3A_666 = vector.shape_cast %get3A_665 : vector<1x16xi32> to vector<16xi32>
    %add3A_667 = arith.addi %get3A_666, %broadcast_in_dim3A_481 : vector<16xi32>
    %swap3A_668 = arith.constant 1 : i32
    %swap3A_669 = arith.index_cast %swap3A_668 : i32 to index
    %swap3A_670 = arith.constant 112 : index
    %swap3A_671 = tpu.vector_load %arg7[%swap3A_669, %swap3A_670] {strides = array<i32>} : memref<5x128xi32, #tpu.memory_space<vmem>>, vector<1x16xi32>,
    %swap3A_672 = vector.shape_cast %swap3A_671 : vector<1x16xi32> to vector<16xi32>
    %swap3A_673 = vector.shape_cast %add3A_667 : vector<16xi32> to vector<1x16xi32>
    tpu.vector_store %arg7[%swap3A_669, %swap3A_670], %swap3A_673 {strides = array<i32>} : memref<5x128xi32, #tpu.memory_space<vmem>>, vector<1x16xi32>,
    %get3A_674 = arith.constant 2 : i32
    %get3A_675 = arith.index_cast %get3A_674 : i32 to index
    %get3A_676 = arith.constant 0 : index
    %get3A_677 = tpu.vector_load %arg5[%get3A_675, %get3A_676] {strides = array<i32>} : memref<5x128xi32, #tpu.memory_space<vmem>>, vector<1x16xi32>,
    %get3A_678 = vector.shape_cast %get3A_677 : vector<1x16xi32> to vector<16xi32>
    %add3A_679 = arith.addi %get3A_678, %broadcast_in_dim3A_481 : vector<16xi32>
    %swap3A_680 = arith.constant 2 : i32
    %swap3A_681 = arith.index_cast %swap3A_680 : i32 to index
    %swap3A_682 = arith.constant 0 : index
    %swap3A_683 = tpu.vector_load %arg7[%swap3A_681, %swap3A_682] {strides = array<i32>} : memref<5x128xi32, #tpu.memory_space<vmem>>, vector<1x16xi32>,
    %swap3A_684 = vector.shape_cast %swap3A_683 : vector<1x16xi32> to vector<16xi32>
    %swap3A_685 = vector.shape_cast %add3A_679 : vector<16xi32> to vector<1x16xi32>
    tpu.vector_store %arg7[%swap3A_681, %swap3A_682], %swap3A_685 {strides = array<i32>} : memref<5x128xi32, #tpu.memory_space<vmem>>, vector<1x16xi32>,
    %get3A_686 = arith.constant 2 : i32
    %get3A_687 = arith.index_cast %get3A_686 : i32 to index
    %get3A_688 = arith.constant 16 : index
    %get3A_689 = tpu.vector_load %arg5[%get3A_687, %get3A_688] {strides = array<i32>} : memref<5x128xi32, #tpu.memory_space<vmem>>, vector<1x16xi32>,
    %get3A_690 = vector.shape_cast %get3A_689 : vector<1x16xi32> to vector<16xi32>
    %add3A_691 = arith.addi %get3A_690, %broadcast_in_dim3A_481 : vector<16xi32>
    %swap3A_692 = arith.constant 2 : i32
    %swap3A_693 = arith.index_cast %swap3A_692 : i32 to index
    %swap3A_694 = arith.constant 16 : index
    %swap3A_695 = tpu.vector_load %arg7[%swap3A_693, %swap3A_694] {strides = array<i32>} : memref<5x128xi32, #tpu.memory_space<vmem>>, vector<1x16xi32>,
    %swap3A_696 = vector.shape_cast %swap3A_695 : vector<1x16xi32> to vector<16xi32>
    %swap3A_697 = vector.shape_cast %add3A_691 : vector<16xi32> to vector<1x16xi32>
    tpu.vector_store %arg7[%swap3A_693, %swap3A_694], %swap3A_697 {strides = array<i32>} : memref<5x128xi32, #tpu.memory_space<vmem>>, vector<1x16xi32>,
    %get3A_698 = arith.constant 2 : i32
    %get3A_699 = arith.index_cast %get3A_698 : i32 to index
    %get3A_700 = arith.constant 32 : index
    %get3A_701 = tpu.vector_load %arg5[%get3A_699, %get3A_700] {strides = array<i32>} : memref<5x128xi32, #tpu.memory_space<vmem>>, vector<1x16xi32>,
    %get3A_702 = vector.shape_cast %get3A_701 : vector<1x16xi32> to vector<16xi32>
    %add3A_703 = arith.addi %get3A_702, %broadcast_in_dim3A_481 : vector<16xi32>
    %swap3A_704 = arith.constant 2 : i32
    %swap3A_705 = arith.index_cast %swap3A_704 : i32 to index
    %swap3A_706 = arith.constant 32 : index
    %swap3A_707 = tpu.vector_load %arg7[%swap3A_705, %swap3A_706] {strides = array<i32>} : memref<5x128xi32, #tpu.memory_space<vmem>>, vector<1x16xi32>,
    %swap3A_708 = vector.shape_cast %swap3A_707 : vector<1x16xi32> to vector<16xi32>
    %swap3A_709 = vector.shape_cast %add3A_703 : vector<16xi32> to vector<1x16xi32>
    tpu.vector_store %arg7[%swap3A_705, %swap3A_706], %swap3A_709 {strides = array<i32>} : memref<5x128xi32, #tpu.memory_space<vmem>>, vector<1x16xi32>,
    %get3A_710 = arith.constant 2 : i32
    %get3A_711 = arith.index_cast %get3A_710 : i32 to index
    %get3A_712 = arith.constant 48 : index
    %get3A_713 = tpu.vector_load %arg5[%get3A_711, %get3A_712] {strides = array<i32>} : memref<5x128xi32, #tpu.memory_space<vmem>>, vector<1x16xi32>,
    %get3A_714 = vector.shape_cast %get3A_713 : vector<1x16xi32> to vector<16xi32>
    %add3A_715 = arith.addi %get3A_714, %broadcast_in_dim3A_481 : vector<16xi32>
    %swap3A_716 = arith.constant 2 : i32
    %swap3A_717 = arith.index_cast %swap3A_716 : i32 to index
    %swap3A_718 = arith.constant 48 : index
    %swap3A_719 = tpu.vector_load %arg7[%swap3A_717, %swap3A_718] {strides = array<i32>} : memref<5x128xi32, #tpu.memory_space<vmem>>, vector<1x16xi32>,
    %swap3A_720 = vector.shape_cast %swap3A_719 : vector<1x16xi32> to vector<16xi32>
    %swap3A_721 = vector.shape_cast %add3A_715 : vector<16xi32> to vector<1x16xi32>
    tpu.vector_store %arg7[%swap3A_717, %swap3A_718], %swap3A_721 {strides = array<i32>} : memref<5x128xi32, #tpu.memory_space<vmem>>, vector<1x16xi32>,
    %get3A_722 = arith.constant 2 : i32
    %get3A_723 = arith.index_cast %get3A_722 : i32 to index
    %get3A_724 = arith.constant 64 : index
    %get3A_725 = tpu.vector_load %arg5[%get3A_723, %get3A_724] {strides = array<i32>} : memref<5x128xi32, #tpu.memory_space<vmem>>, vector<1x16xi32>,
    %get3A_726 = vector.shape_cast %get3A_725 : vector<1x16xi32> to vector<16xi32>
    %add3A_727 = arith.addi %get3A_726, %broadcast_in_dim3A_481 : vector<16xi32>
    %swap3A_728 = arith.constant 2 : i32
    %swap3A_729 = arith.index_cast %swap3A_728 : i32 to index
    %swap3A_730 = arith.constant 64 : index
    %swap3A_731 = tpu.vector_load %arg7[%swap3A_729, %swap3A_730] {strides = array<i32>} : memref<5x128xi32, #tpu.memory_space<vmem>>, vector<1x16xi32>,
    %swap3A_732 = vector.shape_cast %swap3A_731 : vector<1x16xi32> to vector<16xi32>
    %swap3A_733 = vector.shape_cast %add3A_727 : vector<16xi32> to vector<1x16xi32>
    tpu.vector_store %arg7[%swap3A_729, %swap3A_730], %swap3A_733 {strides = array<i32>} : memref<5x128xi32, #tpu.memory_space<vmem>>, vector<1x16xi32>,
    %get3A_734 = arith.constant 2 : i32
    %get3A_735 = arith.index_cast %get3A_734 : i32 to index
    %get3A_736 = arith.constant 80 : index
    %get3A_737 = tpu.vector_load %arg5[%get3A_735, %get3A_736] {strides = array<i32>} : memref<5x128xi32, #tpu.memory_space<vmem>>, vector<1x16xi32>,
    %get3A_738 = vector.shape_cast %get3A_737 : vector<1x16xi32> to vector<16xi32>
    %add3A_739 = arith.addi %get3A_738, %broadcast_in_dim3A_481 : vector<16xi32>
    %swap3A_740 = arith.constant 2 : i32
    %swap3A_741 = arith.index_cast %swap3A_740 : i32 to index
    %swap3A_742 = arith.constant 80 : index
    %swap3A_743 = tpu.vector_load %arg7[%swap3A_741, %swap3A_742] {strides = array<i32>} : memref<5x128xi32, #tpu.memory_space<vmem>>, vector<1x16xi32>,
    %swap3A_744 = vector.shape_cast %swap3A_743 : vector<1x16xi32> to vector<16xi32>
    %swap3A_745 = vector.shape_cast %add3A_739 : vector<16xi32> to vector<1x16xi32>
    tpu.vector_store %arg7[%swap3A_741, %swap3A_742], %swap3A_745 {strides = array<i32>} : memref<5x128xi32, #tpu.memory_space<vmem>>, vector<1x16xi32>,
    %get3A_746 = arith.constant 2 : i32
    %get3A_747 = arith.index_cast %get3A_746 : i32 to index
    %get3A_748 = arith.constant 96 : index
    %get3A_749 = tpu.vector_load %arg5[%get3A_747, %get3A_748] {strides = array<i32>} : memref<5x128xi32, #tpu.memory_space<vmem>>, vector<1x16xi32>,
    %get3A_750 = vector.shape_cast %get3A_749 : vector<1x16xi32> to vector<16xi32>
    %add3A_751 = arith.addi %get3A_750, %broadcast_in_dim3A_481 : vector<16xi32>
    %swap3A_752 = arith.constant 2 : i32
    %swap3A_753 = arith.index_cast %swap3A_752 : i32 to index
    %swap3A_754 = arith.constant 96 : index
    %swap3A_755 = tpu.vector_load %arg7[%swap3A_753, %swap3A_754] {strides = array<i32>} : memref<5x128xi32, #tpu.memory_space<vmem>>, vector<1x16xi32>,
    %swap3A_756 = vector.shape_cast %swap3A_755 : vector<1x16xi32> to vector<16xi32>
    %swap3A_757 = vector.shape_cast %add3A_751 : vector<16xi32> to vector<1x16xi32>
    tpu.vector_store %arg7[%swap3A_753, %swap3A_754], %swap3A_757 {strides = array<i32>} : memref<5x128xi32, #tpu.memory_space<vmem>>, vector<1x16xi32>,
    %get3A_758 = arith.constant 2 : i32
    %get3A_759 = arith.index_cast %get3A_758 : i32 to index
    %get3A_760 = arith.constant 112 : index
    %get3A_761 = tpu.vector_load %arg5[%get3A_759, %get3A_760] {strides = array<i32>} : memref<5x128xi32, #tpu.memory_space<vmem>>, vector<1x16xi32>,
    %get3A_762 = vector.shape_cast %get3A_761 : vector<1x16xi32> to vector<16xi32>
    %add3A_763 = arith.addi %get3A_762, %broadcast_in_dim3A_481 : vector<16xi32>
    %swap3A_764 = arith.constant 2 : i32
    %swap3A_765 = arith.index_cast %swap3A_764 : i32 to index
    %swap3A_766 = arith.constant 112 : index
    %swap3A_767 = tpu.vector_load %arg7[%swap3A_765, %swap3A_766] {strides = array<i32>} : memref<5x128xi32, #tpu.memory_space<vmem>>, vector<1x16xi32>,
    %swap3A_768 = vector.shape_cast %swap3A_767 : vector<1x16xi32> to vector<16xi32>
    %swap3A_769 = vector.shape_cast %add3A_763 : vector<16xi32> to vector<1x16xi32>
    tpu.vector_store %arg7[%swap3A_765, %swap3A_766], %swap3A_769 {strides = array<i32>} : memref<5x128xi32, #tpu.memory_space<vmem>>, vector<1x16xi32>,
    %get3A_770 = arith.constant 3 : i32
    %get3A_771 = arith.index_cast %get3A_770 : i32 to index
    %get3A_772 = arith.constant 0 : index
    %get3A_773 = tpu.vector_load %arg5[%get3A_771, %get3A_772] {strides = array<i32>} : memref<5x128xi32, #tpu.memory_space<vmem>>, vector<1x16xi32>,
    %get3A_774 = vector.shape_cast %get3A_773 : vector<1x16xi32> to vector<16xi32>
    %add3A_775 = arith.addi %get3A_774, %broadcast_in_dim3A_481 : vector<16xi32>
    %swap3A_776 = arith.constant 3 : i32
    %swap3A_777 = arith.index_cast %swap3A_776 : i32 to index
    %swap3A_778 = arith.constant 0 : index
    %swap3A_779 = tpu.vector_load %arg7[%swap3A_777, %swap3A_778] {strides = array<i32>} : memref<5x128xi32, #tpu.memory_space<vmem>>, vector<1x16xi32>,
    %swap3A_780 = vector.shape_cast %swap3A_779 : vector<1x16xi32> to vector<16xi32>
    %swap3A_781 = vector.shape_cast %add3A_775 : vector<16xi32> to vector<1x16xi32>
    tpu.vector_store %arg7[%swap3A_777, %swap3A_778], %swap3A_781 {strides = array<i32>} : memref<5x128xi32, #tpu.memory_space<vmem>>, vector<1x16xi32>,
    %get3A_782 = arith.constant 3 : i32
    %get3A_783 = arith.index_cast %get3A_782 : i32 to index
    %get3A_784 = arith.constant 16 : index
    %get3A_785 = tpu.vector_load %arg5[%get3A_783, %get3A_784] {strides = array<i32>} : memref<5x128xi32, #tpu.memory_space<vmem>>, vector<1x16xi32>,
    %get3A_786 = vector.shape_cast %get3A_785 : vector<1x16xi32> to vector<16xi32>
    %add3A_787 = arith.addi %get3A_786, %broadcast_in_dim3A_481 : vector<16xi32>
    %swap3A_788 = arith.constant 3 : i32
    %swap3A_789 = arith.index_cast %swap3A_788 : i32 to index
    %swap3A_790 = arith.constant 16 : index
    %swap3A_791 = tpu.vector_load %arg7[%swap3A_789, %swap3A_790] {strides = array<i32>} : memref<5x128xi32, #tpu.memory_space<vmem>>, vector<1x16xi32>,
    %swap3A_792 = vector.shape_cast %swap3A_791 : vector<1x16xi32> to vector<16xi32>
    %swap3A_793 = vector.shape_cast %add3A_787 : vector<16xi32> to vector<1x16xi32>
    tpu.vector_store %arg7[%swap3A_789, %swap3A_790], %swap3A_793 {strides = array<i32>} : memref<5x128xi32, #tpu.memory_space<vmem>>, vector<1x16xi32>,
    %get3A_794 = arith.constant 3 : i32
    %get3A_795 = arith.index_cast %get3A_794 : i32 to index
    %get3A_796 = arith.constant 32 : index
    %get3A_797 = tpu.vector_load %arg5[%get3A_795, %get3A_796] {strides = array<i32>} : memref<5x128xi32, #tpu.memory_space<vmem>>, vector<1x16xi32>,
    %get3A_798 = vector.shape_cast %get3A_797 : vector<1x16xi32> to vector<16xi32>
    %add3A_799 = arith.addi %get3A_798, %broadcast_in_dim3A_481 : vector<16xi32>
    %swap3A_800 = arith.constant 3 : i32
    %swap3A_801 = arith.index_cast %swap3A_800 : i32 to index
    %swap3A_802 = arith.constant 32 : index
    %swap3A_803 = tpu.vector_load %arg7[%swap3A_801, %swap3A_802] {strides = array<i32>} : memref<5x128xi32, #tpu.memory_space<vmem>>, vector<1x16xi32>,
    %swap3A_804 = vector.shape_cast %swap3A_803 : vector<1x16xi32> to vector<16xi32>
    %swap3A_805 = vector.shape_cast %add3A_799 : vector<16xi32> to vector<1x16xi32>
    tpu.vector_store %arg7[%swap3A_801, %swap3A_802], %swap3A_805 {strides = array<i32>} : memref<5x128xi32, #tpu.memory_space<vmem>>, vector<1x16xi32>,
    %get3A_806 = arith.constant 3 : i32
    %get3A_807 = arith.index_cast %get3A_806 : i32 to index
    %get3A_808 = arith.constant 48 : index
    %get3A_809 = tpu.vector_load %arg5[%get3A_807, %get3A_808] {strides = array<i32>} : memref<5x128xi32, #tpu.memory_space<vmem>>, vector<1x16xi32>,
    %get3A_810 = vector.shape_cast %get3A_809 : vector<1x16xi32> to vector<16xi32>
    %add3A_811 = arith.addi %get3A_810, %broadcast_in_dim3A_481 : vector<16xi32>
    %swap3A_812 = arith.constant 3 : i32
    %swap3A_813 = arith.index_cast %swap3A_812 : i32 to index
    %swap3A_814 = arith.constant 48 : index
    %swap3A_815 = tpu.vector_load %arg7[%swap3A_813, %swap3A_814] {strides = array<i32>} : memref<5x128xi32, #tpu.memory_space<vmem>>, vector<1x16xi32>,
    %swap3A_816 = vector.shape_cast %swap3A_815 : vector<1x16xi32> to vector<16xi32>
    %swap3A_817 = vector.shape_cast %add3A_811 : vector<16xi32> to vector<1x16xi32>
    tpu.vector_store %arg7[%swap3A_813, %swap3A_814], %swap3A_817 {strides = array<i32>} : memref<5x128xi32, #tpu.memory_space<vmem>>, vector<1x16xi32>,
    %get3A_818 = arith.constant 3 : i32
    %get3A_819 = arith.index_cast %get3A_818 : i32 to index
    %get3A_820 = arith.constant 64 : index
    %get3A_821 = tpu.vector_load %arg5[%get3A_819, %get3A_820] {strides = array<i32>} : memref<5x128xi32, #tpu.memory_space<vmem>>, vector<1x16xi32>,
    %get3A_822 = vector.shape_cast %get3A_821 : vector<1x16xi32> to vector<16xi32>
    %add3A_823 = arith.addi %get3A_822, %broadcast_in_dim3A_481 : vector<16xi32>
    %swap3A_824 = arith.constant 3 : i32
    %swap3A_825 = arith.index_cast %swap3A_824 : i32 to index
    %swap3A_826 = arith.constant 64 : index
    %swap3A_827 = tpu.vector_load %arg7[%swap3A_825, %swap3A_826] {strides = array<i32>} : memref<5x128xi32, #tpu.memory_space<vmem>>, vector<1x16xi32>,
    %swap3A_828 = vector.shape_cast %swap3A_827 : vector<1x16xi32> to vector<16xi32>
    %swap3A_829 = vector.shape_cast %add3A_823 : vector<16xi32> to vector<1x16xi32>
    tpu.vector_store %arg7[%swap3A_825, %swap3A_826], %swap3A_829 {strides = array<i32>} : memref<5x128xi32, #tpu.memory_space<vmem>>, vector<1x16xi32>,
    %get3A_830 = arith.constant 3 : i32
    %get3A_831 = arith.index_cast %get3A_830 : i32 to index
    %get3A_832 = arith.constant 80 : index
    %get3A_833 = tpu.vector_load %arg5[%get3A_831, %get3A_832] {strides = array<i32>} : memref<5x128xi32, #tpu.memory_space<vmem>>, vector<1x16xi32>,
    %get3A_834 = vector.shape_cast %get3A_833 : vector<1x16xi32> to vector<16xi32>
    %add3A_835 = arith.addi %get3A_834, %broadcast_in_dim3A_481 : vector<16xi32>
    %swap3A_836 = arith.constant 3 : i32
    %swap3A_837 = arith.index_cast %swap3A_836 : i32 to index
    %swap3A_838 = arith.constant 80 : index
    %swap3A_839 = tpu.vector_load %arg7[%swap3A_837, %swap3A_838] {strides = array<i32>} : memref<5x128xi32, #tpu.memory_space<vmem>>, vector<1x16xi32>,
    %swap3A_840 = vector.shape_cast %swap3A_839 : vector<1x16xi32> to vector<16xi32>
    %swap3A_841 = vector.shape_cast %add3A_835 : vector<16xi32> to vector<1x16xi32>
    tpu.vector_store %arg7[%swap3A_837, %swap3A_838], %swap3A_841 {strides = array<i32>} : memref<5x128xi32, #tpu.memory_space<vmem>>, vector<1x16xi32>,
    %get3A_842 = arith.constant 3 : i32
    %get3A_843 = arith.index_cast %get3A_842 : i32 to index
    %get3A_844 = arith.constant 96 : index
    %get3A_845 = tpu.vector_load %arg5[%get3A_843, %get3A_844] {strides = array<i32>} : memref<5x128xi32, #tpu.memory_space<vmem>>, vector<1x16xi32>,
    %get3A_846 = vector.shape_cast %get3A_845 : vector<1x16xi32> to vector<16xi32>
    %add3A_847 = arith.addi %get3A_846, %broadcast_in_dim3A_481 : vector<16xi32>
    %swap3A_848 = arith.constant 3 : i32
    %swap3A_849 = arith.index_cast %swap3A_848 : i32 to index
    %swap3A_850 = arith.constant 96 : index
    %swap3A_851 = tpu.vector_load %arg7[%swap3A_849, %swap3A_850] {strides = array<i32>} : memref<5x128xi32, #tpu.memory_space<vmem>>, vector<1x16xi32>,
    %swap3A_852 = vector.shape_cast %swap3A_851 : vector<1x16xi32> to vector<16xi32>
    %swap3A_853 = vector.shape_cast %add3A_847 : vector<16xi32> to vector<1x16xi32>
    tpu.vector_store %arg7[%swap3A_849, %swap3A_850], %swap3A_853 {strides = array<i32>} : memref<5x128xi32, #tpu.memory_space<vmem>>, vector<1x16xi32>,
    %get3A_854 = arith.constant 3 : i32
    %get3A_855 = arith.index_cast %get3A_854 : i32 to index
    %get3A_856 = arith.constant 112 : index
    %get3A_857 = tpu.vector_load %arg5[%get3A_855, %get3A_856] {strides = array<i32>} : memref<5x128xi32, #tpu.memory_space<vmem>>, vector<1x16xi32>,
    %get3A_858 = vector.shape_cast %get3A_857 : vector<1x16xi32> to vector<16xi32>
    %add3A_859 = arith.addi %get3A_858, %broadcast_in_dim3A_481 : vector<16xi32>
    %swap3A_860 = arith.constant 3 : i32
    %swap3A_861 = arith.index_cast %swap3A_860 : i32 to index
    %swap3A_862 = arith.constant 112 : index
    %swap3A_863 = tpu.vector_load %arg7[%swap3A_861, %swap3A_862] {strides = array<i32>} : memref<5x128xi32, #tpu.memory_space<vmem>>, vector<1x16xi32>,
    %swap3A_864 = vector.shape_cast %swap3A_863 : vector<1x16xi32> to vector<16xi32>
    %swap3A_865 = vector.shape_cast %add3A_859 : vector<16xi32> to vector<1x16xi32>
    tpu.vector_store %arg7[%swap3A_861, %swap3A_862], %swap3A_865 {strides = array<i32>} : memref<5x128xi32, #tpu.memory_space<vmem>>, vector<1x16xi32>,
    %get3A_866 = arith.constant 4 : i32
    %get3A_867 = arith.index_cast %get3A_866 : i32 to index
    %get3A_868 = arith.constant 0 : index
    %get3A_869 = tpu.vector_load %arg5[%get3A_867, %get3A_868] {strides = array<i32>} : memref<5x128xi32, #tpu.memory_space<vmem>>, vector<1x16xi32>,
    %get3A_870 = vector.shape_cast %get3A_869 : vector<1x16xi32> to vector<16xi32>
    %add3A_871 = arith.addi %get3A_870, %broadcast_in_dim3A_481 : vector<16xi32>
    %swap3A_872 = arith.constant 4 : i32
    %swap3A_873 = arith.index_cast %swap3A_872 : i32 to index
    %swap3A_874 = arith.constant 0 : index
    %swap3A_875 = tpu.vector_load %arg7[%swap3A_873, %swap3A_874] {strides = array<i32>} : memref<5x128xi32, #tpu.memory_space<vmem>>, vector<1x16xi32>,
    %swap3A_876 = vector.shape_cast %swap3A_875 : vector<1x16xi32> to vector<16xi32>
    %swap3A_877 = vector.shape_cast %add3A_871 : vector<16xi32> to vector<1x16xi32>
    tpu.vector_store %arg7[%swap3A_873, %swap3A_874], %swap3A_877 {strides = array<i32>} : memref<5x128xi32, #tpu.memory_space<vmem>>, vector<1x16xi32>,
    %get3A_878 = arith.constant 4 : i32
    %get3A_879 = arith.index_cast %get3A_878 : i32 to index
    %get3A_880 = arith.constant 16 : index
    %get3A_881 = tpu.vector_load %arg5[%get3A_879, %get3A_880] {strides = array<i32>} : memref<5x128xi32, #tpu.memory_space<vmem>>, vector<1x16xi32>,
    %get3A_882 = vector.shape_cast %get3A_881 : vector<1x16xi32> to vector<16xi32>
    %add3A_883 = arith.addi %get3A_882, %broadcast_in_dim3A_481 : vector<16xi32>
    %swap3A_884 = arith.constant 4 : i32
    %swap3A_885 = arith.index_cast %swap3A_884 : i32 to index
    %swap3A_886 = arith.constant 16 : index
    %swap3A_887 = tpu.vector_load %arg7[%swap3A_885, %swap3A_886] {strides = array<i32>} : memref<5x128xi32, #tpu.memory_space<vmem>>, vector<1x16xi32>,
    %swap3A_888 = vector.shape_cast %swap3A_887 : vector<1x16xi32> to vector<16xi32>
    %swap3A_889 = vector.shape_cast %add3A_883 : vector<16xi32> to vector<1x16xi32>
    tpu.vector_store %arg7[%swap3A_885, %swap3A_886], %swap3A_889 {strides = array<i32>} : memref<5x128xi32, #tpu.memory_space<vmem>>, vector<1x16xi32>,
    %get3A_890 = arith.constant 4 : i32
    %get3A_891 = arith.index_cast %get3A_890 : i32 to index
    %get3A_892 = arith.constant 32 : index
    %get3A_893 = tpu.vector_load %arg5[%get3A_891, %get3A_892] {strides = array<i32>} : memref<5x128xi32, #tpu.memory_space<vmem>>, vector<1x16xi32>,
    %get3A_894 = vector.shape_cast %get3A_893 : vector<1x16xi32> to vector<16xi32>
    %add3A_895 = arith.addi %get3A_894, %broadcast_in_dim3A_481 : vector<16xi32>
    %swap3A_896 = arith.constant 4 : i32
    %swap3A_897 = arith.index_cast %swap3A_896 : i32 to index
    %swap3A_898 = arith.constant 32 : index
    %swap3A_899 = tpu.vector_load %arg7[%swap3A_897, %swap3A_898] {strides = array<i32>} : memref<5x128xi32, #tpu.memory_space<vmem>>, vector<1x16xi32>,
    %swap3A_900 = vector.shape_cast %swap3A_899 : vector<1x16xi32> to vector<16xi32>
    %swap3A_901 = vector.shape_cast %add3A_895 : vector<16xi32> to vector<1x16xi32>
    tpu.vector_store %arg7[%swap3A_897, %swap3A_898], %swap3A_901 {strides = array<i32>} : memref<5x128xi32, #tpu.memory_space<vmem>>, vector<1x16xi32>,
    %get3A_902 = arith.constant 4 : i32
    %get3A_903 = arith.index_cast %get3A_902 : i32 to index
    %get3A_904 = arith.constant 48 : index
    %get3A_905 = tpu.vector_load %arg5[%get3A_903, %get3A_904] {strides = array<i32>} : memref<5x128xi32, #tpu.memory_space<vmem>>, vector<1x16xi32>,
    %get3A_906 = vector.shape_cast %get3A_905 : vector<1x16xi32> to vector<16xi32>
    %add3A_907 = arith.addi %get3A_906, %broadcast_in_dim3A_481 : vector<16xi32>
    %swap3A_908 = arith.constant 4 : i32
    %swap3A_909 = arith.index_cast %swap3A_908 : i32 to index
    %swap3A_910 = arith.constant 48 : index
    %swap3A_911 = tpu.vector_load %arg7[%swap3A_909, %swap3A_910] {strides = array<i32>} : memref<5x128xi32, #tpu.memory_space<vmem>>, vector<1x16xi32>,
    %swap3A_912 = vector.shape_cast %swap3A_911 : vector<1x16xi32> to vector<16xi32>
    %swap3A_913 = vector.shape_cast %add3A_907 : vector<16xi32> to vector<1x16xi32>
    tpu.vector_store %arg7[%swap3A_909, %swap3A_910], %swap3A_913 {strides = array<i32>} : memref<5x128xi32, #tpu.memory_space<vmem>>, vector<1x16xi32>,
    %get3A_914 = arith.constant 4 : i32
    %get3A_915 = arith.index_cast %get3A_914 : i32 to index
    %get3A_916 = arith.constant 64 : index
    %get3A_917 = tpu.vector_load %arg5[%get3A_915, %get3A_916] {strides = array<i32>} : memref<5x128xi32, #tpu.memory_space<vmem>>, vector<1x16xi32>,
    %get3A_918 = vector.shape_cast %get3A_917 : vector<1x16xi32> to vector<16xi32>
    %add3A_919 = arith.addi %get3A_918, %broadcast_in_dim3A_481 : vector<16xi32>
    %swap3A_920 = arith.constant 4 : i32
    %swap3A_921 = arith.index_cast %swap3A_920 : i32 to index
    %swap3A_922 = arith.constant 64 : index
    %swap3A_923 = tpu.vector_load %arg7[%swap3A_921, %swap3A_922] {strides = array<i32>} : memref<5x128xi32, #tpu.memory_space<vmem>>, vector<1x16xi32>,
    %swap3A_924 = vector.shape_cast %swap3A_923 : vector<1x16xi32> to vector<16xi32>
    %swap3A_925 = vector.shape_cast %add3A_919 : vector<16xi32> to vector<1x16xi32>
    tpu.vector_store %arg7[%swap3A_921, %swap3A_922], %swap3A_925 {strides = array<i32>} : memref<5x128xi32, #tpu.memory_space<vmem>>, vector<1x16xi32>,
    %get3A_926 = arith.constant 4 : i32
    %get3A_927 = arith.index_cast %get3A_926 : i32 to index
    %get3A_928 = arith.constant 80 : index
    %get3A_929 = tpu.vector_load %arg5[%get3A_927, %get3A_928] {strides = array<i32>} : memref<5x128xi32, #tpu.memory_space<vmem>>, vector<1x16xi32>,
    %get3A_930 = vector.shape_cast %get3A_929 : vector<1x16xi32> to vector<16xi32>
    %add3A_931 = arith.addi %get3A_930, %broadcast_in_dim3A_481 : vector<16xi32>
    %swap3A_932 = arith.constant 4 : i32
    %swap3A_933 = arith.index_cast %swap3A_932 : i32 to index
    %swap3A_934 = arith.constant 80 : index
    %swap3A_935 = tpu.vector_load %arg7[%swap3A_933, %swap3A_934] {strides = array<i32>} : memref<5x128xi32, #tpu.memory_space<vmem>>, vector<1x16xi32>,
    %swap3A_936 = vector.shape_cast %swap3A_935 : vector<1x16xi32> to vector<16xi32>
    %swap3A_937 = vector.shape_cast %add3A_931 : vector<16xi32> to vector<1x16xi32>
    tpu.vector_store %arg7[%swap3A_933, %swap3A_934], %swap3A_937 {strides = array<i32>} : memref<5x128xi32, #tpu.memory_space<vmem>>, vector<1x16xi32>,
    %get3A_938 = arith.constant 4 : i32
    %get3A_939 = arith.index_cast %get3A_938 : i32 to index
    %get3A_940 = arith.constant 96 : index
    %get3A_941 = tpu.vector_load %arg5[%get3A_939, %get3A_940] {strides = array<i32>} : memref<5x128xi32, #tpu.memory_space<vmem>>, vector<1x16xi32>,
    %get3A_942 = vector.shape_cast %get3A_941 : vector<1x16xi32> to vector<16xi32>
    %add3A_943 = arith.addi %get3A_942, %broadcast_in_dim3A_481 : vector<16xi32>
    %swap3A_944 = arith.constant 4 : i32
    %swap3A_945 = arith.index_cast %swap3A_944 : i32 to index
    %swap3A_946 = arith.constant 96 : index
    %swap3A_947 = tpu.vector_load %arg7[%swap3A_945, %swap3A_946] {strides = array<i32>} : memref<5x128xi32, #tpu.memory_space<vmem>>, vector<1x16xi32>,
    %swap3A_948 = vector.shape_cast %swap3A_947 : vector<1x16xi32> to vector<16xi32>
    %swap3A_949 = vector.shape_cast %add3A_943 : vector<16xi32> to vector<1x16xi32>
    tpu.vector_store %arg7[%swap3A_945, %swap3A_946], %swap3A_949 {strides = array<i32>} : memref<5x128xi32, #tpu.memory_space<vmem>>, vector<1x16xi32>,
    %get3A_950 = arith.constant 4 : i32
    %get3A_951 = arith.index_cast %get3A_950 : i32 to index
    %get3A_952 = arith.constant 112 : index
    %get3A_953 = tpu.vector_load %arg5[%get3A_951, %get3A_952] {strides = array<i32>} : memref<5x128xi32, #tpu.memory_space<vmem>>, vector<1x16xi32>,
    %get3A_954 = vector.shape_cast %get3A_953 : vector<1x16xi32> to vector<16xi32>
    %add3A_955 = arith.addi %get3A_954, %broadcast_in_dim3A_481 : vector<16xi32>
    %swap3A_956 = arith.constant 4 : i32
    %swap3A_957 = arith.index_cast %swap3A_956 : i32 to index
    %swap3A_958 = arith.constant 112 : index
    %swap3A_959 = tpu.vector_load %arg7[%swap3A_957, %swap3A_958] {strides = array<i32>} : memref<5x128xi32, #tpu.memory_space<vmem>>, vector<1x16xi32>,
    %swap3A_960 = vector.shape_cast %swap3A_959 : vector<1x16xi32> to vector<16xi32>
    %swap3A_961 = vector.shape_cast %add3A_955 : vector<16xi32> to vector<1x16xi32>
    tpu.vector_store %arg7[%swap3A_957, %swap3A_958], %swap3A_961 {strides = array<i32>} : memref<5x128xi32, #tpu.memory_space<vmem>>, vector<1x16xi32>,
    %broadcast_in_dim3A_962 = arith.constant 100800 : i32
    %broadcast_in_dim3A_963 = vector.broadcast %broadcast_in_dim3A_962 : i32 to vector<16xi32>
    %get3A_964 = arith.constant 0 : i32
    %get3A_965 = arith.index_cast %get3A_964 : i32 to index
    %get3A_966 = arith.constant 0 : index
    %get3A_967 = tpu.vector_load %arg5[%get3A_965, %get3A_966] {strides = array<i32>} : memref<5x128xi32, #tpu.memory_space<vmem>>, vector<1x16xi32>,
    %get3A_968 = vector.shape_cast %get3A_967 : vector<1x16xi32> to vector<16xi32>
    %add3A_969 = arith.addi %get3A_968, %broadcast_in_dim3A_963 : vector<16xi32>
    %swap3A_970 = arith.constant 0 : i32
    %swap3A_971 = arith.index_cast %swap3A_970 : i32 to index
    %swap3A_972 = arith.constant 0 : index
    %swap3A_973 = tpu.vector_load %arg8[%swap3A_971, %swap3A_972] {strides = array<i32>} : memref<5x128xi32, #tpu.memory_space<vmem>>, vector<1x16xi32>,
    %swap3A_974 = vector.shape_cast %swap3A_973 : vector<1x16xi32> to vector<16xi32>
    %swap3A_975 = vector.shape_cast %add3A_969 : vector<16xi32> to vector<1x16xi32>
    tpu.vector_store %arg8[%swap3A_971, %swap3A_972], %swap3A_975 {strides = array<i32>} : memref<5x128xi32, #tpu.memory_space<vmem>>, vector<1x16xi32>,
    %get3A_976 = arith.constant 0 : i32
    %get3A_977 = arith.index_cast %get3A_976 : i32 to index
    %get3A_978 = arith.constant 16 : index
    %get3A_979 = tpu.vector_load %arg5[%get3A_977, %get3A_978] {strides = array<i32>} : memref<5x128xi32, #tpu.memory_space<vmem>>, vector<1x16xi32>,
    %get3A_980 = vector.shape_cast %get3A_979 : vector<1x16xi32> to vector<16xi32>
    %add3A_981 = arith.addi %get3A_980, %broadcast_in_dim3A_963 : vector<16xi32>
    %swap3A_982 = arith.constant 0 : i32
    %swap3A_983 = arith.index_cast %swap3A_982 : i32 to index
    %swap3A_984 = arith.constant 16 : index
    %swap3A_985 = tpu.vector_load %arg8[%swap3A_983, %swap3A_984] {strides = array<i32>} : memref<5x128xi32, #tpu.memory_space<vmem>>, vector<1x16xi32>,
    %swap3A_986 = vector.shape_cast %swap3A_985 : vector<1x16xi32> to vector<16xi32>
    %swap3A_987 = vector.shape_cast %add3A_981 : vector<16xi32> to vector<1x16xi32>
    tpu.vector_store %arg8[%swap3A_983, %swap3A_984], %swap3A_987 {strides = array<i32>} : memref<5x128xi32, #tpu.memory_space<vmem>>, vector<1x16xi32>,
    %get3A_988 = arith.constant 0 : i32
    %get3A_989 = arith.index_cast %get3A_988 : i32 to index
    %get3A_990 = arith.constant 32 : index
    %get3A_991 = tpu.vector_load %arg5[%get3A_989, %get3A_990] {strides = array<i32>} : memref<5x128xi32, #tpu.memory_space<vmem>>, vector<1x16xi32>,
    %get3A_992 = vector.shape_cast %get3A_991 : vector<1x16xi32> to vector<16xi32>
    %add3A_993 = arith.addi %get3A_992, %broadcast_in_dim3A_963 : vector<16xi32>
    %swap3A_994 = arith.constant 0 : i32
    %swap3A_995 = arith.index_cast %swap3A_994 : i32 to index
    %swap3A_996 = arith.constant 32 : index
    %swap3A_997 = tpu.vector_load %arg8[%swap3A_995, %swap3A_996] {strides = array<i32>} : memref<5x128xi32, #tpu.memory_space<vmem>>, vector<1x16xi32>,
    %swap3A_998 = vector.shape_cast %swap3A_997 : vector<1x16xi32> to vector<16xi32>
    %swap3A_999 = vector.shape_cast %add3A_993 : vector<16xi32> to vector<1x16xi32>
    tpu.vector_store %arg8[%swap3A_995, %swap3A_996], %swap3A_999 {strides = array<i32>} : memref<5x128xi32, #tpu.memory_space<vmem>>, vector<1x16xi32>,
    %get3A_1000 = arith.constant 0 : i32
    %get3A_1001 = arith.index_cast %get3A_1000 : i32 to index
    %get3A_1002 = arith.constant 48 : index
    %get3A_1003 = tpu.vector_load %arg5[%get3A_1001, %get3A_1002] {strides = array<i32>} : memref<5x128xi32, #tpu.memory_space<vmem>>, vector<1x16xi32>,
    %get3A_1004 = vector.shape_cast %get3A_1003 : vector<1x16xi32> to vector<16xi32>
    %add3A_1005 = arith.addi %get3A_1004, %broadcast_in_dim3A_963 : vector<16xi32>
    %swap3A_1006 = arith.constant 0 : i32
    %swap3A_1007 = arith.index_cast %swap3A_1006 : i32 to index
    %swap3A_1008 = arith.constant 48 : index
    %swap3A_1009 = tpu.vector_load %arg8[%swap3A_1007, %swap3A_1008] {strides = array<i32>} : memref<5x128xi32, #tpu.memory_space<vmem>>, vector<1x16xi32>,
    %swap3A_1010 = vector.shape_cast %swap3A_1009 : vector<1x16xi32> to vector<16xi32>
    %swap3A_1011 = vector.shape_cast %add3A_1005 : vector<16xi32> to vector<1x16xi32>
    tpu.vector_store %arg8[%swap3A_1007, %swap3A_1008], %swap3A_1011 {strides = array<i32>} : memref<5x128xi32, #tpu.memory_space<vmem>>, vector<1x16xi32>,
    %get3A_1012 = arith.constant 0 : i32
    %get3A_1013 = arith.index_cast %get3A_1012 : i32 to index
    %get3A_1014 = arith.constant 64 : index
    %get3A_1015 = tpu.vector_load %arg5[%get3A_1013, %get3A_1014] {strides = array<i32>} : memref<5x128xi32, #tpu.memory_space<vmem>>, vector<1x16xi32>,
    %get3A_1016 = vector.shape_cast %get3A_1015 : vector<1x16xi32> to vector<16xi32>
    %add3A_1017 = arith.addi %get3A_1016, %broadcast_in_dim3A_963 : vector<16xi32>
    %swap3A_1018 = arith.constant 0 : i32
    %swap3A_1019 = arith.index_cast %swap3A_1018 : i32 to index
    %swap3A_1020 = arith.constant 64 : index
    %swap3A_1021 = tpu.vector_load %arg8[%swap3A_1019, %swap3A_1020] {strides = array<i32>} : memref<5x128xi32, #tpu.memory_space<vmem>>, vector<1x16xi32>,
    %swap3A_1022 = vector.shape_cast %swap3A_1021 : vector<1x16xi32> to vector<16xi32>
    %swap3A_1023 = vector.shape_cast %add3A_1017 : vector<16xi32> to vector<1x16xi32>
    tpu.vector_store %arg8[%swap3A_1019, %swap3A_1020], %swap3A_1023 {strides = array<i32>} : memref<5x128xi32, #tpu.memory_space<vmem>>, vector<1x16xi32>,
    %get3A_1024 = arith.constant 0 : i32
    %get3A_1025 = arith.index_cast %get3A_1024 : i32 to index
    %get3A_1026 = arith.constant 80 : index
    %get3A_1027 = tpu.vector_load %arg5[%get3A_1025, %get3A_1026] {strides = array<i32>} : memref<5x128xi32, #tpu.memory_space<vmem>>, vector<1x16xi32>,
    %get3A_1028 = vector.shape_cast %get3A_1027 : vector<1x16xi32> to vector<16xi32>
    %add3A_1029 = arith.addi %get3A_1028, %broadcast_in_dim3A_963 : vector<16xi32>
    %swap3A_1030 = arith.constant 0 : i32
    %swap3A_1031 = arith.index_cast %swap3A_1030 : i32 to index
    %swap3A_1032 = arith.constant 80 : index
    %swap3A_1033 = tpu.vector_load %arg8[%swap3A_1031, %swap3A_1032] {strides = array<i32>} : memref<5x128xi32, #tpu.memory_space<vmem>>, vector<1x16xi32>,
    %swap3A_1034 = vector.shape_cast %swap3A_1033 : vector<1x16xi32> to vector<16xi32>
    %swap3A_1035 = vector.shape_cast %add3A_1029 : vector<16xi32> to vector<1x16xi32>
    tpu.vector_store %arg8[%swap3A_1031, %swap3A_1032], %swap3A_1035 {strides = array<i32>} : memref<5x128xi32, #tpu.memory_space<vmem>>, vector<1x16xi32>,
    %get3A_1036 = arith.constant 0 : i32
    %get3A_1037 = arith.index_cast %get3A_1036 : i32 to index
    %get3A_1038 = arith.constant 96 : index
    %get3A_1039 = tpu.vector_load %arg5[%get3A_1037, %get3A_1038] {strides = array<i32>} : memref<5x128xi32, #tpu.memory_space<vmem>>, vector<1x16xi32>,
    %get3A_1040 = vector.shape_cast %get3A_1039 : vector<1x16xi32> to vector<16xi32>
    %add3A_1041 = arith.addi %get3A_1040, %broadcast_in_dim3A_963 : vector<16xi32>
    %swap3A_1042 = arith.constant 0 : i32
    %swap3A_1043 = arith.index_cast %swap3A_1042 : i32 to index
    %swap3A_1044 = arith.constant 96 : index
    %swap3A_1045 = tpu.vector_load %arg8[%swap3A_1043, %swap3A_1044] {strides = array<i32>} : memref<5x128xi32, #tpu.memory_space<vmem>>, vector<1x16xi32>,
    %swap3A_1046 = vector.shape_cast %swap3A_1045 : vector<1x16xi32> to vector<16xi32>
    %swap3A_1047 = vector.shape_cast %add3A_1041 : vector<16xi32> to vector<1x16xi32>
    tpu.vector_store %arg8[%swap3A_1043, %swap3A_1044], %swap3A_1047 {strides = array<i32>} : memref<5x128xi32, #tpu.memory_space<vmem>>, vector<1x16xi32>,
    %get3A_1048 = arith.constant 0 : i32
    %get3A_1049 = arith.index_cast %get3A_1048 : i32 to index
    %get3A_1050 = arith.constant 112 : index
    %get3A_1051 = tpu.vector_load %arg5[%get3A_1049, %get3A_1050] {strides = array<i32>} : memref<5x128xi32, #tpu.memory_space<vmem>>, vector<1x16xi32>,
    %get3A_1052 = vector.shape_cast %get3A_1051 : vector<1x16xi32> to vector<16xi32>
    %add3A_1053 = arith.addi %get3A_1052, %broadcast_in_dim3A_963 : vector<16xi32>
    %swap3A_1054 = arith.constant 0 : i32
    %swap3A_1055 = arith.index_cast %swap3A_1054 : i32 to index
    %swap3A_1056 = arith.constant 112 : index
    %swap3A_1057 = tpu.vector_load %arg8[%swap3A_1055, %swap3A_1056] {strides = array<i32>} : memref<5x128xi32, #tpu.memory_space<vmem>>, vector<1x16xi32>,
    %swap3A_1058 = vector.shape_cast %swap3A_1057 : vector<1x16xi32> to vector<16xi32>
    %swap3A_1059 = vector.shape_cast %add3A_1053 : vector<16xi32> to vector<1x16xi32>
    tpu.vector_store %arg8[%swap3A_1055, %swap3A_1056], %swap3A_1059 {strides = array<i32>} : memref<5x128xi32, #tpu.memory_space<vmem>>, vector<1x16xi32>,
    %get3A_1060 = arith.constant 1 : i32
    %get3A_1061 = arith.index_cast %get3A_1060 : i32 to index
    %get3A_1062 = arith.constant 0 : index
    %get3A_1063 = tpu.vector_load %arg5[%get3A_1061, %get3A_1062] {strides = array<i32>} : memref<5x128xi32, #tpu.memory_space<vmem>>, vector<1x16xi32>,
    %get3A_1064 = vector.shape_cast %get3A_1063 : vector<1x16xi32> to vector<16xi32>
    %add3A_1065 = arith.addi %get3A_1064, %broadcast_in_dim3A_963 : vector<16xi32>
    %swap3A_1066 = arith.constant 1 : i32
    %swap3A_1067 = arith.index_cast %swap3A_1066 : i32 to index
    %swap3A_1068 = arith.constant 0 : index
    %swap3A_1069 = tpu.vector_load %arg8[%swap3A_1067, %swap3A_1068] {strides = array<i32>} : memref<5x128xi32, #tpu.memory_space<vmem>>, vector<1x16xi32>,
    %swap3A_1070 = vector.shape_cast %swap3A_1069 : vector<1x16xi32> to vector<16xi32>
    %swap3A_1071 = vector.shape_cast %add3A_1065 : vector<16xi32> to vector<1x16xi32>
    tpu.vector_store %arg8[%swap3A_1067, %swap3A_1068], %swap3A_1071 {strides = array<i32>} : memref<5x128xi32, #tpu.memory_space<vmem>>, vector<1x16xi32>,
    %get3A_1072 = arith.constant 1 : i32
    %get3A_1073 = arith.index_cast %get3A_1072 : i32 to index
    %get3A_1074 = arith.constant 16 : index
    %get3A_1075 = tpu.vector_load %arg5[%get3A_1073, %get3A_1074] {strides = array<i32>} : memref<5x128xi32, #tpu.memory_space<vmem>>, vector<1x16xi32>,
    %get3A_1076 = vector.shape_cast %get3A_1075 : vector<1x16xi32> to vector<16xi32>
    %add3A_1077 = arith.addi %get3A_1076, %broadcast_in_dim3A_963 : vector<16xi32>
    %swap3A_1078 = arith.constant 1 : i32
    %swap3A_1079 = arith.index_cast %swap3A_1078 : i32 to index
    %swap3A_1080 = arith.constant 16 : index
    %swap3A_1081 = tpu.vector_load %arg8[%swap3A_1079, %swap3A_1080] {strides = array<i32>} : memref<5x128xi32, #tpu.memory_space<vmem>>, vector<1x16xi32>,
    %swap3A_1082 = vector.shape_cast %swap3A_1081 : vector<1x16xi32> to vector<16xi32>
    %swap3A_1083 = vector.shape_cast %add3A_1077 : vector<16xi32> to vector<1x16xi32>
    tpu.vector_store %arg8[%swap3A_1079, %swap3A_1080], %swap3A_1083 {strides = array<i32>} : memref<5x128xi32, #tpu.memory_space<vmem>>, vector<1x16xi32>,
    %get3A_1084 = arith.constant 1 : i32
    %get3A_1085 = arith.index_cast %get3A_1084 : i32 to index
    %get3A_1086 = arith.constant 32 : index
    %get3A_1087 = tpu.vector_load %arg5[%get3A_1085, %get3A_1086] {strides = array<i32>} : memref<5x128xi32, #tpu.memory_space<vmem>>, vector<1x16xi32>,
    %get3A_1088 = vector.shape_cast %get3A_1087 : vector<1x16xi32> to vector<16xi32>
    %add3A_1089 = arith.addi %get3A_1088, %broadcast_in_dim3A_963 : vector<16xi32>
    %swap3A_1090 = arith.constant 1 : i32
    %swap3A_1091 = arith.index_cast %swap3A_1090 : i32 to index
    %swap3A_1092 = arith.constant 32 : index
    %swap3A_1093 = tpu.vector_load %arg8[%swap3A_1091, %swap3A_1092] {strides = array<i32>} : memref<5x128xi32, #tpu.memory_space<vmem>>, vector<1x16xi32>,
    %swap3A_1094 = vector.shape_cast %swap3A_1093 : vector<1x16xi32> to vector<16xi32>
    %swap3A_1095 = vector.shape_cast %add3A_1089 : vector<16xi32> to vector<1x16xi32>
    tpu.vector_store %arg8[%swap3A_1091, %swap3A_1092], %swap3A_1095 {strides = array<i32>} : memref<5x128xi32, #tpu.memory_space<vmem>>, vector<1x16xi32>,
    %get3A_1096 = arith.constant 1 : i32
    %get3A_1097 = arith.index_cast %get3A_1096 : i32 to index
    %get3A_1098 = arith.constant 48 : index
    %get3A_1099 = tpu.vector_load %arg5[%get3A_1097, %get3A_1098] {strides = array<i32>} : memref<5x128xi32, #tpu.memory_space<vmem>>, vector<1x16xi32>,
    %get3A_1100 = vector.shape_cast %get3A_1099 : vector<1x16xi32> to vector<16xi32>
    %add3A_1101 = arith.addi %get3A_1100, %broadcast_in_dim3A_963 : vector<16xi32>
    %swap3A_1102 = arith.constant 1 : i32
    %swap3A_1103 = arith.index_cast %swap3A_1102 : i32 to index
    %swap3A_1104 = arith.constant 48 : index
    %swap3A_1105 = tpu.vector_load %arg8[%swap3A_1103, %swap3A_1104] {strides = array<i32>} : memref<5x128xi32, #tpu.memory_space<vmem>>, vector<1x16xi32>,
    %swap3A_1106 = vector.shape_cast %swap3A_1105 : vector<1x16xi32> to vector<16xi32>
    %swap3A_1107 = vector.shape_cast %add3A_1101 : vector<16xi32> to vector<1x16xi32>
    tpu.vector_store %arg8[%swap3A_1103, %swap3A_1104], %swap3A_1107 {strides = array<i32>} : memref<5x128xi32, #tpu.memory_space<vmem>>, vector<1x16xi32>,
    %get3A_1108 = arith.constant 1 : i32
    %get3A_1109 = arith.index_cast %get3A_1108 : i32 to index
    %get3A_1110 = arith.constant 64 : index
    %get3A_1111 = tpu.vector_load %arg5[%get3A_1109, %get3A_1110] {strides = array<i32>} : memref<5x128xi32, #tpu.memory_space<vmem>>, vector<1x16xi32>,
    %get3A_1112 = vector.shape_cast %get3A_1111 : vector<1x16xi32> to vector<16xi32>
    %add3A_1113 = arith.addi %get3A_1112, %broadcast_in_dim3A_963 : vector<16xi32>
    %swap3A_1114 = arith.constant 1 : i32
    %swap3A_1115 = arith.index_cast %swap3A_1114 : i32 to index
    %swap3A_1116 = arith.constant 64 : index
    %swap3A_1117 = tpu.vector_load %arg8[%swap3A_1115, %swap3A_1116] {strides = array<i32>} : memref<5x128xi32, #tpu.memory_space<vmem>>, vector<1x16xi32>,
    %swap3A_1118 = vector.shape_cast %swap3A_1117 : vector<1x16xi32> to vector<16xi32>
    %swap3A_1119 = vector.shape_cast %add3A_1113 : vector<16xi32> to vector<1x16xi32>
    tpu.vector_store %arg8[%swap3A_1115, %swap3A_1116], %swap3A_1119 {strides = array<i32>} : memref<5x128xi32, #tpu.memory_space<vmem>>, vector<1x16xi32>,
    %get3A_1120 = arith.constant 1 : i32
    %get3A_1121 = arith.index_cast %get3A_1120 : i32 to index
    %get3A_1122 = arith.constant 80 : index
    %get3A_1123 = tpu.vector_load %arg5[%get3A_1121, %get3A_1122] {strides = array<i32>} : memref<5x128xi32, #tpu.memory_space<vmem>>, vector<1x16xi32>,
    %get3A_1124 = vector.shape_cast %get3A_1123 : vector<1x16xi32> to vector<16xi32>
    %add3A_1125 = arith.addi %get3A_1124, %broadcast_in_dim3A_963 : vector<16xi32>
    %swap3A_1126 = arith.constant 1 : i32
    %swap3A_1127 = arith.index_cast %swap3A_1126 : i32 to index
    %swap3A_1128 = arith.constant 80 : index
    %swap3A_1129 = tpu.vector_load %arg8[%swap3A_1127, %swap3A_1128] {strides = array<i32>} : memref<5x128xi32, #tpu.memory_space<vmem>>, vector<1x16xi32>,
    %swap3A_1130 = vector.shape_cast %swap3A_1129 : vector<1x16xi32> to vector<16xi32>
    %swap3A_1131 = vector.shape_cast %add3A_1125 : vector<16xi32> to vector<1x16xi32>
    tpu.vector_store %arg8[%swap3A_1127, %swap3A_1128], %swap3A_1131 {strides = array<i32>} : memref<5x128xi32, #tpu.memory_space<vmem>>, vector<1x16xi32>,
    %get3A_1132 = arith.constant 1 : i32
    %get3A_1133 = arith.index_cast %get3A_1132 : i32 to index
    %get3A_1134 = arith.constant 96 : index
    %get3A_1135 = tpu.vector_load %arg5[%get3A_1133, %get3A_1134] {strides = array<i32>} : memref<5x128xi32, #tpu.memory_space<vmem>>, vector<1x16xi32>,
    %get3A_1136 = vector.shape_cast %get3A_1135 : vector<1x16xi32> to vector<16xi32>
    %add3A_1137 = arith.addi %get3A_1136, %broadcast_in_dim3A_963 : vector<16xi32>
    %swap3A_1138 = arith.constant 1 : i32
    %swap3A_1139 = arith.index_cast %swap3A_1138 : i32 to index
    %swap3A_1140 = arith.constant 96 : index
    %swap3A_1141 = tpu.vector_load %arg8[%swap3A_1139, %swap3A_1140] {strides = array<i32>} : memref<5x128xi32, #tpu.memory_space<vmem>>, vector<1x16xi32>,
    %swap3A_1142 = vector.shape_cast %swap3A_1141 : vector<1x16xi32> to vector<16xi32>
    %swap3A_1143 = vector.shape_cast %add3A_1137 : vector<16xi32> to vector<1x16xi32>
    tpu.vector_store %arg8[%swap3A_1139, %swap3A_1140], %swap3A_1143 {strides = array<i32>} : memref<5x128xi32, #tpu.memory_space<vmem>>, vector<1x16xi32>,
    %get3A_1144 = arith.constant 1 : i32
    %get3A_1145 = arith.index_cast %get3A_1144 : i32 to index
    %get3A_1146 = arith.constant 112 : index
    %get3A_1147 = tpu.vector_load %arg5[%get3A_1145, %get3A_1146] {strides = array<i32>} : memref<5x128xi32, #tpu.memory_space<vmem>>, vector<1x16xi32>,
    %get3A_1148 = vector.shape_cast %get3A_1147 : vector<1x16xi32> to vector<16xi32>
    %add3A_1149 = arith.addi %get3A_1148, %broadcast_in_dim3A_963 : vector<16xi32>
    %swap3A_1150 = arith.constant 1 : i32
    %swap3A_1151 = arith.index_cast %swap3A_1150 : i32 to index
    %swap3A_1152 = arith.constant 112 : index
    %swap3A_1153 = tpu.vector_load %arg8[%swap3A_1151, %swap3A_1152] {strides = array<i32>} : memref<5x128xi32, #tpu.memory_space<vmem>>, vector<1x16xi32>,
    %swap3A_1154 = vector.shape_cast %swap3A_1153 : vector<1x16xi32> to vector<16xi32>
    %swap3A_1155 = vector.shape_cast %add3A_1149 : vector<16xi32> to vector<1x16xi32>
    tpu.vector_store %arg8[%swap3A_1151, %swap3A_1152], %swap3A_1155 {strides = array<i32>} : memref<5x128xi32, #tpu.memory_space<vmem>>, vector<1x16xi32>,
    %get3A_1156 = arith.constant 2 : i32
    %get3A_1157 = arith.index_cast %get3A_1156 : i32 to index
    %get3A_1158 = arith.constant 0 : index
    %get3A_1159 = tpu.vector_load %arg5[%get3A_1157, %get3A_1158] {strides = array<i32>} : memref<5x128xi32, #tpu.memory_space<vmem>>, vector<1x16xi32>,
    %get3A_1160 = vector.shape_cast %get3A_1159 : vector<1x16xi32> to vector<16xi32>
    %add3A_1161 = arith.addi %get3A_1160, %broadcast_in_dim3A_963 : vector<16xi32>
    %swap3A_1162 = arith.constant 2 : i32
    %swap3A_1163 = arith.index_cast %swap3A_1162 : i32 to index
    %swap3A_1164 = arith.constant 0 : index
    %swap3A_1165 = tpu.vector_load %arg8[%swap3A_1163, %swap3A_1164] {strides = array<i32>} : memref<5x128xi32, #tpu.memory_space<vmem>>, vector<1x16xi32>,
    %swap3A_1166 = vector.shape_cast %swap3A_1165 : vector<1x16xi32> to vector<16xi32>
    %swap3A_1167 = vector.shape_cast %add3A_1161 : vector<16xi32> to vector<1x16xi32>
    tpu.vector_store %arg8[%swap3A_1163, %swap3A_1164], %swap3A_1167 {strides = array<i32>} : memref<5x128xi32, #tpu.memory_space<vmem>>, vector<1x16xi32>,
    %get3A_1168 = arith.constant 2 : i32
    %get3A_1169 = arith.index_cast %get3A_1168 : i32 to index
    %get3A_1170 = arith.constant 16 : index
    %get3A_1171 = tpu.vector_load %arg5[%get3A_1169, %get3A_1170] {strides = array<i32>} : memref<5x128xi32, #tpu.memory_space<vmem>>, vector<1x16xi32>,
    %get3A_1172 = vector.shape_cast %get3A_1171 : vector<1x16xi32> to vector<16xi32>
    %add3A_1173 = arith.addi %get3A_1172, %broadcast_in_dim3A_963 : vector<16xi32>
    %swap3A_1174 = arith.constant 2 : i32
    %swap3A_1175 = arith.index_cast %swap3A_1174 : i32 to index
    %swap3A_1176 = arith.constant 16 : index
    %swap3A_1177 = tpu.vector_load %arg8[%swap3A_1175, %swap3A_1176] {strides = array<i32>} : memref<5x128xi32, #tpu.memory_space<vmem>>, vector<1x16xi32>,
    %swap3A_1178 = vector.shape_cast %swap3A_1177 : vector<1x16xi32> to vector<16xi32>
    %swap3A_1179 = vector.shape_cast %add3A_1173 : vector<16xi32> to vector<1x16xi32>
    tpu.vector_store %arg8[%swap3A_1175, %swap3A_1176], %swap3A_1179 {strides = array<i32>} : memref<5x128xi32, #tpu.memory_space<vmem>>, vector<1x16xi32>,
    %get3A_1180 = arith.constant 2 : i32
    %get3A_1181 = arith.index_cast %get3A_1180 : i32 to index
    %get3A_1182 = arith.constant 32 : index
    %get3A_1183 = tpu.vector_load %arg5[%get3A_1181, %get3A_1182] {strides = array<i32>} : memref<5x128xi32, #tpu.memory_space<vmem>>, vector<1x16xi32>,
    %get3A_1184 = vector.shape_cast %get3A_1183 : vector<1x16xi32> to vector<16xi32>
    %add3A_1185 = arith.addi %get3A_1184, %broadcast_in_dim3A_963 : vector<16xi32>
    %swap3A_1186 = arith.constant 2 : i32
    %swap3A_1187 = arith.index_cast %swap3A_1186 : i32 to index
    %swap3A_1188 = arith.constant 32 : index
    %swap3A_1189 = tpu.vector_load %arg8[%swap3A_1187, %swap3A_1188] {strides = array<i32>} : memref<5x128xi32, #tpu.memory_space<vmem>>, vector<1x16xi32>,
    %swap3A_1190 = vector.shape_cast %swap3A_1189 : vector<1x16xi32> to vector<16xi32>
    %swap3A_1191 = vector.shape_cast %add3A_1185 : vector<16xi32> to vector<1x16xi32>
    tpu.vector_store %arg8[%swap3A_1187, %swap3A_1188], %swap3A_1191 {strides = array<i32>} : memref<5x128xi32, #tpu.memory_space<vmem>>, vector<1x16xi32>,
    %get3A_1192 = arith.constant 2 : i32
    %get3A_1193 = arith.index_cast %get3A_1192 : i32 to index
    %get3A_1194 = arith.constant 48 : index
    %get3A_1195 = tpu.vector_load %arg5[%get3A_1193, %get3A_1194] {strides = array<i32>} : memref<5x128xi32, #tpu.memory_space<vmem>>, vector<1x16xi32>,
    %get3A_1196 = vector.shape_cast %get3A_1195 : vector<1x16xi32> to vector<16xi32>
    %add3A_1197 = arith.addi %get3A_1196, %broadcast_in_dim3A_963 : vector<16xi32>
    %swap3A_1198 = arith.constant 2 : i32
    %swap3A_1199 = arith.index_cast %swap3A_1198 : i32 to index
    %swap3A_1200 = arith.constant 48 : index
    %swap3A_1201 = tpu.vector_load %arg8[%swap3A_1199, %swap3A_1200] {strides = array<i32>} : memref<5x128xi32, #tpu.memory_space<vmem>>, vector<1x16xi32>,
    %swap3A_1202 = vector.shape_cast %swap3A_1201 : vector<1x16xi32> to vector<16xi32>
    %swap3A_1203 = vector.shape_cast %add3A_1197 : vector<16xi32> to vector<1x16xi32>
    tpu.vector_store %arg8[%swap3A_1199, %swap3A_1200], %swap3A_1203 {strides = array<i32>} : memref<5x128xi32, #tpu.memory_space<vmem>>, vector<1x16xi32>,
    %get3A_1204 = arith.constant 2 : i32
    %get3A_1205 = arith.index_cast %get3A_1204 : i32 to index
    %get3A_1206 = arith.constant 64 : index
    %get3A_1207 = tpu.vector_load %arg5[%get3A_1205, %get3A_1206] {strides = array<i32>} : memref<5x128xi32, #tpu.memory_space<vmem>>, vector<1x16xi32>,
    %get3A_1208 = vector.shape_cast %get3A_1207 : vector<1x16xi32> to vector<16xi32>
    %add3A_1209 = arith.addi %get3A_1208, %broadcast_in_dim3A_963 : vector<16xi32>
    %swap3A_1210 = arith.constant 2 : i32
    %swap3A_1211 = arith.index_cast %swap3A_1210 : i32 to index
    %swap3A_1212 = arith.constant 64 : index
    %swap3A_1213 = tpu.vector_load %arg8[%swap3A_1211, %swap3A_1212] {strides = array<i32>} : memref<5x128xi32, #tpu.memory_space<vmem>>, vector<1x16xi32>,
    %swap3A_1214 = vector.shape_cast %swap3A_1213 : vector<1x16xi32> to vector<16xi32>
    %swap3A_1215 = vector.shape_cast %add3A_1209 : vector<16xi32> to vector<1x16xi32>
    tpu.vector_store %arg8[%swap3A_1211, %swap3A_1212], %swap3A_1215 {strides = array<i32>} : memref<5x128xi32, #tpu.memory_space<vmem>>, vector<1x16xi32>,
    %get3A_1216 = arith.constant 2 : i32
    %get3A_1217 = arith.index_cast %get3A_1216 : i32 to index
    %get3A_1218 = arith.constant 80 : index
    %get3A_1219 = tpu.vector_load %arg5[%get3A_1217, %get3A_1218] {strides = array<i32>} : memref<5x128xi32, #tpu.memory_space<vmem>>, vector<1x16xi32>,
    %get3A_1220 = vector.shape_cast %get3A_1219 : vector<1x16xi32> to vector<16xi32>
    %add3A_1221 = arith.addi %get3A_1220, %broadcast_in_dim3A_963 : vector<16xi32>
    %swap3A_1222 = arith.constant 2 : i32
    %swap3A_1223 = arith.index_cast %swap3A_1222 : i32 to index
    %swap3A_1224 = arith.constant 80 : index
    %swap3A_1225 = tpu.vector_load %arg8[%swap3A_1223, %swap3A_1224] {strides = array<i32>} : memref<5x128xi32, #tpu.memory_space<vmem>>, vector<1x16xi32>,
    %swap3A_1226 = vector.shape_cast %swap3A_1225 : vector<1x16xi32> to vector<16xi32>
    %swap3A_1227 = vector.shape_cast %add3A_1221 : vector<16xi32> to vector<1x16xi32>
    tpu.vector_store %arg8[%swap3A_1223, %swap3A_1224], %swap3A_1227 {strides = array<i32>} : memref<5x128xi32, #tpu.memory_space<vmem>>, vector<1x16xi32>,
    %get3A_1228 = arith.constant 2 : i32
    %get3A_1229 = arith.index_cast %get3A_1228 : i32 to index
    %get3A_1230 = arith.constant 96 : index
    %get3A_1231 = tpu.vector_load %arg5[%get3A_1229, %get3A_1230] {strides = array<i32>} : memref<5x128xi32, #tpu.memory_space<vmem>>, vector<1x16xi32>,
    %get3A_1232 = vector.shape_cast %get3A_1231 : vector<1x16xi32> to vector<16xi32>
    %add3A_1233 = arith.addi %get3A_1232, %broadcast_in_dim3A_963 : vector<16xi32>
    %swap3A_1234 = arith.constant 2 : i32
    %swap3A_1235 = arith.index_cast %swap3A_1234 : i32 to index
    %swap3A_1236 = arith.constant 96 : index
    %swap3A_1237 = tpu.vector_load %arg8[%swap3A_1235, %swap3A_1236] {strides = array<i32>} : memref<5x128xi32, #tpu.memory_space<vmem>>, vector<1x16xi32>,
    %swap3A_1238 = vector.shape_cast %swap3A_1237 : vector<1x16xi32> to vector<16xi32>
    %swap3A_1239 = vector.shape_cast %add3A_1233 : vector<16xi32> to vector<1x16xi32>
    tpu.vector_store %arg8[%swap3A_1235, %swap3A_1236], %swap3A_1239 {strides = array<i32>} : memref<5x128xi32, #tpu.memory_space<vmem>>, vector<1x16xi32>,
    %get3A_1240 = arith.constant 2 : i32
    %get3A_1241 = arith.index_cast %get3A_1240 : i32 to index
    %get3A_1242 = arith.constant 112 : index
    %get3A_1243 = tpu.vector_load %arg5[%get3A_1241, %get3A_1242] {strides = array<i32>} : memref<5x128xi32, #tpu.memory_space<vmem>>, vector<1x16xi32>,
    %get3A_1244 = vector.shape_cast %get3A_1243 : vector<1x16xi32> to vector<16xi32>
    %add3A_1245 = arith.addi %get3A_1244, %broadcast_in_dim3A_963 : vector<16xi32>
    %swap3A_1246 = arith.constant 2 : i32
    %swap3A_1247 = arith.index_cast %swap3A_1246 : i32 to index
    %swap3A_1248 = arith.constant 112 : index
    %swap3A_1249 = tpu.vector_load %arg8[%swap3A_1247, %swap3A_1248] {strides = array<i32>} : memref<5x128xi32, #tpu.memory_space<vmem>>, vector<1x16xi32>,
    %swap3A_1250 = vector.shape_cast %swap3A_1249 : vector<1x16xi32> to vector<16xi32>
    %swap3A_1251 = vector.shape_cast %add3A_1245 : vector<16xi32> to vector<1x16xi32>
    tpu.vector_store %arg8[%swap3A_1247, %swap3A_1248], %swap3A_1251 {strides = array<i32>} : memref<5x128xi32, #tpu.memory_space<vmem>>, vector<1x16xi32>,
    %get3A_1252 = arith.constant 3 : i32
    %get3A_1253 = arith.index_cast %get3A_1252 : i32 to index
    %get3A_1254 = arith.constant 0 : index
    %get3A_1255 = tpu.vector_load %arg5[%get3A_1253, %get3A_1254] {strides = array<i32>} : memref<5x128xi32, #tpu.memory_space<vmem>>, vector<1x16xi32>,
    %get3A_1256 = vector.shape_cast %get3A_1255 : vector<1x16xi32> to vector<16xi32>
    %add3A_1257 = arith.addi %get3A_1256, %broadcast_in_dim3A_963 : vector<16xi32>
    %swap3A_1258 = arith.constant 3 : i32
    %swap3A_1259 = arith.index_cast %swap3A_1258 : i32 to index
    %swap3A_1260 = arith.constant 0 : index
    %swap3A_1261 = tpu.vector_load %arg8[%swap3A_1259, %swap3A_1260] {strides = array<i32>} : memref<5x128xi32, #tpu.memory_space<vmem>>, vector<1x16xi32>,
    %swap3A_1262 = vector.shape_cast %swap3A_1261 : vector<1x16xi32> to vector<16xi32>
    %swap3A_1263 = vector.shape_cast %add3A_1257 : vector<16xi32> to vector<1x16xi32>
    tpu.vector_store %arg8[%swap3A_1259, %swap3A_1260], %swap3A_1263 {strides = array<i32>} : memref<5x128xi32, #tpu.memory_space<vmem>>, vector<1x16xi32>,
    %get3A_1264 = arith.constant 3 : i32
    %get3A_1265 = arith.index_cast %get3A_1264 : i32 to index
    %get3A_1266 = arith.constant 16 : index
    %get3A_1267 = tpu.vector_load %arg5[%get3A_1265, %get3A_1266] {strides = array<i32>} : memref<5x128xi32, #tpu.memory_space<vmem>>, vector<1x16xi32>,
    %get3A_1268 = vector.shape_cast %get3A_1267 : vector<1x16xi32> to vector<16xi32>
    %add3A_1269 = arith.addi %get3A_1268, %broadcast_in_dim3A_963 : vector<16xi32>
    %swap3A_1270 = arith.constant 3 : i32
    %swap3A_1271 = arith.index_cast %swap3A_1270 : i32 to index
    %swap3A_1272 = arith.constant 16 : index
    %swap3A_1273 = tpu.vector_load %arg8[%swap3A_1271, %swap3A_1272] {strides = array<i32>} : memref<5x128xi32, #tpu.memory_space<vmem>>, vector<1x16xi32>,
    %swap3A_1274 = vector.shape_cast %swap3A_1273 : vector<1x16xi32> to vector<16xi32>
    %swap3A_1275 = vector.shape_cast %add3A_1269 : vector<16xi32> to vector<1x16xi32>
    tpu.vector_store %arg8[%swap3A_1271, %swap3A_1272], %swap3A_1275 {strides = array<i32>} : memref<5x128xi32, #tpu.memory_space<vmem>>, vector<1x16xi32>,
    %get3A_1276 = arith.constant 3 : i32
    %get3A_1277 = arith.index_cast %get3A_1276 : i32 to index
    %get3A_1278 = arith.constant 32 : index
    %get3A_1279 = tpu.vector_load %arg5[%get3A_1277, %get3A_1278] {strides = array<i32>} : memref<5x128xi32, #tpu.memory_space<vmem>>, vector<1x16xi32>,
    %get3A_1280 = vector.shape_cast %get3A_1279 : vector<1x16xi32> to vector<16xi32>
    %add3A_1281 = arith.addi %get3A_1280, %broadcast_in_dim3A_963 : vector<16xi32>
    %swap3A_1282 = arith.constant 3 : i32
    %swap3A_1283 = arith.index_cast %swap3A_1282 : i32 to index
    %swap3A_1284 = arith.constant 32 : index
    %swap3A_1285 = tpu.vector_load %arg8[%swap3A_1283, %swap3A_1284] {strides = array<i32>} : memref<5x128xi32, #tpu.memory_space<vmem>>, vector<1x16xi32>,
    %swap3A_1286 = vector.shape_cast %swap3A_1285 : vector<1x16xi32> to vector<16xi32>
    %swap3A_1287 = vector.shape_cast %add3A_1281 : vector<16xi32> to vector<1x16xi32>
    tpu.vector_store %arg8[%swap3A_1283, %swap3A_1284], %swap3A_1287 {strides = array<i32>} : memref<5x128xi32, #tpu.memory_space<vmem>>, vector<1x16xi32>,
    %get3A_1288 = arith.constant 3 : i32
    %get3A_1289 = arith.index_cast %get3A_1288 : i32 to index
    %get3A_1290 = arith.constant 48 : index
    %get3A_1291 = tpu.vector_load %arg5[%get3A_1289, %get3A_1290] {strides = array<i32>} : memref<5x128xi32, #tpu.memory_space<vmem>>, vector<1x16xi32>,
    %get3A_1292 = vector.shape_cast %get3A_1291 : vector<1x16xi32> to vector<16xi32>
    %add3A_1293 = arith.addi %get3A_1292, %broadcast_in_dim3A_963 : vector<16xi32>
    %swap3A_1294 = arith.constant 3 : i32
    %swap3A_1295 = arith.index_cast %swap3A_1294 : i32 to index
    %swap3A_1296 = arith.constant 48 : index
    %swap3A_1297 = tpu.vector_load %arg8[%swap3A_1295, %swap3A_1296] {strides = array<i32>} : memref<5x128xi32, #tpu.memory_space<vmem>>, vector<1x16xi32>,
    %swap3A_1298 = vector.shape_cast %swap3A_1297 : vector<1x16xi32> to vector<16xi32>
    %swap3A_1299 = vector.shape_cast %add3A_1293 : vector<16xi32> to vector<1x16xi32>
    tpu.vector_store %arg8[%swap3A_1295, %swap3A_1296], %swap3A_1299 {strides = array<i32>} : memref<5x128xi32, #tpu.memory_space<vmem>>, vector<1x16xi32>,
    %get3A_1300 = arith.constant 3 : i32
    %get3A_1301 = arith.index_cast %get3A_1300 : i32 to index
    %get3A_1302 = arith.constant 64 : index
    %get3A_1303 = tpu.vector_load %arg5[%get3A_1301, %get3A_1302] {strides = array<i32>} : memref<5x128xi32, #tpu.memory_space<vmem>>, vector<1x16xi32>,
    %get3A_1304 = vector.shape_cast %get3A_1303 : vector<1x16xi32> to vector<16xi32>
    %add3A_1305 = arith.addi %get3A_1304, %broadcast_in_dim3A_963 : vector<16xi32>
    %swap3A_1306 = arith.constant 3 : i32
    %swap3A_1307 = arith.index_cast %swap3A_1306 : i32 to index
    %swap3A_1308 = arith.constant 64 : index
    %swap3A_1309 = tpu.vector_load %arg8[%swap3A_1307, %swap3A_1308] {strides = array<i32>} : memref<5x128xi32, #tpu.memory_space<vmem>>, vector<1x16xi32>,
    %swap3A_1310 = vector.shape_cast %swap3A_1309 : vector<1x16xi32> to vector<16xi32>
    %swap3A_1311 = vector.shape_cast %add3A_1305 : vector<16xi32> to vector<1x16xi32>
    tpu.vector_store %arg8[%swap3A_1307, %swap3A_1308], %swap3A_1311 {strides = array<i32>} : memref<5x128xi32, #tpu.memory_space<vmem>>, vector<1x16xi32>,
    %get3A_1312 = arith.constant 3 : i32
    %get3A_1313 = arith.index_cast %get3A_1312 : i32 to index
    %get3A_1314 = arith.constant 80 : index
    %get3A_1315 = tpu.vector_load %arg5[%get3A_1313, %get3A_1314] {strides = array<i32>} : memref<5x128xi32, #tpu.memory_space<vmem>>, vector<1x16xi32>,
    %get3A_1316 = vector.shape_cast %get3A_1315 : vector<1x16xi32> to vector<16xi32>
    %add3A_1317 = arith.addi %get3A_1316, %broadcast_in_dim3A_963 : vector<16xi32>
    %swap3A_1318 = arith.constant 3 : i32
    %swap3A_1319 = arith.index_cast %swap3A_1318 : i32 to index
    %swap3A_1320 = arith.constant 80 : index
    %swap3A_1321 = tpu.vector_load %arg8[%swap3A_1319, %swap3A_1320] {strides = array<i32>} : memref<5x128xi32, #tpu.memory_space<vmem>>, vector<1x16xi32>,
    %swap3A_1322 = vector.shape_cast %swap3A_1321 : vector<1x16xi32> to vector<16xi32>
    %swap3A_1323 = vector.shape_cast %add3A_1317 : vector<16xi32> to vector<1x16xi32>
    tpu.vector_store %arg8[%swap3A_1319, %swap3A_1320], %swap3A_1323 {strides = array<i32>} : memref<5x128xi32, #tpu.memory_space<vmem>>, vector<1x16xi32>,
    %get3A_1324 = arith.constant 3 : i32
    %get3A_1325 = arith.index_cast %get3A_1324 : i32 to index
    %get3A_1326 = arith.constant 96 : index
    %get3A_1327 = tpu.vector_load %arg5[%get3A_1325, %get3A_1326] {strides = array<i32>} : memref<5x128xi32, #tpu.memory_space<vmem>>, vector<1x16xi32>,
    %get3A_1328 = vector.shape_cast %get3A_1327 : vector<1x16xi32> to vector<16xi32>
    %add3A_1329 = arith.addi %get3A_1328, %broadcast_in_dim3A_963 : vector<16xi32>
    %swap3A_1330 = arith.constant 3 : i32
    %swap3A_1331 = arith.index_cast %swap3A_1330 : i32 to index
    %swap3A_1332 = arith.constant 96 : index
    %swap3A_1333 = tpu.vector_load %arg8[%swap3A_1331, %swap3A_1332] {strides = array<i32>} : memref<5x128xi32, #tpu.memory_space<vmem>>, vector<1x16xi32>,
    %swap3A_1334 = vector.shape_cast %swap3A_1333 : vector<1x16xi32> to vector<16xi32>
    %swap3A_1335 = vector.shape_cast %add3A_1329 : vector<16xi32> to vector<1x16xi32>
    tpu.vector_store %arg8[%swap3A_1331, %swap3A_1332], %swap3A_1335 {strides = array<i32>} : memref<5x128xi32, #tpu.memory_space<vmem>>, vector<1x16xi32>,
    %get3A_1336 = arith.constant 3 : i32
    %get3A_1337 = arith.index_cast %get3A_1336 : i32 to index
    %get3A_1338 = arith.constant 112 : index
    %get3A_1339 = tpu.vector_load %arg5[%get3A_1337, %get3A_1338] {strides = array<i32>} : memref<5x128xi32, #tpu.memory_space<vmem>>, vector<1x16xi32>,
    %get3A_1340 = vector.shape_cast %get3A_1339 : vector<1x16xi32> to vector<16xi32>
    %add3A_1341 = arith.addi %get3A_1340, %broadcast_in_dim3A_963 : vector<16xi32>
    %swap3A_1342 = arith.constant 3 : i32
    %swap3A_1343 = arith.index_cast %swap3A_1342 : i32 to index
    %swap3A_1344 = arith.constant 112 : index
    %swap3A_1345 = tpu.vector_load %arg8[%swap3A_1343, %swap3A_1344] {strides = array<i32>} : memref<5x128xi32, #tpu.memory_space<vmem>>, vector<1x16xi32>,
    %swap3A_1346 = vector.shape_cast %swap3A_1345 : vector<1x16xi32> to vector<16xi32>
    %swap3A_1347 = vector.shape_cast %add3A_1341 : vector<16xi32> to vector<1x16xi32>
    tpu.vector_store %arg8[%swap3A_1343, %swap3A_1344], %swap3A_1347 {strides = array<i32>} : memref<5x128xi32, #tpu.memory_space<vmem>>, vector<1x16xi32>,
    %get3A_1348 = arith.constant 4 : i32
    %get3A_1349 = arith.index_cast %get3A_1348 : i32 to index
    %get3A_1350 = arith.constant 0 : index
    %get3A_1351 = tpu.vector_load %arg5[%get3A_1349, %get3A_1350] {strides = array<i32>} : memref<5x128xi32, #tpu.memory_space<vmem>>, vector<1x16xi32>,
    %get3A_1352 = vector.shape_cast %get3A_1351 : vector<1x16xi32> to vector<16xi32>
    %add3A_1353 = arith.addi %get3A_1352, %broadcast_in_dim3A_963 : vector<16xi32>
    %swap3A_1354 = arith.constant 4 : i32
    %swap3A_1355 = arith.index_cast %swap3A_1354 : i32 to index
    %swap3A_1356 = arith.constant 0 : index
    %swap3A_1357 = tpu.vector_load %arg8[%swap3A_1355, %swap3A_1356] {strides = array<i32>} : memref<5x128xi32, #tpu.memory_space<vmem>>, vector<1x16xi32>,
    %swap3A_1358 = vector.shape_cast %swap3A_1357 : vector<1x16xi32> to vector<16xi32>
    %swap3A_1359 = vector.shape_cast %add3A_1353 : vector<16xi32> to vector<1x16xi32>
    tpu.vector_store %arg8[%swap3A_1355, %swap3A_1356], %swap3A_1359 {strides = array<i32>} : memref<5x128xi32, #tpu.memory_space<vmem>>, vector<1x16xi32>,
    %get3A_1360 = arith.constant 4 : i32
    %get3A_1361 = arith.index_cast %get3A_1360 : i32 to index
    %get3A_1362 = arith.constant 16 : index
    %get3A_1363 = tpu.vector_load %arg5[%get3A_1361, %get3A_1362] {strides = array<i32>} : memref<5x128xi32, #tpu.memory_space<vmem>>, vector<1x16xi32>,
    %get3A_1364 = vector.shape_cast %get3A_1363 : vector<1x16xi32> to vector<16xi32>
    %add3A_1365 = arith.addi %get3A_1364, %broadcast_in_dim3A_963 : vector<16xi32>
    %swap3A_1366 = arith.constant 4 : i32
    %swap3A_1367 = arith.index_cast %swap3A_1366 : i32 to index
    %swap3A_1368 = arith.constant 16 : index
    %swap3A_1369 = tpu.vector_load %arg8[%swap3A_1367, %swap3A_1368] {strides = array<i32>} : memref<5x128xi32, #tpu.memory_space<vmem>>, vector<1x16xi32>,
    %swap3A_1370 = vector.shape_cast %swap3A_1369 : vector<1x16xi32> to vector<16xi32>
    %swap3A_1371 = vector.shape_cast %add3A_1365 : vector<16xi32> to vector<1x16xi32>
    tpu.vector_store %arg8[%swap3A_1367, %swap3A_1368], %swap3A_1371 {strides = array<i32>} : memref<5x128xi32, #tpu.memory_space<vmem>>, vector<1x16xi32>,
    %get3A_1372 = arith.constant 4 : i32
    %get3A_1373 = arith.index_cast %get3A_1372 : i32 to index
    %get3A_1374 = arith.constant 32 : index
    %get3A_1375 = tpu.vector_load %arg5[%get3A_1373, %get3A_1374] {strides = array<i32>} : memref<5x128xi32, #tpu.memory_space<vmem>>, vector<1x16xi32>,
    %get3A_1376 = vector.shape_cast %get3A_1375 : vector<1x16xi32> to vector<16xi32>
    %add3A_1377 = arith.addi %get3A_1376, %broadcast_in_dim3A_963 : vector<16xi32>
    %swap3A_1378 = arith.constant 4 : i32
    %swap3A_1379 = arith.index_cast %swap3A_1378 : i32 to index
    %swap3A_1380 = arith.constant 32 : index
    %swap3A_1381 = tpu.vector_load %arg8[%swap3A_1379, %swap3A_1380] {strides = array<i32>} : memref<5x128xi32, #tpu.memory_space<vmem>>, vector<1x16xi32>,
    %swap3A_1382 = vector.shape_cast %swap3A_1381 : vector<1x16xi32> to vector<16xi32>
    %swap3A_1383 = vector.shape_cast %add3A_1377 : vector<16xi32> to vector<1x16xi32>
    tpu.vector_store %arg8[%swap3A_1379, %swap3A_1380], %swap3A_1383 {strides = array<i32>} : memref<5x128xi32, #tpu.memory_space<vmem>>, vector<1x16xi32>,
    %get3A_1384 = arith.constant 4 : i32
    %get3A_1385 = arith.index_cast %get3A_1384 : i32 to index
    %get3A_1386 = arith.constant 48 : index
    %get3A_1387 = tpu.vector_load %arg5[%get3A_1385, %get3A_1386] {strides = array<i32>} : memref<5x128xi32, #tpu.memory_space<vmem>>, vector<1x16xi32>,
    %get3A_1388 = vector.shape_cast %get3A_1387 : vector<1x16xi32> to vector<16xi32>
    %add3A_1389 = arith.addi %get3A_1388, %broadcast_in_dim3A_963 : vector<16xi32>
    %swap3A_1390 = arith.constant 4 : i32
    %swap3A_1391 = arith.index_cast %swap3A_1390 : i32 to index
    %swap3A_1392 = arith.constant 48 : index
    %swap3A_1393 = tpu.vector_load %arg8[%swap3A_1391, %swap3A_1392] {strides = array<i32>} : memref<5x128xi32, #tpu.memory_space<vmem>>, vector<1x16xi32>,
    %swap3A_1394 = vector.shape_cast %swap3A_1393 : vector<1x16xi32> to vector<16xi32>
    %swap3A_1395 = vector.shape_cast %add3A_1389 : vector<16xi32> to vector<1x16xi32>
    tpu.vector_store %arg8[%swap3A_1391, %swap3A_1392], %swap3A_1395 {strides = array<i32>} : memref<5x128xi32, #tpu.memory_space<vmem>>, vector<1x16xi32>,
    %get3A_1396 = arith.constant 4 : i32
    %get3A_1397 = arith.index_cast %get3A_1396 : i32 to index
    %get3A_1398 = arith.constant 64 : index
    %get3A_1399 = tpu.vector_load %arg5[%get3A_1397, %get3A_1398] {strides = array<i32>} : memref<5x128xi32, #tpu.memory_space<vmem>>, vector<1x16xi32>,
    %get3A_1400 = vector.shape_cast %get3A_1399 : vector<1x16xi32> to vector<16xi32>
    %add3A_1401 = arith.addi %get3A_1400, %broadcast_in_dim3A_963 : vector<16xi32>
    %swap3A_1402 = arith.constant 4 : i32
    %swap3A_1403 = arith.index_cast %swap3A_1402 : i32 to index
    %swap3A_1404 = arith.constant 64 : index
    %swap3A_1405 = tpu.vector_load %arg8[%swap3A_1403, %swap3A_1404] {strides = array<i32>} : memref<5x128xi32, #tpu.memory_space<vmem>>, vector<1x16xi32>,
    %swap3A_1406 = vector.shape_cast %swap3A_1405 : vector<1x16xi32> to vector<16xi32>
    %swap3A_1407 = vector.shape_cast %add3A_1401 : vector<16xi32> to vector<1x16xi32>
    tpu.vector_store %arg8[%swap3A_1403, %swap3A_1404], %swap3A_1407 {strides = array<i32>} : memref<5x128xi32, #tpu.memory_space<vmem>>, vector<1x16xi32>,
    %get3A_1408 = arith.constant 4 : i32
    %get3A_1409 = arith.index_cast %get3A_1408 : i32 to index
    %get3A_1410 = arith.constant 80 : index
    %get3A_1411 = tpu.vector_load %arg5[%get3A_1409, %get3A_1410] {strides = array<i32>} : memref<5x128xi32, #tpu.memory_space<vmem>>, vector<1x16xi32>,
    %get3A_1412 = vector.shape_cast %get3A_1411 : vector<1x16xi32> to vector<16xi32>
    %add3A_1413 = arith.addi %get3A_1412, %broadcast_in_dim3A_963 : vector<16xi32>
    %swap3A_1414 = arith.constant 4 : i32
    %swap3A_1415 = arith.index_cast %swap3A_1414 : i32 to index
    %swap3A_1416 = arith.constant 80 : index
    %swap3A_1417 = tpu.vector_load %arg8[%swap3A_1415, %swap3A_1416] {strides = array<i32>} : memref<5x128xi32, #tpu.memory_space<vmem>>, vector<1x16xi32>,
    %swap3A_1418 = vector.shape_cast %swap3A_1417 : vector<1x16xi32> to vector<16xi32>
    %swap3A_1419 = vector.shape_cast %add3A_1413 : vector<16xi32> to vector<1x16xi32>
    tpu.vector_store %arg8[%swap3A_1415, %swap3A_1416], %swap3A_1419 {strides = array<i32>} : memref<5x128xi32, #tpu.memory_space<vmem>>, vector<1x16xi32>,
    %get3A_1420 = arith.constant 4 : i32
    %get3A_1421 = arith.index_cast %get3A_1420 : i32 to index
    %get3A_1422 = arith.constant 96 : index
    %get3A_1423 = tpu.vector_load %arg5[%get3A_1421, %get3A_1422] {strides = array<i32>} : memref<5x128xi32, #tpu.memory_space<vmem>>, vector<1x16xi32>,
    %get3A_1424 = vector.shape_cast %get3A_1423 : vector<1x16xi32> to vector<16xi32>
    %add3A_1425 = arith.addi %get3A_1424, %broadcast_in_dim3A_963 : vector<16xi32>
    %swap3A_1426 = arith.constant 4 : i32
    %swap3A_1427 = arith.index_cast %swap3A_1426 : i32 to index
    %swap3A_1428 = arith.constant 96 : index
    %swap3A_1429 = tpu.vector_load %arg8[%swap3A_1427, %swap3A_1428] {strides = array<i32>} : memref<5x128xi32, #tpu.memory_space<vmem>>, vector<1x16xi32>,
    %swap3A_1430 = vector.shape_cast %swap3A_1429 : vector<1x16xi32> to vector<16xi32>
    %swap3A_1431 = vector.shape_cast %add3A_1425 : vector<16xi32> to vector<1x16xi32>
    tpu.vector_store %arg8[%swap3A_1427, %swap3A_1428], %swap3A_1431 {strides = array<i32>} : memref<5x128xi32, #tpu.memory_space<vmem>>, vector<1x16xi32>,
    %get3A_1432 = arith.constant 4 : i32
    %get3A_1433 = arith.index_cast %get3A_1432 : i32 to index
    %get3A_1434 = arith.constant 112 : index
    %get3A_1435 = tpu.vector_load %arg5[%get3A_1433, %get3A_1434] {strides = array<i32>} : memref<5x128xi32, #tpu.memory_space<vmem>>, vector<1x16xi32>,
    %get3A_1436 = vector.shape_cast %get3A_1435 : vector<1x16xi32> to vector<16xi32>
    %add3A_1437 = arith.addi %get3A_1436, %broadcast_in_dim3A_963 : vector<16xi32>
    %swap3A_1438 = arith.constant 4 : i32
    %swap3A_1439 = arith.index_cast %swap3A_1438 : i32 to index
    %swap3A_1440 = arith.constant 112 : index
    %swap3A_1441 = tpu.vector_load %arg8[%swap3A_1439, %swap3A_1440] {strides = array<i32>} : memref<5x128xi32, #tpu.memory_space<vmem>>, vector<1x16xi32>,
    %swap3A_1442 = vector.shape_cast %swap3A_1441 : vector<1x16xi32> to vector<16xi32>
    %swap3A_1443 = vector.shape_cast %add3A_1437 : vector<16xi32> to vector<1x16xi32>
    tpu.vector_store %arg8[%swap3A_1439, %swap3A_1440], %swap3A_1443 {strides = array<i32>} : memref<5x128xi32, #tpu.memory_space<vmem>>, vector<1x16xi32>,
    %dma_start3A = arith.constant 0 : i32
    %dma_start3A_1444 = arith.constant 0 : i32
    %dma_start3A_1445 = tpu.memref_slice %arg9[%dma_start3A_1444] : memref<2560xf32, #tpu.memory_space<vmem>> -> memref<128xf32, #tpu.memory_space<vmem>>
    %dma_start3A_1446 = arith.constant 0 : i32
    %dma_start3A_1447 = tpu.memref_slice %arg5[%dma_start3A, %dma_start3A_1446] : memref<5x128xi32, #tpu.memory_space<vmem>> -> memref<1x128xi32, #tpu.memory_space<vmem>>
    %dma_start3A_1448 = tpu.memref_squeeze %dma_start3A_1447 : memref<1x128xi32, #tpu.memory_space<vmem>> -> memref<128xi32, #tpu.memory_space<vmem>>
    %dma_start3A_1449 = arith.constant 0 : i32
    %dma_start3A_1450 = tpu.memref_slice %arg3[%dma_start3A_1449] : memref<134400xf32, #tpu.memory_space<hbm>> -> memref<134400xf32, #tpu.memory_space<hbm>>
    tpu.enqueue_indirect_dma source(%dma_start3A_1450 : memref<134400xf32, #tpu.memory_space<hbm>>) target(%dma_start3A_1445 : memref<128xf32, #tpu.memory_space<vmem>>) offsets(%dma_start3A_1448 : memref<128xi32, #tpu.memory_space<vmem>>) semaphore(%arg10 : memref<!tpu.dma_semaphore, #tpu.memory_space<semaphore_mem>>)
    %dma_start3A_1451 = arith.constant 1 : i32
    %dma_start3A_1452 = arith.constant 128 : i32
    %dma_start3A_1453 = tpu.memref_slice %arg9[%dma_start3A_1452] : memref<2560xf32, #tpu.memory_space<vmem>> -> memref<128xf32, #tpu.memory_space<vmem>>
    %dma_start3A_1454 = arith.constant 0 : i32
    %dma_start3A_1455 = tpu.memref_slice %arg5[%dma_start3A_1451, %dma_start3A_1454] : memref<5x128xi32, #tpu.memory_space<vmem>> -> memref<1x128xi32, #tpu.memory_space<vmem>>
    %dma_start3A_1456 = tpu.memref_squeeze %dma_start3A_1455 : memref<1x128xi32, #tpu.memory_space<vmem>> -> memref<128xi32, #tpu.memory_space<vmem>>
    %dma_start3A_1457 = arith.constant 0 : i32
    %dma_start3A_1458 = tpu.memref_slice %arg3[%dma_start3A_1457] : memref<134400xf32, #tpu.memory_space<hbm>> -> memref<134400xf32, #tpu.memory_space<hbm>>
    tpu.enqueue_indirect_dma source(%dma_start3A_1458 : memref<134400xf32, #tpu.memory_space<hbm>>) target(%dma_start3A_1453 : memref<128xf32, #tpu.memory_space<vmem>>) offsets(%dma_start3A_1456 : memref<128xi32, #tpu.memory_space<vmem>>) semaphore(%arg10 : memref<!tpu.dma_semaphore, #tpu.memory_space<semaphore_mem>>)
    %dma_start3A_1459 = arith.constant 2 : i32
    %dma_start3A_1460 = arith.constant 256 : i32
    %dma_start3A_1461 = tpu.memref_slice %arg9[%dma_start3A_1460] : memref<2560xf32, #tpu.memory_space<vmem>> -> memref<128xf32, #tpu.memory_space<vmem>>
    %dma_start3A_1462 = arith.constant 0 : i32
    %dma_start3A_1463 = tpu.memref_slice %arg5[%dma_start3A_1459, %dma_start3A_1462] : memref<5x128xi32, #tpu.memory_space<vmem>> -> memref<1x128xi32, #tpu.memory_space<vmem>>
    %dma_start3A_1464 = tpu.memref_squeeze %dma_start3A_1463 : memref<1x128xi32, #tpu.memory_space<vmem>> -> memref<128xi32, #tpu.memory_space<vmem>>
    %dma_start3A_1465 = arith.constant 0 : i32
    %dma_start3A_1466 = tpu.memref_slice %arg3[%dma_start3A_1465] : memref<134400xf32, #tpu.memory_space<hbm>> -> memref<134400xf32, #tpu.memory_space<hbm>>
    tpu.enqueue_indirect_dma source(%dma_start3A_1466 : memref<134400xf32, #tpu.memory_space<hbm>>) target(%dma_start3A_1461 : memref<128xf32, #tpu.memory_space<vmem>>) offsets(%dma_start3A_1464 : memref<128xi32, #tpu.memory_space<vmem>>) semaphore(%arg10 : memref<!tpu.dma_semaphore, #tpu.memory_space<semaphore_mem>>)
    %dma_start3A_1467 = arith.constant 3 : i32
    %dma_start3A_1468 = arith.constant 384 : i32
    %dma_start3A_1469 = tpu.memref_slice %arg9[%dma_start3A_1468] : memref<2560xf32, #tpu.memory_space<vmem>> -> memref<128xf32, #tpu.memory_space<vmem>>
    %dma_start3A_1470 = arith.constant 0 : i32
    %dma_start3A_1471 = tpu.memref_slice %arg5[%dma_start3A_1467, %dma_start3A_1470] : memref<5x128xi32, #tpu.memory_space<vmem>> -> memref<1x128xi32, #tpu.memory_space<vmem>>
    %dma_start3A_1472 = tpu.memref_squeeze %dma_start3A_1471 : memref<1x128xi32, #tpu.memory_space<vmem>> -> memref<128xi32, #tpu.memory_space<vmem>>
    %dma_start3A_1473 = arith.constant 0 : i32
    %dma_start3A_1474 = tpu.memref_slice %arg3[%dma_start3A_1473] : memref<134400xf32, #tpu.memory_space<hbm>> -> memref<134400xf32, #tpu.memory_space<hbm>>
    tpu.enqueue_indirect_dma source(%dma_start3A_1474 : memref<134400xf32, #tpu.memory_space<hbm>>) target(%dma_start3A_1469 : memref<128xf32, #tpu.memory_space<vmem>>) offsets(%dma_start3A_1472 : memref<128xi32, #tpu.memory_space<vmem>>) semaphore(%arg10 : memref<!tpu.dma_semaphore, #tpu.memory_space<semaphore_mem>>)
    %dma_start3A_1475 = arith.constant 4 : i32
    %dma_start3A_1476 = arith.constant 512 : i32
    %dma_start3A_1477 = tpu.memref_slice %arg9[%dma_start3A_1476] : memref<2560xf32, #tpu.memory_space<vmem>> -> memref<128xf32, #tpu.memory_space<vmem>>
    %dma_start3A_1478 = arith.constant 0 : i32
    %dma_start3A_1479 = tpu.memref_slice %arg5[%dma_start3A_1475, %dma_start3A_1478] : memref<5x128xi32, #tpu.memory_space<vmem>> -> memref<1x128xi32, #tpu.memory_space<vmem>>
    %dma_start3A_1480 = tpu.memref_squeeze %dma_start3A_1479 : memref<1x128xi32, #tpu.memory_space<vmem>> -> memref<128xi32, #tpu.memory_space<vmem>>
    %dma_start3A_1481 = arith.constant 0 : i32
    %dma_start3A_1482 = tpu.memref_slice %arg3[%dma_start3A_1481] : memref<134400xf32, #tpu.memory_space<hbm>> -> memref<134400xf32, #tpu.memory_space<hbm>>
    tpu.enqueue_indirect_dma source(%dma_start3A_1482 : memref<134400xf32, #tpu.memory_space<hbm>>) target(%dma_start3A_1477 : memref<128xf32, #tpu.memory_space<vmem>>) offsets(%dma_start3A_1480 : memref<128xi32, #tpu.memory_space<vmem>>) semaphore(%arg10 : memref<!tpu.dma_semaphore, #tpu.memory_space<semaphore_mem>>)
    %dma_start3A_1483 = arith.constant 0 : i32
    %dma_start3A_1484 = arith.constant 640 : i32
    %dma_start3A_1485 = tpu.memref_slice %arg9[%dma_start3A_1484] : memref<2560xf32, #tpu.memory_space<vmem>> -> memref<128xf32, #tpu.memory_space<vmem>>
    %dma_start3A_1486 = arith.constant 0 : i32
    %dma_start3A_1487 = tpu.memref_slice %arg6[%dma_start3A_1483, %dma_start3A_1486] : memref<5x128xi32, #tpu.memory_space<vmem>> -> memref<1x128xi32, #tpu.memory_space<vmem>>
    %dma_start3A_1488 = tpu.memref_squeeze %dma_start3A_1487 : memref<1x128xi32, #tpu.memory_space<vmem>> -> memref<128xi32, #tpu.memory_space<vmem>>
    %dma_start3A_1489 = arith.constant 0 : i32
    %dma_start3A_1490 = tpu.memref_slice %arg3[%dma_start3A_1489] : memref<134400xf32, #tpu.memory_space<hbm>> -> memref<134400xf32, #tpu.memory_space<hbm>>
    tpu.enqueue_indirect_dma source(%dma_start3A_1490 : memref<134400xf32, #tpu.memory_space<hbm>>) target(%dma_start3A_1485 : memref<128xf32, #tpu.memory_space<vmem>>) offsets(%dma_start3A_1488 : memref<128xi32, #tpu.memory_space<vmem>>) semaphore(%arg10 : memref<!tpu.dma_semaphore, #tpu.memory_space<semaphore_mem>>)
    %dma_start3A_1491 = arith.constant 1 : i32
    %dma_start3A_1492 = arith.constant 768 : i32
    %dma_start3A_1493 = tpu.memref_slice %arg9[%dma_start3A_1492] : memref<2560xf32, #tpu.memory_space<vmem>> -> memref<128xf32, #tpu.memory_space<vmem>>
    %dma_start3A_1494 = arith.constant 0 : i32
    %dma_start3A_1495 = tpu.memref_slice %arg6[%dma_start3A_1491, %dma_start3A_1494] : memref<5x128xi32, #tpu.memory_space<vmem>> -> memref<1x128xi32, #tpu.memory_space<vmem>>
    %dma_start3A_1496 = tpu.memref_squeeze %dma_start3A_1495 : memref<1x128xi32, #tpu.memory_space<vmem>> -> memref<128xi32, #tpu.memory_space<vmem>>
    %dma_start3A_1497 = arith.constant 0 : i32
    %dma_start3A_1498 = tpu.memref_slice %arg3[%dma_start3A_1497] : memref<134400xf32, #tpu.memory_space<hbm>> -> memref<134400xf32, #tpu.memory_space<hbm>>
    tpu.enqueue_indirect_dma source(%dma_start3A_1498 : memref<134400xf32, #tpu.memory_space<hbm>>) target(%dma_start3A_1493 : memref<128xf32, #tpu.memory_space<vmem>>) offsets(%dma_start3A_1496 : memref<128xi32, #tpu.memory_space<vmem>>) semaphore(%arg10 : memref<!tpu.dma_semaphore, #tpu.memory_space<semaphore_mem>>)
    %dma_start3A_1499 = arith.constant 2 : i32
    %dma_start3A_1500 = arith.constant 896 : i32
    %dma_start3A_1501 = tpu.memref_slice %arg9[%dma_start3A_1500] : memref<2560xf32, #tpu.memory_space<vmem>> -> memref<128xf32, #tpu.memory_space<vmem>>
    %dma_start3A_1502 = arith.constant 0 : i32
    %dma_start3A_1503 = tpu.memref_slice %arg6[%dma_start3A_1499, %dma_start3A_1502] : memref<5x128xi32, #tpu.memory_space<vmem>> -> memref<1x128xi32, #tpu.memory_space<vmem>>
    %dma_start3A_1504 = tpu.memref_squeeze %dma_start3A_1503 : memref<1x128xi32, #tpu.memory_space<vmem>> -> memref<128xi32, #tpu.memory_space<vmem>>
    %dma_start3A_1505 = arith.constant 0 : i32
    %dma_start3A_1506 = tpu.memref_slice %arg3[%dma_start3A_1505] : memref<134400xf32, #tpu.memory_space<hbm>> -> memref<134400xf32, #tpu.memory_space<hbm>>
    tpu.enqueue_indirect_dma source(%dma_start3A_1506 : memref<134400xf32, #tpu.memory_space<hbm>>) target(%dma_start3A_1501 : memref<128xf32, #tpu.memory_space<vmem>>) offsets(%dma_start3A_1504 : memref<128xi32, #tpu.memory_space<vmem>>) semaphore(%arg10 : memref<!tpu.dma_semaphore, #tpu.memory_space<semaphore_mem>>)
    %dma_start3A_1507 = arith.constant 3 : i32
    %dma_start3A_1508 = arith.constant 1024 : i32
    %dma_start3A_1509 = tpu.memref_slice %arg9[%dma_start3A_1508] : memref<2560xf32, #tpu.memory_space<vmem>> -> memref<128xf32, #tpu.memory_space<vmem>>
    %dma_start3A_1510 = arith.constant 0 : i32
    %dma_start3A_1511 = tpu.memref_slice %arg6[%dma_start3A_1507, %dma_start3A_1510] : memref<5x128xi32, #tpu.memory_space<vmem>> -> memref<1x128xi32, #tpu.memory_space<vmem>>
    %dma_start3A_1512 = tpu.memref_squeeze %dma_start3A_1511 : memref<1x128xi32, #tpu.memory_space<vmem>> -> memref<128xi32, #tpu.memory_space<vmem>>
    %dma_start3A_1513 = arith.constant 0 : i32
    %dma_start3A_1514 = tpu.memref_slice %arg3[%dma_start3A_1513] : memref<134400xf32, #tpu.memory_space<hbm>> -> memref<134400xf32, #tpu.memory_space<hbm>>
    tpu.enqueue_indirect_dma source(%dma_start3A_1514 : memref<134400xf32, #tpu.memory_space<hbm>>) target(%dma_start3A_1509 : memref<128xf32, #tpu.memory_space<vmem>>) offsets(%dma_start3A_1512 : memref<128xi32, #tpu.memory_space<vmem>>) semaphore(%arg10 : memref<!tpu.dma_semaphore, #tpu.memory_space<semaphore_mem>>)
    %dma_start3A_1515 = arith.constant 4 : i32
    %dma_start3A_1516 = arith.constant 1152 : i32
    %dma_start3A_1517 = tpu.memref_slice %arg9[%dma_start3A_1516] : memref<2560xf32, #tpu.memory_space<vmem>> -> memref<128xf32, #tpu.memory_space<vmem>>
    %dma_start3A_1518 = arith.constant 0 : i32
    %dma_start3A_1519 = tpu.memref_slice %arg6[%dma_start3A_1515, %dma_start3A_1518] : memref<5x128xi32, #tpu.memory_space<vmem>> -> memref<1x128xi32, #tpu.memory_space<vmem>>
    %dma_start3A_1520 = tpu.memref_squeeze %dma_start3A_1519 : memref<1x128xi32, #tpu.memory_space<vmem>> -> memref<128xi32, #tpu.memory_space<vmem>>
    %dma_start3A_1521 = arith.constant 0 : i32
    %dma_start3A_1522 = tpu.memref_slice %arg3[%dma_start3A_1521] : memref<134400xf32, #tpu.memory_space<hbm>> -> memref<134400xf32, #tpu.memory_space<hbm>>
    tpu.enqueue_indirect_dma source(%dma_start3A_1522 : memref<134400xf32, #tpu.memory_space<hbm>>) target(%dma_start3A_1517 : memref<128xf32, #tpu.memory_space<vmem>>) offsets(%dma_start3A_1520 : memref<128xi32, #tpu.memory_space<vmem>>) semaphore(%arg10 : memref<!tpu.dma_semaphore, #tpu.memory_space<semaphore_mem>>)
    %dma_start3A_1523 = arith.constant 0 : i32
    %dma_start3A_1524 = arith.constant 1280 : i32
    %dma_start3A_1525 = tpu.memref_slice %arg9[%dma_start3A_1524] : memref<2560xf32, #tpu.memory_space<vmem>> -> memref<128xf32, #tpu.memory_space<vmem>>
    %dma_start3A_1526 = arith.constant 0 : i32
    %dma_start3A_1527 = tpu.memref_slice %arg7[%dma_start3A_1523, %dma_start3A_1526] : memref<5x128xi32, #tpu.memory_space<vmem>> -> memref<1x128xi32, #tpu.memory_space<vmem>>
    %dma_start3A_1528 = tpu.memref_squeeze %dma_start3A_1527 : memref<1x128xi32, #tpu.memory_space<vmem>> -> memref<128xi32, #tpu.memory_space<vmem>>
    %dma_start3A_1529 = arith.constant 0 : i32
    %dma_start3A_1530 = tpu.memref_slice %arg3[%dma_start3A_1529] : memref<134400xf32, #tpu.memory_space<hbm>> -> memref<134400xf32, #tpu.memory_space<hbm>>
    tpu.enqueue_indirect_dma source(%dma_start3A_1530 : memref<134400xf32, #tpu.memory_space<hbm>>) target(%dma_start3A_1525 : memref<128xf32, #tpu.memory_space<vmem>>) offsets(%dma_start3A_1528 : memref<128xi32, #tpu.memory_space<vmem>>) semaphore(%arg10 : memref<!tpu.dma_semaphore, #tpu.memory_space<semaphore_mem>>)
    %dma_start3A_1531 = arith.constant 1 : i32
    %dma_start3A_1532 = arith.constant 1408 : i32
    %dma_start3A_1533 = tpu.memref_slice %arg9[%dma_start3A_1532] : memref<2560xf32, #tpu.memory_space<vmem>> -> memref<128xf32, #tpu.memory_space<vmem>>
    %dma_start3A_1534 = arith.constant 0 : i32
    %dma_start3A_1535 = tpu.memref_slice %arg7[%dma_start3A_1531, %dma_start3A_1534] : memref<5x128xi32, #tpu.memory_space<vmem>> -> memref<1x128xi32, #tpu.memory_space<vmem>>
    %dma_start3A_1536 = tpu.memref_squeeze %dma_start3A_1535 : memref<1x128xi32, #tpu.memory_space<vmem>> -> memref<128xi32, #tpu.memory_space<vmem>>
    %dma_start3A_1537 = arith.constant 0 : i32
    %dma_start3A_1538 = tpu.memref_slice %arg3[%dma_start3A_1537] : memref<134400xf32, #tpu.memory_space<hbm>> -> memref<134400xf32, #tpu.memory_space<hbm>>
    tpu.enqueue_indirect_dma source(%dma_start3A_1538 : memref<134400xf32, #tpu.memory_space<hbm>>) target(%dma_start3A_1533 : memref<128xf32, #tpu.memory_space<vmem>>) offsets(%dma_start3A_1536 : memref<128xi32, #tpu.memory_space<vmem>>) semaphore(%arg10 : memref<!tpu.dma_semaphore, #tpu.memory_space<semaphore_mem>>)
    %dma_start3A_1539 = arith.constant 2 : i32
    %dma_start3A_1540 = arith.constant 1536 : i32
    %dma_start3A_1541 = tpu.memref_slice %arg9[%dma_start3A_1540] : memref<2560xf32, #tpu.memory_space<vmem>> -> memref<128xf32, #tpu.memory_space<vmem>>
    %dma_start3A_1542 = arith.constant 0 : i32
    %dma_start3A_1543 = tpu.memref_slice %arg7[%dma_start3A_1539, %dma_start3A_1542] : memref<5x128xi32, #tpu.memory_space<vmem>> -> memref<1x128xi32, #tpu.memory_space<vmem>>
    %dma_start3A_1544 = tpu.memref_squeeze %dma_start3A_1543 : memref<1x128xi32, #tpu.memory_space<vmem>> -> memref<128xi32, #tpu.memory_space<vmem>>
    %dma_start3A_1545 = arith.constant 0 : i32
    %dma_start3A_1546 = tpu.memref_slice %arg3[%dma_start3A_1545] : memref<134400xf32, #tpu.memory_space<hbm>> -> memref<134400xf32, #tpu.memory_space<hbm>>
    tpu.enqueue_indirect_dma source(%dma_start3A_1546 : memref<134400xf32, #tpu.memory_space<hbm>>) target(%dma_start3A_1541 : memref<128xf32, #tpu.memory_space<vmem>>) offsets(%dma_start3A_1544 : memref<128xi32, #tpu.memory_space<vmem>>) semaphore(%arg10 : memref<!tpu.dma_semaphore, #tpu.memory_space<semaphore_mem>>)
    %dma_start3A_1547 = arith.constant 3 : i32
    %dma_start3A_1548 = arith.constant 1664 : i32
    %dma_start3A_1549 = tpu.memref_slice %arg9[%dma_start3A_1548] : memref<2560xf32, #tpu.memory_space<vmem>> -> memref<128xf32, #tpu.memory_space<vmem>>
    %dma_start3A_1550 = arith.constant 0 : i32
    %dma_start3A_1551 = tpu.memref_slice %arg7[%dma_start3A_1547, %dma_start3A_1550] : memref<5x128xi32, #tpu.memory_space<vmem>> -> memref<1x128xi32, #tpu.memory_space<vmem>>
    %dma_start3A_1552 = tpu.memref_squeeze %dma_start3A_1551 : memref<1x128xi32, #tpu.memory_space<vmem>> -> memref<128xi32, #tpu.memory_space<vmem>>
    %dma_start3A_1553 = arith.constant 0 : i32
    %dma_start3A_1554 = tpu.memref_slice %arg3[%dma_start3A_1553] : memref<134400xf32, #tpu.memory_space<hbm>> -> memref<134400xf32, #tpu.memory_space<hbm>>
    tpu.enqueue_indirect_dma source(%dma_start3A_1554 : memref<134400xf32, #tpu.memory_space<hbm>>) target(%dma_start3A_1549 : memref<128xf32, #tpu.memory_space<vmem>>) offsets(%dma_start3A_1552 : memref<128xi32, #tpu.memory_space<vmem>>) semaphore(%arg10 : memref<!tpu.dma_semaphore, #tpu.memory_space<semaphore_mem>>)
    %dma_start3A_1555 = arith.constant 4 : i32
    %dma_start3A_1556 = arith.constant 1792 : i32
    %dma_start3A_1557 = tpu.memref_slice %arg9[%dma_start3A_1556] : memref<2560xf32, #tpu.memory_space<vmem>> -> memref<128xf32, #tpu.memory_space<vmem>>
    %dma_start3A_1558 = arith.constant 0 : i32
    %dma_start3A_1559 = tpu.memref_slice %arg7[%dma_start3A_1555, %dma_start3A_1558] : memref<5x128xi32, #tpu.memory_space<vmem>> -> memref<1x128xi32, #tpu.memory_space<vmem>>
    %dma_start3A_1560 = tpu.memref_squeeze %dma_start3A_1559 : memref<1x128xi32, #tpu.memory_space<vmem>> -> memref<128xi32, #tpu.memory_space<vmem>>
    %dma_start3A_1561 = arith.constant 0 : i32
    %dma_start3A_1562 = tpu.memref_slice %arg3[%dma_start3A_1561] : memref<134400xf32, #tpu.memory_space<hbm>> -> memref<134400xf32, #tpu.memory_space<hbm>>
    tpu.enqueue_indirect_dma source(%dma_start3A_1562 : memref<134400xf32, #tpu.memory_space<hbm>>) target(%dma_start3A_1557 : memref<128xf32, #tpu.memory_space<vmem>>) offsets(%dma_start3A_1560 : memref<128xi32, #tpu.memory_space<vmem>>) semaphore(%arg10 : memref<!tpu.dma_semaphore, #tpu.memory_space<semaphore_mem>>)
    %dma_start3A_1563 = arith.constant 0 : i32
    %dma_start3A_1564 = arith.constant 1920 : i32
    %dma_start3A_1565 = tpu.memref_slice %arg9[%dma_start3A_1564] : memref<2560xf32, #tpu.memory_space<vmem>> -> memref<128xf32, #tpu.memory_space<vmem>>
    %dma_start3A_1566 = arith.constant 0 : i32
    %dma_start3A_1567 = tpu.memref_slice %arg8[%dma_start3A_1563, %dma_start3A_1566] : memref<5x128xi32, #tpu.memory_space<vmem>> -> memref<1x128xi32, #tpu.memory_space<vmem>>
    %dma_start3A_1568 = tpu.memref_squeeze %dma_start3A_1567 : memref<1x128xi32, #tpu.memory_space<vmem>> -> memref<128xi32, #tpu.memory_space<vmem>>
    %dma_start3A_1569 = arith.constant 0 : i32
    %dma_start3A_1570 = tpu.memref_slice %arg3[%dma_start3A_1569] : memref<134400xf32, #tpu.memory_space<hbm>> -> memref<134400xf32, #tpu.memory_space<hbm>>
    tpu.enqueue_indirect_dma source(%dma_start3A_1570 : memref<134400xf32, #tpu.memory_space<hbm>>) target(%dma_start3A_1565 : memref<128xf32, #tpu.memory_space<vmem>>) offsets(%dma_start3A_1568 : memref<128xi32, #tpu.memory_space<vmem>>) semaphore(%arg10 : memref<!tpu.dma_semaphore, #tpu.memory_space<semaphore_mem>>)
    %dma_start3A_1571 = arith.constant 1 : i32
    %dma_start3A_1572 = arith.constant 2048 : i32
    %dma_start3A_1573 = tpu.memref_slice %arg9[%dma_start3A_1572] : memref<2560xf32, #tpu.memory_space<vmem>> -> memref<128xf32, #tpu.memory_space<vmem>>
    %dma_start3A_1574 = arith.constant 0 : i32
    %dma_start3A_1575 = tpu.memref_slice %arg8[%dma_start3A_1571, %dma_start3A_1574] : memref<5x128xi32, #tpu.memory_space<vmem>> -> memref<1x128xi32, #tpu.memory_space<vmem>>
    %dma_start3A_1576 = tpu.memref_squeeze %dma_start3A_1575 : memref<1x128xi32, #tpu.memory_space<vmem>> -> memref<128xi32, #tpu.memory_space<vmem>>
    %dma_start3A_1577 = arith.constant 0 : i32
    %dma_start3A_1578 = tpu.memref_slice %arg3[%dma_start3A_1577] : memref<134400xf32, #tpu.memory_space<hbm>> -> memref<134400xf32, #tpu.memory_space<hbm>>
    tpu.enqueue_indirect_dma source(%dma_start3A_1578 : memref<134400xf32, #tpu.memory_space<hbm>>) target(%dma_start3A_1573 : memref<128xf32, #tpu.memory_space<vmem>>) offsets(%dma_start3A_1576 : memref<128xi32, #tpu.memory_space<vmem>>) semaphore(%arg10 : memref<!tpu.dma_semaphore, #tpu.memory_space<semaphore_mem>>)
    %dma_start3A_1579 = arith.constant 2 : i32
    %dma_start3A_1580 = arith.constant 2176 : i32
    %dma_start3A_1581 = tpu.memref_slice %arg9[%dma_start3A_1580] : memref<2560xf32, #tpu.memory_space<vmem>> -> memref<128xf32, #tpu.memory_space<vmem>>
    %dma_start3A_1582 = arith.constant 0 : i32
    %dma_start3A_1583 = tpu.memref_slice %arg8[%dma_start3A_1579, %dma_start3A_1582] : memref<5x128xi32, #tpu.memory_space<vmem>> -> memref<1x128xi32, #tpu.memory_space<vmem>>
    %dma_start3A_1584 = tpu.memref_squeeze %dma_start3A_1583 : memref<1x128xi32, #tpu.memory_space<vmem>> -> memref<128xi32, #tpu.memory_space<vmem>>
    %dma_start3A_1585 = arith.constant 0 : i32
    %dma_start3A_1586 = tpu.memref_slice %arg3[%dma_start3A_1585] : memref<134400xf32, #tpu.memory_space<hbm>> -> memref<134400xf32, #tpu.memory_space<hbm>>
    tpu.enqueue_indirect_dma source(%dma_start3A_1586 : memref<134400xf32, #tpu.memory_space<hbm>>) target(%dma_start3A_1581 : memref<128xf32, #tpu.memory_space<vmem>>) offsets(%dma_start3A_1584 : memref<128xi32, #tpu.memory_space<vmem>>) semaphore(%arg10 : memref<!tpu.dma_semaphore, #tpu.memory_space<semaphore_mem>>)
    %dma_start3A_1587 = arith.constant 3 : i32
    %dma_start3A_1588 = arith.constant 2304 : i32
    %dma_start3A_1589 = tpu.memref_slice %arg9[%dma_start3A_1588] : memref<2560xf32, #tpu.memory_space<vmem>> -> memref<128xf32, #tpu.memory_space<vmem>>
    %dma_start3A_1590 = arith.constant 0 : i32
    %dma_start3A_1591 = tpu.memref_slice %arg8[%dma_start3A_1587, %dma_start3A_1590] : memref<5x128xi32, #tpu.memory_space<vmem>> -> memref<1x128xi32, #tpu.memory_space<vmem>>
    %dma_start3A_1592 = tpu.memref_squeeze %dma_start3A_1591 : memref<1x128xi32, #tpu.memory_space<vmem>> -> memref<128xi32, #tpu.memory_space<vmem>>
    %dma_start3A_1593 = arith.constant 0 : i32
    %dma_start3A_1594 = tpu.memref_slice %arg3[%dma_start3A_1593] : memref<134400xf32, #tpu.memory_space<hbm>> -> memref<134400xf32, #tpu.memory_space<hbm>>
    tpu.enqueue_indirect_dma source(%dma_start3A_1594 : memref<134400xf32, #tpu.memory_space<hbm>>) target(%dma_start3A_1589 : memref<128xf32, #tpu.memory_space<vmem>>) offsets(%dma_start3A_1592 : memref<128xi32, #tpu.memory_space<vmem>>) semaphore(%arg10 : memref<!tpu.dma_semaphore, #tpu.memory_space<semaphore_mem>>)
    %dma_start3A_1595 = arith.constant 4 : i32
    %dma_start3A_1596 = arith.constant 2432 : i32
    %dma_start3A_1597 = tpu.memref_slice %arg9[%dma_start3A_1596] : memref<2560xf32, #tpu.memory_space<vmem>> -> memref<128xf32, #tpu.memory_space<vmem>>
    %dma_start3A_1598 = arith.constant 0 : i32
    %dma_start3A_1599 = tpu.memref_slice %arg8[%dma_start3A_1595, %dma_start3A_1598] : memref<5x128xi32, #tpu.memory_space<vmem>> -> memref<1x128xi32, #tpu.memory_space<vmem>>
    %dma_start3A_1600 = tpu.memref_squeeze %dma_start3A_1599 : memref<1x128xi32, #tpu.memory_space<vmem>> -> memref<128xi32, #tpu.memory_space<vmem>>
    %dma_start3A_1601 = arith.constant 0 : i32
    %dma_start3A_1602 = tpu.memref_slice %arg3[%dma_start3A_1601] : memref<134400xf32, #tpu.memory_space<hbm>> -> memref<134400xf32, #tpu.memory_space<hbm>>
    tpu.enqueue_indirect_dma source(%dma_start3A_1602 : memref<134400xf32, #tpu.memory_space<hbm>>) target(%dma_start3A_1597 : memref<128xf32, #tpu.memory_space<vmem>>) offsets(%dma_start3A_1600 : memref<128xi32, #tpu.memory_space<vmem>>) semaphore(%arg10 : memref<!tpu.dma_semaphore, #tpu.memory_space<semaphore_mem>>)
    %dma_wait3A = arith.constant 0 : i32
    %dma_wait3A_1603 = arith.constant 0 : i32
    %dma_wait3A_1604 = tpu.memref_slice %arg9[%dma_wait3A_1603] : memref<2560xf32, #tpu.memory_space<vmem>> -> memref<128xf32, #tpu.memory_space<vmem>>
    %dma_wait3A_1605 = arith.constant 0 : i32
    %dma_wait3A_1606 = tpu.memref_slice %arg5[%dma_wait3A, %dma_wait3A_1605] : memref<5x128xi32, #tpu.memory_space<vmem>> -> memref<1x128xi32, #tpu.memory_space<vmem>>
    %dma_wait3A_1607 = tpu.memref_squeeze %dma_wait3A_1606 : memref<1x128xi32, #tpu.memory_space<vmem>> -> memref<128xi32, #tpu.memory_space<vmem>>
    %dma_wait3A_1608 = arith.constant 0 : i32
    %dma_wait3A_1609 = tpu.memref_slice %arg3[%dma_wait3A_1608] : memref<134400xf32, #tpu.memory_space<hbm>> -> memref<134400xf32, #tpu.memory_space<hbm>>
    tpu.wait_indirect_dma semaphore(%arg10 : memref<!tpu.dma_semaphore, #tpu.memory_space<semaphore_mem>>) src(%dma_wait3A_1609 : memref<134400xf32, #tpu.memory_space<hbm>>) dst(%dma_wait3A_1604 : memref<128xf32, #tpu.memory_space<vmem>>)
    %dma_wait3A_1610 = arith.constant 1 : i32
    %dma_wait3A_1611 = arith.constant 128 : i32
    %dma_wait3A_1612 = tpu.memref_slice %arg9[%dma_wait3A_1611] : memref<2560xf32, #tpu.memory_space<vmem>> -> memref<128xf32, #tpu.memory_space<vmem>>
    %dma_wait3A_1613 = arith.constant 0 : i32
    %dma_wait3A_1614 = tpu.memref_slice %arg5[%dma_wait3A_1610, %dma_wait3A_1613] : memref<5x128xi32, #tpu.memory_space<vmem>> -> memref<1x128xi32, #tpu.memory_space<vmem>>
    %dma_wait3A_1615 = tpu.memref_squeeze %dma_wait3A_1614 : memref<1x128xi32, #tpu.memory_space<vmem>> -> memref<128xi32, #tpu.memory_space<vmem>>
    %dma_wait3A_1616 = arith.constant 0 : i32
    %dma_wait3A_1617 = tpu.memref_slice %arg3[%dma_wait3A_1616] : memref<134400xf32, #tpu.memory_space<hbm>> -> memref<134400xf32, #tpu.memory_space<hbm>>
    tpu.wait_indirect_dma semaphore(%arg10 : memref<!tpu.dma_semaphore, #tpu.memory_space<semaphore_mem>>) src(%dma_wait3A_1617 : memref<134400xf32, #tpu.memory_space<hbm>>) dst(%dma_wait3A_1612 : memref<128xf32, #tpu.memory_space<vmem>>)
    %dma_wait3A_1618 = arith.constant 2 : i32
    %dma_wait3A_1619 = arith.constant 256 : i32
    %dma_wait3A_1620 = tpu.memref_slice %arg9[%dma_wait3A_1619] : memref<2560xf32, #tpu.memory_space<vmem>> -> memref<128xf32, #tpu.memory_space<vmem>>
    %dma_wait3A_1621 = arith.constant 0 : i32
    %dma_wait3A_1622 = tpu.memref_slice %arg5[%dma_wait3A_1618, %dma_wait3A_1621] : memref<5x128xi32, #tpu.memory_space<vmem>> -> memref<1x128xi32, #tpu.memory_space<vmem>>
    %dma_wait3A_1623 = tpu.memref_squeeze %dma_wait3A_1622 : memref<1x128xi32, #tpu.memory_space<vmem>> -> memref<128xi32, #tpu.memory_space<vmem>>
    %dma_wait3A_1624 = arith.constant 0 : i32
    %dma_wait3A_1625 = tpu.memref_slice %arg3[%dma_wait3A_1624] : memref<134400xf32, #tpu.memory_space<hbm>> -> memref<134400xf32, #tpu.memory_space<hbm>>
    tpu.wait_indirect_dma semaphore(%arg10 : memref<!tpu.dma_semaphore, #tpu.memory_space<semaphore_mem>>) src(%dma_wait3A_1625 : memref<134400xf32, #tpu.memory_space<hbm>>) dst(%dma_wait3A_1620 : memref<128xf32, #tpu.memory_space<vmem>>)
    %dma_wait3A_1626 = arith.constant 3 : i32
    %dma_wait3A_1627 = arith.constant 384 : i32
    %dma_wait3A_1628 = tpu.memref_slice %arg9[%dma_wait3A_1627] : memref<2560xf32, #tpu.memory_space<vmem>> -> memref<128xf32, #tpu.memory_space<vmem>>
    %dma_wait3A_1629 = arith.constant 0 : i32
    %dma_wait3A_1630 = tpu.memref_slice %arg5[%dma_wait3A_1626, %dma_wait3A_1629] : memref<5x128xi32, #tpu.memory_space<vmem>> -> memref<1x128xi32, #tpu.memory_space<vmem>>
    %dma_wait3A_1631 = tpu.memref_squeeze %dma_wait3A_1630 : memref<1x128xi32, #tpu.memory_space<vmem>> -> memref<128xi32, #tpu.memory_space<vmem>>
    %dma_wait3A_1632 = arith.constant 0 : i32
    %dma_wait3A_1633 = tpu.memref_slice %arg3[%dma_wait3A_1632] : memref<134400xf32, #tpu.memory_space<hbm>> -> memref<134400xf32, #tpu.memory_space<hbm>>
    tpu.wait_indirect_dma semaphore(%arg10 : memref<!tpu.dma_semaphore, #tpu.memory_space<semaphore_mem>>) src(%dma_wait3A_1633 : memref<134400xf32, #tpu.memory_space<hbm>>) dst(%dma_wait3A_1628 : memref<128xf32, #tpu.memory_space<vmem>>)
    %dma_wait3A_1634 = arith.constant 4 : i32
    %dma_wait3A_1635 = arith.constant 512 : i32
    %dma_wait3A_1636 = tpu.memref_slice %arg9[%dma_wait3A_1635] : memref<2560xf32, #tpu.memory_space<vmem>> -> memref<128xf32, #tpu.memory_space<vmem>>
    %dma_wait3A_1637 = arith.constant 0 : i32
    %dma_wait3A_1638 = tpu.memref_slice %arg5[%dma_wait3A_1634, %dma_wait3A_1637] : memref<5x128xi32, #tpu.memory_space<vmem>> -> memref<1x128xi32, #tpu.memory_space<vmem>>
    %dma_wait3A_1639 = tpu.memref_squeeze %dma_wait3A_1638 : memref<1x128xi32, #tpu.memory_space<vmem>> -> memref<128xi32, #tpu.memory_space<vmem>>
    %dma_wait3A_1640 = arith.constant 0 : i32
    %dma_wait3A_1641 = tpu.memref_slice %arg3[%dma_wait3A_1640] : memref<134400xf32, #tpu.memory_space<hbm>> -> memref<134400xf32, #tpu.memory_space<hbm>>
    tpu.wait_indirect_dma semaphore(%arg10 : memref<!tpu.dma_semaphore, #tpu.memory_space<semaphore_mem>>) src(%dma_wait3A_1641 : memref<134400xf32, #tpu.memory_space<hbm>>) dst(%dma_wait3A_1636 : memref<128xf32, #tpu.memory_space<vmem>>)
    %dma_wait3A_1642 = arith.constant 0 : i32
    %dma_wait3A_1643 = arith.constant 640 : i32
    %dma_wait3A_1644 = tpu.memref_slice %arg9[%dma_wait3A_1643] : memref<2560xf32, #tpu.memory_space<vmem>> -> memref<128xf32, #tpu.memory_space<vmem>>
    %dma_wait3A_1645 = arith.constant 0 : i32
    %dma_wait3A_1646 = tpu.memref_slice %arg6[%dma_wait3A_1642, %dma_wait3A_1645] : memref<5x128xi32, #tpu.memory_space<vmem>> -> memref<1x128xi32, #tpu.memory_space<vmem>>
    %dma_wait3A_1647 = tpu.memref_squeeze %dma_wait3A_1646 : memref<1x128xi32, #tpu.memory_space<vmem>> -> memref<128xi32, #tpu.memory_space<vmem>>
    %dma_wait3A_1648 = arith.constant 0 : i32
    %dma_wait3A_1649 = tpu.memref_slice %arg3[%dma_wait3A_1648] : memref<134400xf32, #tpu.memory_space<hbm>> -> memref<134400xf32, #tpu.memory_space<hbm>>
    tpu.wait_indirect_dma semaphore(%arg10 : memref<!tpu.dma_semaphore, #tpu.memory_space<semaphore_mem>>) src(%dma_wait3A_1649 : memref<134400xf32, #tpu.memory_space<hbm>>) dst(%dma_wait3A_1644 : memref<128xf32, #tpu.memory_space<vmem>>)
    %dma_wait3A_1650 = arith.constant 1 : i32
    %dma_wait3A_1651 = arith.constant 768 : i32
    %dma_wait3A_1652 = tpu.memref_slice %arg9[%dma_wait3A_1651] : memref<2560xf32, #tpu.memory_space<vmem>> -> memref<128xf32, #tpu.memory_space<vmem>>
    %dma_wait3A_1653 = arith.constant 0 : i32
    %dma_wait3A_1654 = tpu.memref_slice %arg6[%dma_wait3A_1650, %dma_wait3A_1653] : memref<5x128xi32, #tpu.memory_space<vmem>> -> memref<1x128xi32, #tpu.memory_space<vmem>>
    %dma_wait3A_1655 = tpu.memref_squeeze %dma_wait3A_1654 : memref<1x128xi32, #tpu.memory_space<vmem>> -> memref<128xi32, #tpu.memory_space<vmem>>
    %dma_wait3A_1656 = arith.constant 0 : i32
    %dma_wait3A_1657 = tpu.memref_slice %arg3[%dma_wait3A_1656] : memref<134400xf32, #tpu.memory_space<hbm>> -> memref<134400xf32, #tpu.memory_space<hbm>>
    tpu.wait_indirect_dma semaphore(%arg10 : memref<!tpu.dma_semaphore, #tpu.memory_space<semaphore_mem>>) src(%dma_wait3A_1657 : memref<134400xf32, #tpu.memory_space<hbm>>) dst(%dma_wait3A_1652 : memref<128xf32, #tpu.memory_space<vmem>>)
    %dma_wait3A_1658 = arith.constant 2 : i32
    %dma_wait3A_1659 = arith.constant 896 : i32
    %dma_wait3A_1660 = tpu.memref_slice %arg9[%dma_wait3A_1659] : memref<2560xf32, #tpu.memory_space<vmem>> -> memref<128xf32, #tpu.memory_space<vmem>>
    %dma_wait3A_1661 = arith.constant 0 : i32
    %dma_wait3A_1662 = tpu.memref_slice %arg6[%dma_wait3A_1658, %dma_wait3A_1661] : memref<5x128xi32, #tpu.memory_space<vmem>> -> memref<1x128xi32, #tpu.memory_space<vmem>>
    %dma_wait3A_1663 = tpu.memref_squeeze %dma_wait3A_1662 : memref<1x128xi32, #tpu.memory_space<vmem>> -> memref<128xi32, #tpu.memory_space<vmem>>
    %dma_wait3A_1664 = arith.constant 0 : i32
    %dma_wait3A_1665 = tpu.memref_slice %arg3[%dma_wait3A_1664] : memref<134400xf32, #tpu.memory_space<hbm>> -> memref<134400xf32, #tpu.memory_space<hbm>>
    tpu.wait_indirect_dma semaphore(%arg10 : memref<!tpu.dma_semaphore, #tpu.memory_space<semaphore_mem>>) src(%dma_wait3A_1665 : memref<134400xf32, #tpu.memory_space<hbm>>) dst(%dma_wait3A_1660 : memref<128xf32, #tpu.memory_space<vmem>>)
    %dma_wait3A_1666 = arith.constant 3 : i32
    %dma_wait3A_1667 = arith.constant 1024 : i32
    %dma_wait3A_1668 = tpu.memref_slice %arg9[%dma_wait3A_1667] : memref<2560xf32, #tpu.memory_space<vmem>> -> memref<128xf32, #tpu.memory_space<vmem>>
    %dma_wait3A_1669 = arith.constant 0 : i32
    %dma_wait3A_1670 = tpu.memref_slice %arg6[%dma_wait3A_1666, %dma_wait3A_1669] : memref<5x128xi32, #tpu.memory_space<vmem>> -> memref<1x128xi32, #tpu.memory_space<vmem>>
    %dma_wait3A_1671 = tpu.memref_squeeze %dma_wait3A_1670 : memref<1x128xi32, #tpu.memory_space<vmem>> -> memref<128xi32, #tpu.memory_space<vmem>>
    %dma_wait3A_1672 = arith.constant 0 : i32
    %dma_wait3A_1673 = tpu.memref_slice %arg3[%dma_wait3A_1672] : memref<134400xf32, #tpu.memory_space<hbm>> -> memref<134400xf32, #tpu.memory_space<hbm>>
    tpu.wait_indirect_dma semaphore(%arg10 : memref<!tpu.dma_semaphore, #tpu.memory_space<semaphore_mem>>) src(%dma_wait3A_1673 : memref<134400xf32, #tpu.memory_space<hbm>>) dst(%dma_wait3A_1668 : memref<128xf32, #tpu.memory_space<vmem>>)
    %dma_wait3A_1674 = arith.constant 4 : i32
    %dma_wait3A_1675 = arith.constant 1152 : i32
    %dma_wait3A_1676 = tpu.memref_slice %arg9[%dma_wait3A_1675] : memref<2560xf32, #tpu.memory_space<vmem>> -> memref<128xf32, #tpu.memory_space<vmem>>
    %dma_wait3A_1677 = arith.constant 0 : i32
    %dma_wait3A_1678 = tpu.memref_slice %arg6[%dma_wait3A_1674, %dma_wait3A_1677] : memref<5x128xi32, #tpu.memory_space<vmem>> -> memref<1x128xi32, #tpu.memory_space<vmem>>
    %dma_wait3A_1679 = tpu.memref_squeeze %dma_wait3A_1678 : memref<1x128xi32, #tpu.memory_space<vmem>> -> memref<128xi32, #tpu.memory_space<vmem>>
    %dma_wait3A_1680 = arith.constant 0 : i32
    %dma_wait3A_1681 = tpu.memref_slice %arg3[%dma_wait3A_1680] : memref<134400xf32, #tpu.memory_space<hbm>> -> memref<134400xf32, #tpu.memory_space<hbm>>
    tpu.wait_indirect_dma semaphore(%arg10 : memref<!tpu.dma_semaphore, #tpu.memory_space<semaphore_mem>>) src(%dma_wait3A_1681 : memref<134400xf32, #tpu.memory_space<hbm>>) dst(%dma_wait3A_1676 : memref<128xf32, #tpu.memory_space<vmem>>)
    %dma_wait3A_1682 = arith.constant 0 : i32
    %dma_wait3A_1683 = arith.constant 1280 : i32
    %dma_wait3A_1684 = tpu.memref_slice %arg9[%dma_wait3A_1683] : memref<2560xf32, #tpu.memory_space<vmem>> -> memref<128xf32, #tpu.memory_space<vmem>>
    %dma_wait3A_1685 = arith.constant 0 : i32
    %dma_wait3A_1686 = tpu.memref_slice %arg7[%dma_wait3A_1682, %dma_wait3A_1685] : memref<5x128xi32, #tpu.memory_space<vmem>> -> memref<1x128xi32, #tpu.memory_space<vmem>>
    %dma_wait3A_1687 = tpu.memref_squeeze %dma_wait3A_1686 : memref<1x128xi32, #tpu.memory_space<vmem>> -> memref<128xi32, #tpu.memory_space<vmem>>
    %dma_wait3A_1688 = arith.constant 0 : i32
    %dma_wait3A_1689 = tpu.memref_slice %arg3[%dma_wait3A_1688] : memref<134400xf32, #tpu.memory_space<hbm>> -> memref<134400xf32, #tpu.memory_space<hbm>>
    tpu.wait_indirect_dma semaphore(%arg10 : memref<!tpu.dma_semaphore, #tpu.memory_space<semaphore_mem>>) src(%dma_wait3A_1689 : memref<134400xf32, #tpu.memory_space<hbm>>) dst(%dma_wait3A_1684 : memref<128xf32, #tpu.memory_space<vmem>>)
    %dma_wait3A_1690 = arith.constant 1 : i32
    %dma_wait3A_1691 = arith.constant 1408 : i32
    %dma_wait3A_1692 = tpu.memref_slice %arg9[%dma_wait3A_1691] : memref<2560xf32, #tpu.memory_space<vmem>> -> memref<128xf32, #tpu.memory_space<vmem>>
    %dma_wait3A_1693 = arith.constant 0 : i32
    %dma_wait3A_1694 = tpu.memref_slice %arg7[%dma_wait3A_1690, %dma_wait3A_1693] : memref<5x128xi32, #tpu.memory_space<vmem>> -> memref<1x128xi32, #tpu.memory_space<vmem>>
    %dma_wait3A_1695 = tpu.memref_squeeze %dma_wait3A_1694 : memref<1x128xi32, #tpu.memory_space<vmem>> -> memref<128xi32, #tpu.memory_space<vmem>>
    %dma_wait3A_1696 = arith.constant 0 : i32
    %dma_wait3A_1697 = tpu.memref_slice %arg3[%dma_wait3A_1696] : memref<134400xf32, #tpu.memory_space<hbm>> -> memref<134400xf32, #tpu.memory_space<hbm>>
    tpu.wait_indirect_dma semaphore(%arg10 : memref<!tpu.dma_semaphore, #tpu.memory_space<semaphore_mem>>) src(%dma_wait3A_1697 : memref<134400xf32, #tpu.memory_space<hbm>>) dst(%dma_wait3A_1692 : memref<128xf32, #tpu.memory_space<vmem>>)
    %dma_wait3A_1698 = arith.constant 2 : i32
    %dma_wait3A_1699 = arith.constant 1536 : i32
    %dma_wait3A_1700 = tpu.memref_slice %arg9[%dma_wait3A_1699] : memref<2560xf32, #tpu.memory_space<vmem>> -> memref<128xf32, #tpu.memory_space<vmem>>
    %dma_wait3A_1701 = arith.constant 0 : i32
    %dma_wait3A_1702 = tpu.memref_slice %arg7[%dma_wait3A_1698, %dma_wait3A_1701] : memref<5x128xi32, #tpu.memory_space<vmem>> -> memref<1x128xi32, #tpu.memory_space<vmem>>
    %dma_wait3A_1703 = tpu.memref_squeeze %dma_wait3A_1702 : memref<1x128xi32, #tpu.memory_space<vmem>> -> memref<128xi32, #tpu.memory_space<vmem>>
    %dma_wait3A_1704 = arith.constant 0 : i32
    %dma_wait3A_1705 = tpu.memref_slice %arg3[%dma_wait3A_1704] : memref<134400xf32, #tpu.memory_space<hbm>> -> memref<134400xf32, #tpu.memory_space<hbm>>
    tpu.wait_indirect_dma semaphore(%arg10 : memref<!tpu.dma_semaphore, #tpu.memory_space<semaphore_mem>>) src(%dma_wait3A_1705 : memref<134400xf32, #tpu.memory_space<hbm>>) dst(%dma_wait3A_1700 : memref<128xf32, #tpu.memory_space<vmem>>)
    %dma_wait3A_1706 = arith.constant 3 : i32
    %dma_wait3A_1707 = arith.constant 1664 : i32
    %dma_wait3A_1708 = tpu.memref_slice %arg9[%dma_wait3A_1707] : memref<2560xf32, #tpu.memory_space<vmem>> -> memref<128xf32, #tpu.memory_space<vmem>>
    %dma_wait3A_1709 = arith.constant 0 : i32
    %dma_wait3A_1710 = tpu.memref_slice %arg7[%dma_wait3A_1706, %dma_wait3A_1709] : memref<5x128xi32, #tpu.memory_space<vmem>> -> memref<1x128xi32, #tpu.memory_space<vmem>>
    %dma_wait3A_1711 = tpu.memref_squeeze %dma_wait3A_1710 : memref<1x128xi32, #tpu.memory_space<vmem>> -> memref<128xi32, #tpu.memory_space<vmem>>
    %dma_wait3A_1712 = arith.constant 0 : i32
    %dma_wait3A_1713 = tpu.memref_slice %arg3[%dma_wait3A_1712] : memref<134400xf32, #tpu.memory_space<hbm>> -> memref<134400xf32, #tpu.memory_space<hbm>>
    tpu.wait_indirect_dma semaphore(%arg10 : memref<!tpu.dma_semaphore, #tpu.memory_space<semaphore_mem>>) src(%dma_wait3A_1713 : memref<134400xf32, #tpu.memory_space<hbm>>) dst(%dma_wait3A_1708 : memref<128xf32, #tpu.memory_space<vmem>>)
    %dma_wait3A_1714 = arith.constant 4 : i32
    %dma_wait3A_1715 = arith.constant 1792 : i32
    %dma_wait3A_1716 = tpu.memref_slice %arg9[%dma_wait3A_1715] : memref<2560xf32, #tpu.memory_space<vmem>> -> memref<128xf32, #tpu.memory_space<vmem>>
    %dma_wait3A_1717 = arith.constant 0 : i32
    %dma_wait3A_1718 = tpu.memref_slice %arg7[%dma_wait3A_1714, %dma_wait3A_1717] : memref<5x128xi32, #tpu.memory_space<vmem>> -> memref<1x128xi32, #tpu.memory_space<vmem>>
    %dma_wait3A_1719 = tpu.memref_squeeze %dma_wait3A_1718 : memref<1x128xi32, #tpu.memory_space<vmem>> -> memref<128xi32, #tpu.memory_space<vmem>>
    %dma_wait3A_1720 = arith.constant 0 : i32
    %dma_wait3A_1721 = tpu.memref_slice %arg3[%dma_wait3A_1720] : memref<134400xf32, #tpu.memory_space<hbm>> -> memref<134400xf32, #tpu.memory_space<hbm>>
    tpu.wait_indirect_dma semaphore(%arg10 : memref<!tpu.dma_semaphore, #tpu.memory_space<semaphore_mem>>) src(%dma_wait3A_1721 : memref<134400xf32, #tpu.memory_space<hbm>>) dst(%dma_wait3A_1716 : memref<128xf32, #tpu.memory_space<vmem>>)
    %dma_wait3A_1722 = arith.constant 0 : i32
    %dma_wait3A_1723 = arith.constant 1920 : i32
    %dma_wait3A_1724 = tpu.memref_slice %arg9[%dma_wait3A_1723] : memref<2560xf32, #tpu.memory_space<vmem>> -> memref<128xf32, #tpu.memory_space<vmem>>
    %dma_wait3A_1725 = arith.constant 0 : i32
    %dma_wait3A_1726 = tpu.memref_slice %arg8[%dma_wait3A_1722, %dma_wait3A_1725] : memref<5x128xi32, #tpu.memory_space<vmem>> -> memref<1x128xi32, #tpu.memory_space<vmem>>
    %dma_wait3A_1727 = tpu.memref_squeeze %dma_wait3A_1726 : memref<1x128xi32, #tpu.memory_space<vmem>> -> memref<128xi32, #tpu.memory_space<vmem>>
    %dma_wait3A_1728 = arith.constant 0 : i32
    %dma_wait3A_1729 = tpu.memref_slice %arg3[%dma_wait3A_1728] : memref<134400xf32, #tpu.memory_space<hbm>> -> memref<134400xf32, #tpu.memory_space<hbm>>
    tpu.wait_indirect_dma semaphore(%arg10 : memref<!tpu.dma_semaphore, #tpu.memory_space<semaphore_mem>>) src(%dma_wait3A_1729 : memref<134400xf32, #tpu.memory_space<hbm>>) dst(%dma_wait3A_1724 : memref<128xf32, #tpu.memory_space<vmem>>)
    %dma_wait3A_1730 = arith.constant 1 : i32
    %dma_wait3A_1731 = arith.constant 2048 : i32
    %dma_wait3A_1732 = tpu.memref_slice %arg9[%dma_wait3A_1731] : memref<2560xf32, #tpu.memory_space<vmem>> -> memref<128xf32, #tpu.memory_space<vmem>>
    %dma_wait3A_1733 = arith.constant 0 : i32
    %dma_wait3A_1734 = tpu.memref_slice %arg8[%dma_wait3A_1730, %dma_wait3A_1733] : memref<5x128xi32, #tpu.memory_space<vmem>> -> memref<1x128xi32, #tpu.memory_space<vmem>>
    %dma_wait3A_1735 = tpu.memref_squeeze %dma_wait3A_1734 : memref<1x128xi32, #tpu.memory_space<vmem>> -> memref<128xi32, #tpu.memory_space<vmem>>
    %dma_wait3A_1736 = arith.constant 0 : i32
    %dma_wait3A_1737 = tpu.memref_slice %arg3[%dma_wait3A_1736] : memref<134400xf32, #tpu.memory_space<hbm>> -> memref<134400xf32, #tpu.memory_space<hbm>>
    tpu.wait_indirect_dma semaphore(%arg10 : memref<!tpu.dma_semaphore, #tpu.memory_space<semaphore_mem>>) src(%dma_wait3A_1737 : memref<134400xf32, #tpu.memory_space<hbm>>) dst(%dma_wait3A_1732 : memref<128xf32, #tpu.memory_space<vmem>>)
    %dma_wait3A_1738 = arith.constant 2 : i32
    %dma_wait3A_1739 = arith.constant 2176 : i32
    %dma_wait3A_1740 = tpu.memref_slice %arg9[%dma_wait3A_1739] : memref<2560xf32, #tpu.memory_space<vmem>> -> memref<128xf32, #tpu.memory_space<vmem>>
    %dma_wait3A_1741 = arith.constant 0 : i32
    %dma_wait3A_1742 = tpu.memref_slice %arg8[%dma_wait3A_1738, %dma_wait3A_1741] : memref<5x128xi32, #tpu.memory_space<vmem>> -> memref<1x128xi32, #tpu.memory_space<vmem>>
    %dma_wait3A_1743 = tpu.memref_squeeze %dma_wait3A_1742 : memref<1x128xi32, #tpu.memory_space<vmem>> -> memref<128xi32, #tpu.memory_space<vmem>>
    %dma_wait3A_1744 = arith.constant 0 : i32
    %dma_wait3A_1745 = tpu.memref_slice %arg3[%dma_wait3A_1744] : memref<134400xf32, #tpu.memory_space<hbm>> -> memref<134400xf32, #tpu.memory_space<hbm>>
    tpu.wait_indirect_dma semaphore(%arg10 : memref<!tpu.dma_semaphore, #tpu.memory_space<semaphore_mem>>) src(%dma_wait3A_1745 : memref<134400xf32, #tpu.memory_space<hbm>>) dst(%dma_wait3A_1740 : memref<128xf32, #tpu.memory_space<vmem>>)
    %dma_wait3A_1746 = arith.constant 3 : i32
    %dma_wait3A_1747 = arith.constant 2304 : i32
    %dma_wait3A_1748 = tpu.memref_slice %arg9[%dma_wait3A_1747] : memref<2560xf32, #tpu.memory_space<vmem>> -> memref<128xf32, #tpu.memory_space<vmem>>
    %dma_wait3A_1749 = arith.constant 0 : i32
    %dma_wait3A_1750 = tpu.memref_slice %arg8[%dma_wait3A_1746, %dma_wait3A_1749] : memref<5x128xi32, #tpu.memory_space<vmem>> -> memref<1x128xi32, #tpu.memory_space<vmem>>
    %dma_wait3A_1751 = tpu.memref_squeeze %dma_wait3A_1750 : memref<1x128xi32, #tpu.memory_space<vmem>> -> memref<128xi32, #tpu.memory_space<vmem>>
    %dma_wait3A_1752 = arith.constant 0 : i32
    %dma_wait3A_1753 = tpu.memref_slice %arg3[%dma_wait3A_1752] : memref<134400xf32, #tpu.memory_space<hbm>> -> memref<134400xf32, #tpu.memory_space<hbm>>
    tpu.wait_indirect_dma semaphore(%arg10 : memref<!tpu.dma_semaphore, #tpu.memory_space<semaphore_mem>>) src(%dma_wait3A_1753 : memref<134400xf32, #tpu.memory_space<hbm>>) dst(%dma_wait3A_1748 : memref<128xf32, #tpu.memory_space<vmem>>)
    %dma_wait3A_1754 = arith.constant 4 : i32
    %dma_wait3A_1755 = arith.constant 2432 : i32
    %dma_wait3A_1756 = tpu.memref_slice %arg9[%dma_wait3A_1755] : memref<2560xf32, #tpu.memory_space<vmem>> -> memref<128xf32, #tpu.memory_space<vmem>>
    %dma_wait3A_1757 = arith.constant 0 : i32
    %dma_wait3A_1758 = tpu.memref_slice %arg8[%dma_wait3A_1754, %dma_wait3A_1757] : memref<5x128xi32, #tpu.memory_space<vmem>> -> memref<1x128xi32, #tpu.memory_space<vmem>>
    %dma_wait3A_1759 = tpu.memref_squeeze %dma_wait3A_1758 : memref<1x128xi32, #tpu.memory_space<vmem>> -> memref<128xi32, #tpu.memory_space<vmem>>
    %dma_wait3A_1760 = arith.constant 0 : i32
    %dma_wait3A_1761 = tpu.memref_slice %arg3[%dma_wait3A_1760] : memref<134400xf32, #tpu.memory_space<hbm>> -> memref<134400xf32, #tpu.memory_space<hbm>>
    tpu.wait_indirect_dma semaphore(%arg10 : memref<!tpu.dma_semaphore, #tpu.memory_space<semaphore_mem>>) src(%dma_wait3A_1761 : memref<134400xf32, #tpu.memory_space<hbm>>) dst(%dma_wait3A_1756 : memref<128xf32, #tpu.memory_space<vmem>>)
    %mul3A_1762 = arith.constant 640 : i32
    %mul3A_1763 = arith.muli %add3A, %mul3A_1762 : i32
    %run_scoped3A = arith.constant 0 : i32
    "tpu.region"() ({
      %run_scoped3A_1773 = tpu.sem_alloc : memref<!tpu.dma_semaphore, #tpu.memory_space<semaphore_mem>>
      %dma_start3A_1774 = arith.constant 0 : i32
      %dma_start3A_1775 = tpu.memref_slice %arg9[%dma_start3A_1774] : memref<2560xf32, #tpu.memory_space<vmem>> -> memref<640xf32, #tpu.memory_space<vmem>>
      %dma_start3A_1776 = tpu.memref_slice %arg4[%run_scoped3A, %mul3A_1763] : memref<4x20480xf32, #tpu.memory_space<hbm>> -> memref<1x640xf32, #tpu.memory_space<hbm>>
      %dma_start3A_1777 = tpu.memref_squeeze %dma_start3A_1776 : memref<1x640xf32, #tpu.memory_space<hbm>> -> memref<640xf32, #tpu.memory_space<hbm>>
      %dma_start3A_1778 = tpu.memref_slice %arg4[%run_scoped3A, %mul3A_1763] : memref<4x20480xf32, #tpu.memory_space<hbm>> -> memref<1x640xf32, #tpu.memory_space<hbm>>
      %dma_start3A_1779 = tpu.memref_squeeze %dma_start3A_1778 : memref<1x640xf32, #tpu.memory_space<hbm>> -> memref<640xf32, #tpu.memory_space<hbm>>
      %dma_start3A_1780 = arith.constant 0 : i32
      %dma_start3A_1781 = tpu.memref_slice %arg9[%dma_start3A_1780] : memref<2560xf32, #tpu.memory_space<vmem>> -> memref<640xf32, #tpu.memory_space<vmem>>
      tpu.enqueue_dma source(%dma_start3A_1781 : memref<640xf32, #tpu.memory_space<vmem>>) target(%dma_start3A_1779 : memref<640xf32, #tpu.memory_space<hbm>>) target_semaphore(%run_scoped3A_1773 : memref<!tpu.dma_semaphore, #tpu.memory_space<semaphore_mem>>)
      %dma_wait3A_1782 = arith.constant 0 : i32
      %dma_wait3A_1783 = tpu.memref_slice %arg9[%dma_wait3A_1782] : memref<2560xf32, #tpu.memory_space<vmem>> -> memref<640xf32, #tpu.memory_space<vmem>>
      %dma_wait3A_1784 = tpu.memref_slice %arg4[%run_scoped3A, %mul3A_1763] : memref<4x20480xf32, #tpu.memory_space<hbm>> -> memref<1x640xf32, #tpu.memory_space<hbm>>
      %dma_wait3A_1785 = tpu.memref_squeeze %dma_wait3A_1784 : memref<1x640xf32, #tpu.memory_space<hbm>> -> memref<640xf32, #tpu.memory_space<hbm>>
      %dma_wait3A_1786 = tpu.memref_slice %arg4[%run_scoped3A, %mul3A_1763] : memref<4x20480xf32, #tpu.memory_space<hbm>> -> memref<1x640xf32, #tpu.memory_space<hbm>>
      %dma_wait3A_1787 = tpu.memref_squeeze %dma_wait3A_1786 : memref<1x640xf32, #tpu.memory_space<hbm>> -> memref<640xf32, #tpu.memory_space<hbm>>
      %dma_wait3A_1788 = arith.constant 0 : i32
      %dma_wait3A_1789 = tpu.memref_slice %arg9[%dma_wait3A_1788] : memref<2560xf32, #tpu.memory_space<vmem>> -> memref<640xf32, #tpu.memory_space<vmem>>
      tpu.wait_dma2 semaphore(%run_scoped3A_1773 : memref<!tpu.dma_semaphore, #tpu.memory_space<semaphore_mem>>) src(%dma_wait3A_1789 : memref<640xf32, #tpu.memory_space<vmem>>) dst(%dma_wait3A_1787 : memref<640xf32, #tpu.memory_space<hbm>>)
      tpu.yield
    }) : () -> ()
    %mul3A_1764 = arith.constant 640 : i32
    %mul3A_1765 = arith.muli %add3A, %mul3A_1764 : i32
    %run_scoped3A_1766 = arith.constant 1 : i32
    "tpu.region"() ({
      %run_scoped3A_1773 = tpu.sem_alloc : memref<!tpu.dma_semaphore, #tpu.memory_space<semaphore_mem>>
      %dma_start3A_1774 = arith.constant 640 : i32
      %dma_start3A_1775 = tpu.memref_slice %arg9[%dma_start3A_1774] : memref<2560xf32, #tpu.memory_space<vmem>> -> memref<640xf32, #tpu.memory_space<vmem>>
      %dma_start3A_1776 = tpu.memref_slice %arg4[%run_scoped3A_1766, %mul3A_1765] : memref<4x20480xf32, #tpu.memory_space<hbm>> -> memref<1x640xf32, #tpu.memory_space<hbm>>
      %dma_start3A_1777 = tpu.memref_squeeze %dma_start3A_1776 : memref<1x640xf32, #tpu.memory_space<hbm>> -> memref<640xf32, #tpu.memory_space<hbm>>
      %dma_start3A_1778 = tpu.memref_slice %arg4[%run_scoped3A_1766, %mul3A_1765] : memref<4x20480xf32, #tpu.memory_space<hbm>> -> memref<1x640xf32, #tpu.memory_space<hbm>>
      %dma_start3A_1779 = tpu.memref_squeeze %dma_start3A_1778 : memref<1x640xf32, #tpu.memory_space<hbm>> -> memref<640xf32, #tpu.memory_space<hbm>>
      %dma_start3A_1780 = arith.constant 640 : i32
      %dma_start3A_1781 = tpu.memref_slice %arg9[%dma_start3A_1780] : memref<2560xf32, #tpu.memory_space<vmem>> -> memref<640xf32, #tpu.memory_space<vmem>>
      tpu.enqueue_dma source(%dma_start3A_1781 : memref<640xf32, #tpu.memory_space<vmem>>) target(%dma_start3A_1779 : memref<640xf32, #tpu.memory_space<hbm>>) target_semaphore(%run_scoped3A_1773 : memref<!tpu.dma_semaphore, #tpu.memory_space<semaphore_mem>>)
      %dma_wait3A_1782 = arith.constant 640 : i32
      %dma_wait3A_1783 = tpu.memref_slice %arg9[%dma_wait3A_1782] : memref<2560xf32, #tpu.memory_space<vmem>> -> memref<640xf32, #tpu.memory_space<vmem>>
      %dma_wait3A_1784 = tpu.memref_slice %arg4[%run_scoped3A_1766, %mul3A_1765] : memref<4x20480xf32, #tpu.memory_space<hbm>> -> memref<1x640xf32, #tpu.memory_space<hbm>>
      %dma_wait3A_1785 = tpu.memref_squeeze %dma_wait3A_1784 : memref<1x640xf32, #tpu.memory_space<hbm>> -> memref<640xf32, #tpu.memory_space<hbm>>
      %dma_wait3A_1786 = tpu.memref_slice %arg4[%run_scoped3A_1766, %mul3A_1765] : memref<4x20480xf32, #tpu.memory_space<hbm>> -> memref<1x640xf32, #tpu.memory_space<hbm>>
      %dma_wait3A_1787 = tpu.memref_squeeze %dma_wait3A_1786 : memref<1x640xf32, #tpu.memory_space<hbm>> -> memref<640xf32, #tpu.memory_space<hbm>>
      %dma_wait3A_1788 = arith.constant 640 : i32
      %dma_wait3A_1789 = tpu.memref_slice %arg9[%dma_wait3A_1788] : memref<2560xf32, #tpu.memory_space<vmem>> -> memref<640xf32, #tpu.memory_space<vmem>>
      tpu.wait_dma2 semaphore(%run_scoped3A_1773 : memref<!tpu.dma_semaphore, #tpu.memory_space<semaphore_mem>>) src(%dma_wait3A_1789 : memref<640xf32, #tpu.memory_space<vmem>>) dst(%dma_wait3A_1787 : memref<640xf32, #tpu.memory_space<hbm>>)
      tpu.yield
    }) : () -> ()
    %mul3A_1767 = arith.constant 640 : i32
    %mul3A_1768 = arith.muli %add3A, %mul3A_1767 : i32
    %run_scoped3A_1769 = arith.constant 2 : i32
    "tpu.region"() ({
      %run_scoped3A_1773 = tpu.sem_alloc : memref<!tpu.dma_semaphore, #tpu.memory_space<semaphore_mem>>
      %dma_start3A_1774 = arith.constant 1280 : i32
      %dma_start3A_1775 = tpu.memref_slice %arg9[%dma_start3A_1774] : memref<2560xf32, #tpu.memory_space<vmem>> -> memref<640xf32, #tpu.memory_space<vmem>>
      %dma_start3A_1776 = tpu.memref_slice %arg4[%run_scoped3A_1769, %mul3A_1768] : memref<4x20480xf32, #tpu.memory_space<hbm>> -> memref<1x640xf32, #tpu.memory_space<hbm>>
      %dma_start3A_1777 = tpu.memref_squeeze %dma_start3A_1776 : memref<1x640xf32, #tpu.memory_space<hbm>> -> memref<640xf32, #tpu.memory_space<hbm>>
      %dma_start3A_1778 = tpu.memref_slice %arg4[%run_scoped3A_1769, %mul3A_1768] : memref<4x20480xf32, #tpu.memory_space<hbm>> -> memref<1x640xf32, #tpu.memory_space<hbm>>
      %dma_start3A_1779 = tpu.memref_squeeze %dma_start3A_1778 : memref<1x640xf32, #tpu.memory_space<hbm>> -> memref<640xf32, #tpu.memory_space<hbm>>
      %dma_start3A_1780 = arith.constant 1280 : i32
      %dma_start3A_1781 = tpu.memref_slice %arg9[%dma_start3A_1780] : memref<2560xf32, #tpu.memory_space<vmem>> -> memref<640xf32, #tpu.memory_space<vmem>>
      tpu.enqueue_dma source(%dma_start3A_1781 : memref<640xf32, #tpu.memory_space<vmem>>) target(%dma_start3A_1779 : memref<640xf32, #tpu.memory_space<hbm>>) target_semaphore(%run_scoped3A_1773 : memref<!tpu.dma_semaphore, #tpu.memory_space<semaphore_mem>>)
      %dma_wait3A_1782 = arith.constant 1280 : i32
      %dma_wait3A_1783 = tpu.memref_slice %arg9[%dma_wait3A_1782] : memref<2560xf32, #tpu.memory_space<vmem>> -> memref<640xf32, #tpu.memory_space<vmem>>
      %dma_wait3A_1784 = tpu.memref_slice %arg4[%run_scoped3A_1769, %mul3A_1768] : memref<4x20480xf32, #tpu.memory_space<hbm>> -> memref<1x640xf32, #tpu.memory_space<hbm>>
      %dma_wait3A_1785 = tpu.memref_squeeze %dma_wait3A_1784 : memref<1x640xf32, #tpu.memory_space<hbm>> -> memref<640xf32, #tpu.memory_space<hbm>>
      %dma_wait3A_1786 = tpu.memref_slice %arg4[%run_scoped3A_1769, %mul3A_1768] : memref<4x20480xf32, #tpu.memory_space<hbm>> -> memref<1x640xf32, #tpu.memory_space<hbm>>
      %dma_wait3A_1787 = tpu.memref_squeeze %dma_wait3A_1786 : memref<1x640xf32, #tpu.memory_space<hbm>> -> memref<640xf32, #tpu.memory_space<hbm>>
      %dma_wait3A_1788 = arith.constant 1280 : i32
      %dma_wait3A_1789 = tpu.memref_slice %arg9[%dma_wait3A_1788] : memref<2560xf32, #tpu.memory_space<vmem>> -> memref<640xf32, #tpu.memory_space<vmem>>
      tpu.wait_dma2 semaphore(%run_scoped3A_1773 : memref<!tpu.dma_semaphore, #tpu.memory_space<semaphore_mem>>) src(%dma_wait3A_1789 : memref<640xf32, #tpu.memory_space<vmem>>) dst(%dma_wait3A_1787 : memref<640xf32, #tpu.memory_space<hbm>>)
      tpu.yield
    }) : () -> ()
    %mul3A_1770 = arith.constant 640 : i32
    %mul3A_1771 = arith.muli %add3A, %mul3A_1770 : i32
    %run_scoped3A_1772 = arith.constant 3 : i32
    "tpu.region"() ({
      %run_scoped3A_1773 = tpu.sem_alloc : memref<!tpu.dma_semaphore, #tpu.memory_space<semaphore_mem>>
      %dma_start3A_1774 = arith.constant 1920 : i32
      %dma_start3A_1775 = tpu.memref_slice %arg9[%dma_start3A_1774] : memref<2560xf32, #tpu.memory_space<vmem>> -> memref<640xf32, #tpu.memory_space<vmem>>
      %dma_start3A_1776 = tpu.memref_slice %arg4[%run_scoped3A_1772, %mul3A_1771] : memref<4x20480xf32, #tpu.memory_space<hbm>> -> memref<1x640xf32, #tpu.memory_space<hbm>>
      %dma_start3A_1777 = tpu.memref_squeeze %dma_start3A_1776 : memref<1x640xf32, #tpu.memory_space<hbm>> -> memref<640xf32, #tpu.memory_space<hbm>>
      %dma_start3A_1778 = tpu.memref_slice %arg4[%run_scoped3A_1772, %mul3A_1771] : memref<4x20480xf32, #tpu.memory_space<hbm>> -> memref<1x640xf32, #tpu.memory_space<hbm>>
      %dma_start3A_1779 = tpu.memref_squeeze %dma_start3A_1778 : memref<1x640xf32, #tpu.memory_space<hbm>> -> memref<640xf32, #tpu.memory_space<hbm>>
      %dma_start3A_1780 = arith.constant 1920 : i32
      %dma_start3A_1781 = tpu.memref_slice %arg9[%dma_start3A_1780] : memref<2560xf32, #tpu.memory_space<vmem>> -> memref<640xf32, #tpu.memory_space<vmem>>
      tpu.enqueue_dma source(%dma_start3A_1781 : memref<640xf32, #tpu.memory_space<vmem>>) target(%dma_start3A_1779 : memref<640xf32, #tpu.memory_space<hbm>>) target_semaphore(%run_scoped3A_1773 : memref<!tpu.dma_semaphore, #tpu.memory_space<semaphore_mem>>)
      %dma_wait3A_1782 = arith.constant 1920 : i32
      %dma_wait3A_1783 = tpu.memref_slice %arg9[%dma_wait3A_1782] : memref<2560xf32, #tpu.memory_space<vmem>> -> memref<640xf32, #tpu.memory_space<vmem>>
      %dma_wait3A_1784 = tpu.memref_slice %arg4[%run_scoped3A_1772, %mul3A_1771] : memref<4x20480xf32, #tpu.memory_space<hbm>> -> memref<1x640xf32, #tpu.memory_space<hbm>>
      %dma_wait3A_1785 = tpu.memref_squeeze %dma_wait3A_1784 : memref<1x640xf32, #tpu.memory_space<hbm>> -> memref<640xf32, #tpu.memory_space<hbm>>
      %dma_wait3A_1786 = tpu.memref_slice %arg4[%run_scoped3A_1772, %mul3A_1771] : memref<4x20480xf32, #tpu.memory_space<hbm>> -> memref<1x640xf32, #tpu.memory_space<hbm>>
      %dma_wait3A_1787 = tpu.memref_squeeze %dma_wait3A_1786 : memref<1x640xf32, #tpu.memory_space<hbm>> -> memref<640xf32, #tpu.memory_space<hbm>>
      %dma_wait3A_1788 = arith.constant 1920 : i32
      %dma_wait3A_1789 = tpu.memref_slice %arg9[%dma_wait3A_1788] : memref<2560xf32, #tpu.memory_space<vmem>> -> memref<640xf32, #tpu.memory_space<vmem>>
      tpu.wait_dma2 semaphore(%run_scoped3A_1773 : memref<!tpu.dma_semaphore, #tpu.memory_space<semaphore_mem>>) src(%dma_wait3A_1789 : memref<640xf32, #tpu.memory_space<vmem>>) dst(%dma_wait3A_1787 : memref<640xf32, #tpu.memory_space<hbm>>)
      tpu.yield
    }) : () -> ()
    return
  }
}

#map = affine_map<(d0, d1) -> (0, 0, 0)>
#map1 = affine_map<(d0, d1) -> (0)>
module attributes {stable_mosaic.version = 14 : i64} {
  func.func @_sc_packed_body(%arg0: i32, %arg1: i32, %arg2: memref<32x5x128xi32, #tpu.memory_space<hbm>>, %arg3: memref<33600xf32, #tpu.memory_space<hbm>>, %arg4: memref<20480xf32, #tpu.memory_space<hbm>>, %arg5: memref<5x128xi32, #tpu.memory_space<vmem>>, %arg6: memref<640xf32, #tpu.memory_space<vmem>>, %arg7: memref<!tpu.dma_semaphore, #tpu.memory_space<semaphore_mem>>) attributes {dimension_semantics = [#tpu.dimension_semantics<core_parallel>, #tpu.dimension_semantics<subcore_parallel>], iteration_bounds = array<i64: 2, 16>, scalar_prefetch = 0 : i64, scratch_operands = 3 : i64, tpu.core_type = #tpu.core_type<sc_vector_subcore>, window_params = [{transform_indices = #map}, {transform_indices = #map1}, {transform_indices = #map1}]} {
    %mul3A = arith.constant 2 : i32
    %mul3A_0 = arith.muli %arg1, %mul3A : i32
    %add3A = arith.addi %mul3A_0, %arg0 : i32
    %mul3A_1 = arith.constant 640 : i32
    %mul3A_2 = arith.muli %add3A, %mul3A_1 : i32
    "tpu.region"() ({
      %run_scoped3A = tpu.sem_alloc : memref<!tpu.dma_semaphore, #tpu.memory_space<semaphore_mem>>
      %dma_start3A_81 = arith.constant 0 : i32
      %dma_start3A_82 = arith.constant 0 : i32
      %dma_start3A_83 = tpu.memref_slice %arg2[%add3A, %dma_start3A_81, %dma_start3A_82] : memref<32x5x128xi32, #tpu.memory_space<hbm>> -> memref<1x5x128xi32, #tpu.memory_space<hbm>>
      %dma_start3A_84 = tpu.memref_squeeze %dma_start3A_83 : memref<1x5x128xi32, #tpu.memory_space<hbm>> -> memref<5x128xi32, #tpu.memory_space<hbm>>
      %dma_start3A_85 = arith.constant 0 : i32
      %dma_start3A_86 = arith.constant 0 : i32
      %dma_start3A_87 = tpu.memref_slice %arg2[%add3A, %dma_start3A_85, %dma_start3A_86] : memref<32x5x128xi32, #tpu.memory_space<hbm>> -> memref<1x5x128xi32, #tpu.memory_space<hbm>>
      %dma_start3A_88 = tpu.memref_squeeze %dma_start3A_87 : memref<1x5x128xi32, #tpu.memory_space<hbm>> -> memref<5x128xi32, #tpu.memory_space<hbm>>
      tpu.enqueue_dma source(%dma_start3A_88 : memref<5x128xi32, #tpu.memory_space<hbm>>) target(%arg5 : memref<5x128xi32, #tpu.memory_space<vmem>>) target_semaphore(%run_scoped3A : memref<!tpu.dma_semaphore, #tpu.memory_space<semaphore_mem>>)
      %dma_wait3A_89 = arith.constant 0 : i32
      %dma_wait3A_90 = arith.constant 0 : i32
      %dma_wait3A_91 = tpu.memref_slice %arg2[%add3A, %dma_wait3A_89, %dma_wait3A_90] : memref<32x5x128xi32, #tpu.memory_space<hbm>> -> memref<1x5x128xi32, #tpu.memory_space<hbm>>
      %dma_wait3A_92 = tpu.memref_squeeze %dma_wait3A_91 : memref<1x5x128xi32, #tpu.memory_space<hbm>> -> memref<5x128xi32, #tpu.memory_space<hbm>>
      %dma_wait3A_93 = arith.constant 0 : i32
      %dma_wait3A_94 = arith.constant 0 : i32
      %dma_wait3A_95 = tpu.memref_slice %arg2[%add3A, %dma_wait3A_93, %dma_wait3A_94] : memref<32x5x128xi32, #tpu.memory_space<hbm>> -> memref<1x5x128xi32, #tpu.memory_space<hbm>>
      %dma_wait3A_96 = tpu.memref_squeeze %dma_wait3A_95 : memref<1x5x128xi32, #tpu.memory_space<hbm>> -> memref<5x128xi32, #tpu.memory_space<hbm>>
      tpu.wait_dma2 semaphore(%run_scoped3A : memref<!tpu.dma_semaphore, #tpu.memory_space<semaphore_mem>>) src(%dma_wait3A_96 : memref<5x128xi32, #tpu.memory_space<hbm>>) dst(%arg5 : memref<5x128xi32, #tpu.memory_space<vmem>>)
      tpu.yield
    }) : () -> ()
    %dma_start3A = arith.constant 0 : i32
    %dma_start3A_3 = arith.constant 0 : i32
    %dma_start3A_4 = tpu.memref_slice %arg6[%dma_start3A_3] : memref<640xf32, #tpu.memory_space<vmem>> -> memref<128xf32, #tpu.memory_space<vmem>>
    %dma_start3A_5 = arith.constant 0 : i32
    %dma_start3A_6 = tpu.memref_slice %arg5[%dma_start3A, %dma_start3A_5] : memref<5x128xi32, #tpu.memory_space<vmem>> -> memref<1x128xi32, #tpu.memory_space<vmem>>
    %dma_start3A_7 = tpu.memref_squeeze %dma_start3A_6 : memref<1x128xi32, #tpu.memory_space<vmem>> -> memref<128xi32, #tpu.memory_space<vmem>>
    %dma_start3A_8 = arith.constant 0 : i32
    %dma_start3A_9 = tpu.memref_slice %arg3[%dma_start3A_8] : memref<33600xf32, #tpu.memory_space<hbm>> -> memref<33600xf32, #tpu.memory_space<hbm>>
    tpu.enqueue_indirect_dma source(%dma_start3A_9 : memref<33600xf32, #tpu.memory_space<hbm>>) target(%dma_start3A_4 : memref<128xf32, #tpu.memory_space<vmem>>) offsets(%dma_start3A_7 : memref<128xi32, #tpu.memory_space<vmem>>) semaphore(%arg7 : memref<!tpu.dma_semaphore, #tpu.memory_space<semaphore_mem>>)
    %dma_start3A_10 = arith.constant 1 : i32
    %dma_start3A_11 = arith.constant 128 : i32
    %dma_start3A_12 = tpu.memref_slice %arg6[%dma_start3A_11] : memref<640xf32, #tpu.memory_space<vmem>> -> memref<128xf32, #tpu.memory_space<vmem>>
    %dma_start3A_13 = arith.constant 0 : i32
    %dma_start3A_14 = tpu.memref_slice %arg5[%dma_start3A_10, %dma_start3A_13] : memref<5x128xi32, #tpu.memory_space<vmem>> -> memref<1x128xi32, #tpu.memory_space<vmem>>
    %dma_start3A_15 = tpu.memref_squeeze %dma_start3A_14 : memref<1x128xi32, #tpu.memory_space<vmem>> -> memref<128xi32, #tpu.memory_space<vmem>>
    %dma_start3A_16 = arith.constant 0 : i32
    %dma_start3A_17 = tpu.memref_slice %arg3[%dma_start3A_16] : memref<33600xf32, #tpu.memory_space<hbm>> -> memref<33600xf32, #tpu.memory_space<hbm>>
    tpu.enqueue_indirect_dma source(%dma_start3A_17 : memref<33600xf32, #tpu.memory_space<hbm>>) target(%dma_start3A_12 : memref<128xf32, #tpu.memory_space<vmem>>) offsets(%dma_start3A_15 : memref<128xi32, #tpu.memory_space<vmem>>) semaphore(%arg7 : memref<!tpu.dma_semaphore, #tpu.memory_space<semaphore_mem>>)
    %dma_start3A_18 = arith.constant 2 : i32
    %dma_start3A_19 = arith.constant 256 : i32
    %dma_start3A_20 = tpu.memref_slice %arg6[%dma_start3A_19] : memref<640xf32, #tpu.memory_space<vmem>> -> memref<128xf32, #tpu.memory_space<vmem>>
    %dma_start3A_21 = arith.constant 0 : i32
    %dma_start3A_22 = tpu.memref_slice %arg5[%dma_start3A_18, %dma_start3A_21] : memref<5x128xi32, #tpu.memory_space<vmem>> -> memref<1x128xi32, #tpu.memory_space<vmem>>
    %dma_start3A_23 = tpu.memref_squeeze %dma_start3A_22 : memref<1x128xi32, #tpu.memory_space<vmem>> -> memref<128xi32, #tpu.memory_space<vmem>>
    %dma_start3A_24 = arith.constant 0 : i32
    %dma_start3A_25 = tpu.memref_slice %arg3[%dma_start3A_24] : memref<33600xf32, #tpu.memory_space<hbm>> -> memref<33600xf32, #tpu.memory_space<hbm>>
    tpu.enqueue_indirect_dma source(%dma_start3A_25 : memref<33600xf32, #tpu.memory_space<hbm>>) target(%dma_start3A_20 : memref<128xf32, #tpu.memory_space<vmem>>) offsets(%dma_start3A_23 : memref<128xi32, #tpu.memory_space<vmem>>) semaphore(%arg7 : memref<!tpu.dma_semaphore, #tpu.memory_space<semaphore_mem>>)
    %dma_start3A_26 = arith.constant 3 : i32
    %dma_start3A_27 = arith.constant 384 : i32
    %dma_start3A_28 = tpu.memref_slice %arg6[%dma_start3A_27] : memref<640xf32, #tpu.memory_space<vmem>> -> memref<128xf32, #tpu.memory_space<vmem>>
    %dma_start3A_29 = arith.constant 0 : i32
    %dma_start3A_30 = tpu.memref_slice %arg5[%dma_start3A_26, %dma_start3A_29] : memref<5x128xi32, #tpu.memory_space<vmem>> -> memref<1x128xi32, #tpu.memory_space<vmem>>
    %dma_start3A_31 = tpu.memref_squeeze %dma_start3A_30 : memref<1x128xi32, #tpu.memory_space<vmem>> -> memref<128xi32, #tpu.memory_space<vmem>>
    %dma_start3A_32 = arith.constant 0 : i32
    %dma_start3A_33 = tpu.memref_slice %arg3[%dma_start3A_32] : memref<33600xf32, #tpu.memory_space<hbm>> -> memref<33600xf32, #tpu.memory_space<hbm>>
    tpu.enqueue_indirect_dma source(%dma_start3A_33 : memref<33600xf32, #tpu.memory_space<hbm>>) target(%dma_start3A_28 : memref<128xf32, #tpu.memory_space<vmem>>) offsets(%dma_start3A_31 : memref<128xi32, #tpu.memory_space<vmem>>) semaphore(%arg7 : memref<!tpu.dma_semaphore, #tpu.memory_space<semaphore_mem>>)
    %dma_start3A_34 = arith.constant 4 : i32
    %dma_start3A_35 = arith.constant 512 : i32
    %dma_start3A_36 = tpu.memref_slice %arg6[%dma_start3A_35] : memref<640xf32, #tpu.memory_space<vmem>> -> memref<128xf32, #tpu.memory_space<vmem>>
    %dma_start3A_37 = arith.constant 0 : i32
    %dma_start3A_38 = tpu.memref_slice %arg5[%dma_start3A_34, %dma_start3A_37] : memref<5x128xi32, #tpu.memory_space<vmem>> -> memref<1x128xi32, #tpu.memory_space<vmem>>
    %dma_start3A_39 = tpu.memref_squeeze %dma_start3A_38 : memref<1x128xi32, #tpu.memory_space<vmem>> -> memref<128xi32, #tpu.memory_space<vmem>>
    %dma_start3A_40 = arith.constant 0 : i32
    %dma_start3A_41 = tpu.memref_slice %arg3[%dma_start3A_40] : memref<33600xf32, #tpu.memory_space<hbm>> -> memref<33600xf32, #tpu.memory_space<hbm>>
    tpu.enqueue_indirect_dma source(%dma_start3A_41 : memref<33600xf32, #tpu.memory_space<hbm>>) target(%dma_start3A_36 : memref<128xf32, #tpu.memory_space<vmem>>) offsets(%dma_start3A_39 : memref<128xi32, #tpu.memory_space<vmem>>) semaphore(%arg7 : memref<!tpu.dma_semaphore, #tpu.memory_space<semaphore_mem>>)
    %dma_wait3A = arith.constant 0 : i32
    %dma_wait3A_42 = arith.constant 0 : i32
    %dma_wait3A_43 = tpu.memref_slice %arg6[%dma_wait3A_42] : memref<640xf32, #tpu.memory_space<vmem>> -> memref<128xf32, #tpu.memory_space<vmem>>
    %dma_wait3A_44 = arith.constant 0 : i32
    %dma_wait3A_45 = tpu.memref_slice %arg5[%dma_wait3A, %dma_wait3A_44] : memref<5x128xi32, #tpu.memory_space<vmem>> -> memref<1x128xi32, #tpu.memory_space<vmem>>
    %dma_wait3A_46 = tpu.memref_squeeze %dma_wait3A_45 : memref<1x128xi32, #tpu.memory_space<vmem>> -> memref<128xi32, #tpu.memory_space<vmem>>
    %dma_wait3A_47 = arith.constant 0 : i32
    %dma_wait3A_48 = tpu.memref_slice %arg3[%dma_wait3A_47] : memref<33600xf32, #tpu.memory_space<hbm>> -> memref<33600xf32, #tpu.memory_space<hbm>>
    tpu.wait_indirect_dma semaphore(%arg7 : memref<!tpu.dma_semaphore, #tpu.memory_space<semaphore_mem>>) src(%dma_wait3A_48 : memref<33600xf32, #tpu.memory_space<hbm>>) dst(%dma_wait3A_43 : memref<128xf32, #tpu.memory_space<vmem>>)
    %dma_wait3A_49 = arith.constant 1 : i32
    %dma_wait3A_50 = arith.constant 128 : i32
    %dma_wait3A_51 = tpu.memref_slice %arg6[%dma_wait3A_50] : memref<640xf32, #tpu.memory_space<vmem>> -> memref<128xf32, #tpu.memory_space<vmem>>
    %dma_wait3A_52 = arith.constant 0 : i32
    %dma_wait3A_53 = tpu.memref_slice %arg5[%dma_wait3A_49, %dma_wait3A_52] : memref<5x128xi32, #tpu.memory_space<vmem>> -> memref<1x128xi32, #tpu.memory_space<vmem>>
    %dma_wait3A_54 = tpu.memref_squeeze %dma_wait3A_53 : memref<1x128xi32, #tpu.memory_space<vmem>> -> memref<128xi32, #tpu.memory_space<vmem>>
    %dma_wait3A_55 = arith.constant 0 : i32
    %dma_wait3A_56 = tpu.memref_slice %arg3[%dma_wait3A_55] : memref<33600xf32, #tpu.memory_space<hbm>> -> memref<33600xf32, #tpu.memory_space<hbm>>
    tpu.wait_indirect_dma semaphore(%arg7 : memref<!tpu.dma_semaphore, #tpu.memory_space<semaphore_mem>>) src(%dma_wait3A_56 : memref<33600xf32, #tpu.memory_space<hbm>>) dst(%dma_wait3A_51 : memref<128xf32, #tpu.memory_space<vmem>>)
    %dma_wait3A_57 = arith.constant 2 : i32
    %dma_wait3A_58 = arith.constant 256 : i32
    %dma_wait3A_59 = tpu.memref_slice %arg6[%dma_wait3A_58] : memref<640xf32, #tpu.memory_space<vmem>> -> memref<128xf32, #tpu.memory_space<vmem>>
    %dma_wait3A_60 = arith.constant 0 : i32
    %dma_wait3A_61 = tpu.memref_slice %arg5[%dma_wait3A_57, %dma_wait3A_60] : memref<5x128xi32, #tpu.memory_space<vmem>> -> memref<1x128xi32, #tpu.memory_space<vmem>>
    %dma_wait3A_62 = tpu.memref_squeeze %dma_wait3A_61 : memref<1x128xi32, #tpu.memory_space<vmem>> -> memref<128xi32, #tpu.memory_space<vmem>>
    %dma_wait3A_63 = arith.constant 0 : i32
    %dma_wait3A_64 = tpu.memref_slice %arg3[%dma_wait3A_63] : memref<33600xf32, #tpu.memory_space<hbm>> -> memref<33600xf32, #tpu.memory_space<hbm>>
    tpu.wait_indirect_dma semaphore(%arg7 : memref<!tpu.dma_semaphore, #tpu.memory_space<semaphore_mem>>) src(%dma_wait3A_64 : memref<33600xf32, #tpu.memory_space<hbm>>) dst(%dma_wait3A_59 : memref<128xf32, #tpu.memory_space<vmem>>)
    %dma_wait3A_65 = arith.constant 3 : i32
    %dma_wait3A_66 = arith.constant 384 : i32
    %dma_wait3A_67 = tpu.memref_slice %arg6[%dma_wait3A_66] : memref<640xf32, #tpu.memory_space<vmem>> -> memref<128xf32, #tpu.memory_space<vmem>>
    %dma_wait3A_68 = arith.constant 0 : i32
    %dma_wait3A_69 = tpu.memref_slice %arg5[%dma_wait3A_65, %dma_wait3A_68] : memref<5x128xi32, #tpu.memory_space<vmem>> -> memref<1x128xi32, #tpu.memory_space<vmem>>
    %dma_wait3A_70 = tpu.memref_squeeze %dma_wait3A_69 : memref<1x128xi32, #tpu.memory_space<vmem>> -> memref<128xi32, #tpu.memory_space<vmem>>
    %dma_wait3A_71 = arith.constant 0 : i32
    %dma_wait3A_72 = tpu.memref_slice %arg3[%dma_wait3A_71] : memref<33600xf32, #tpu.memory_space<hbm>> -> memref<33600xf32, #tpu.memory_space<hbm>>
    tpu.wait_indirect_dma semaphore(%arg7 : memref<!tpu.dma_semaphore, #tpu.memory_space<semaphore_mem>>) src(%dma_wait3A_72 : memref<33600xf32, #tpu.memory_space<hbm>>) dst(%dma_wait3A_67 : memref<128xf32, #tpu.memory_space<vmem>>)
    %dma_wait3A_73 = arith.constant 4 : i32
    %dma_wait3A_74 = arith.constant 512 : i32
    %dma_wait3A_75 = tpu.memref_slice %arg6[%dma_wait3A_74] : memref<640xf32, #tpu.memory_space<vmem>> -> memref<128xf32, #tpu.memory_space<vmem>>
    %dma_wait3A_76 = arith.constant 0 : i32
    %dma_wait3A_77 = tpu.memref_slice %arg5[%dma_wait3A_73, %dma_wait3A_76] : memref<5x128xi32, #tpu.memory_space<vmem>> -> memref<1x128xi32, #tpu.memory_space<vmem>>
    %dma_wait3A_78 = tpu.memref_squeeze %dma_wait3A_77 : memref<1x128xi32, #tpu.memory_space<vmem>> -> memref<128xi32, #tpu.memory_space<vmem>>
    %dma_wait3A_79 = arith.constant 0 : i32
    %dma_wait3A_80 = tpu.memref_slice %arg3[%dma_wait3A_79] : memref<33600xf32, #tpu.memory_space<hbm>> -> memref<33600xf32, #tpu.memory_space<hbm>>
    tpu.wait_indirect_dma semaphore(%arg7 : memref<!tpu.dma_semaphore, #tpu.memory_space<semaphore_mem>>) src(%dma_wait3A_80 : memref<33600xf32, #tpu.memory_space<hbm>>) dst(%dma_wait3A_75 : memref<128xf32, #tpu.memory_space<vmem>>)
    "tpu.region"() ({
      %run_scoped3A = tpu.sem_alloc : memref<!tpu.dma_semaphore, #tpu.memory_space<semaphore_mem>>
      %dma_start3A_81 = tpu.memref_slice %arg4[%mul3A_2] : memref<20480xf32, #tpu.memory_space<hbm>> -> memref<640xf32, #tpu.memory_space<hbm>>
      %dma_start3A_82 = tpu.memref_slice %arg4[%mul3A_2] : memref<20480xf32, #tpu.memory_space<hbm>> -> memref<640xf32, #tpu.memory_space<hbm>>
      tpu.enqueue_dma source(%arg6 : memref<640xf32, #tpu.memory_space<vmem>>) target(%dma_start3A_82 : memref<640xf32, #tpu.memory_space<hbm>>) target_semaphore(%run_scoped3A : memref<!tpu.dma_semaphore, #tpu.memory_space<semaphore_mem>>)
      %dma_wait3A_83 = tpu.memref_slice %arg4[%mul3A_2] : memref<20480xf32, #tpu.memory_space<hbm>> -> memref<640xf32, #tpu.memory_space<hbm>>
      %dma_wait3A_84 = tpu.memref_slice %arg4[%mul3A_2] : memref<20480xf32, #tpu.memory_space<hbm>> -> memref<640xf32, #tpu.memory_space<hbm>>
      tpu.wait_dma2 semaphore(%run_scoped3A : memref<!tpu.dma_semaphore, #tpu.memory_space<semaphore_mem>>) src(%arg6 : memref<640xf32, #tpu.memory_space<vmem>>) dst(%dma_wait3A_84 : memref<640xf32, #tpu.memory_space<hbm>>)
      tpu.yield
    }) : () -> ()
    return
  }
}

module attributes {stable_mosaic.version = 14 : i64} {
  func.func @_tc_reduce_body(%arg0: i32, %arg1: memref<80x8192xf32, #tpu.memory_space<vmem>>, %arg2: memref<8192xf32, #tpu.memory_space<vmem>>) attributes {dimension_semantics = [#tpu.dimension_semantics<arbitrary>], iteration_bounds = array<i64: 5>, scalar_prefetch = 0 : i64, scratch_operands = 0 : i64, tpu.core_type = #tpu.core_type<tc>, window_params = [{transform_indices = @transform_0, window_bounds = array<i64: 80, 8192>}, {transform_indices = @transform_1, window_bounds = array<i64: 8192>}]} {
    %get3A = arith.constant 0 : index
    %get3A_0 = arith.constant 0 : index
    %get3A_1 = vector.load %arg1[%get3A, %get3A_0] : memref<80x8192xf32, #tpu.memory_space<vmem>>, vector<80x8192xf32>
    %reduce_max3A = arith.constant dense<0xFF800000> : vector<8192xf32>
    %reduce_max3A_2 = vector.multi_reduction <maximumf>, %get3A_1, %reduce_max3A [0] : vector<80x8192xf32> to vector<8192xf32>
    %iota3A = tpu.iota {dimensions = array<i32: 0>} : vector<80x8192xi32>
    %broadcast_in_dim3A = vector.shape_cast %reduce_max3A_2 : vector<8192xf32> to vector<1x8192xf32>
    %eq3A = vector.broadcast %broadcast_in_dim3A : vector<1x8192xf32> to vector<80x8192xf32>
    %eq3A_3 = arith.cmpf oeq, %get3A_1, %eq3A : vector<80x8192xf32>
    %jit3A = arith.constant 80 : i32
    %broadcast_in_dim3A_4 = vector.broadcast %jit3A : i32 to vector<80x8192xi32>
    %select_n3A = arith.select %eq3A_3, %iota3A, %broadcast_in_dim3A_4 : vector<80x8192xi1>, vector<80x8192xi32>
    %reduce_min3A = arith.constant dense<2147483647> : vector<8192xi32>
    %reduce_min3A_5 = vector.multi_reduction <minsi>, %select_n3A, %reduce_min3A [0] : vector<80x8192xi32> to vector<8192xi32>
    %add3A = arith.constant 1.000000e+00 : f32
    %add3A_6 = vector.broadcast %add3A : f32 to vector<8192xf32>
    %add3A_7 = arith.addf %reduce_max3A_2, %add3A_6 : vector<8192xf32>
    %bitcast_convert_type3A = tpu.bitcast %add3A_7 : vector<8192xf32> -> vector<8192xi32>
    %and3A = arith.constant -128 : i32
    %and3A_8 = vector.broadcast %and3A : i32 to vector<8192xi32>
    %and3A_9 = arith.andi %bitcast_convert_type3A, %and3A_8 : vector<8192xi32>
    %or3A = arith.ori %and3A_9, %reduce_min3A_5 : vector<8192xi32>
    %bitcast_convert_type3A_10 = tpu.bitcast %or3A : vector<8192xi32> -> vector<8192xf32>
    %swap3A = arith.constant 0 : index
    %swap3A_11 = vector.load %arg2[%swap3A] : memref<8192xf32, #tpu.memory_space<vmem>>, vector<8192xf32>
    tpu.vector_store %arg2[%swap3A], %bitcast_convert_type3A_10 {strides = array<i32>} : memref<8192xf32, #tpu.memory_space<vmem>>, vector<8192xf32>,
    return
  }
  func.func @transform_0(%arg0: i32) -> (i32, i32) {
    %c0_i32 = arith.constant 0 : i32
    %c0_i32_0 = arith.constant 0 : i32
    return %c0_i32, %arg0 : i32, i32
  }
  func.func @transform_1(%arg0: i32) -> i32 {
    %c0_i32 = arith.constant 0 : i32
    return %arg0 : i32
  }
}

</mosaic_0001>

<sc_bundles>
// kernel: kernel.5.cloned.1.call-start
scs
__scs_entry_jumppad:
0x0: {  	(pc) =	sbr.rel $0x88, $3  }
0x1: {  	(tag) =	ssettag $0x0;
	lr =	simm.s32 $0x1  }
0x2: {  	[smem:$0x3F9E] =	sst lr;
	_ =	strace $0xD0000000  }
0x3: {  	_ = 	snop  }
0x4: {  	_ = 	snop  }
0x5: {  	_ = 	snop  }
0x6: {  	_ = 	snop  }
0x7: {  	_ = 	snop  }
__scs_overlays_trampoline_lowered:
0x8: {  	[smem:$0x3FAD] =	sst s0  }
0x9: {  	[smem:$0x3FAE] =	sst s1  }
0xa: {  	[smem:$0x3FAF] =	sst s2  }
0xb: {  	[smem:$0x3FB0] =	sst s3  }
0xc: {  	[smem:$0x3FB1] =	sst s4  }
0xd: {  	[smem:$0x3FB2] =	sst s5  }
0xe: {  	[smem:$0x3FB3] =	sst s6  }
0xf: {  	[smem:$0x3FB4] =	sst s7  }
0x10: {  	[smem:$0x3FB5] =	sst s8  }
0x11: {  	[smem:$0x3FB6] =	sst s9;
	s0 =	simm.s32 @!p0 $0x0  }
0x12: {  	s1 =	sld [smem:$0x3F9C];
	s0 =	simm.s32 @p0 $0x1  }
0x13: {  	[smem:$0x3FB7] =	sst s0;
	s0 =	simm.s32 @!p1 $0x0  }
0x14: {  	s2 =	sld [smem:$0x3F9B];
	s0 =	simm.s32 @p1 $0x1  }
0x15: {  	[smem:$0x3FB8] =	sst s0;
	s0 =	simm.s32 @!p2 $0x0  }
0x16: {  	s3 =	sld [smem:$0x3FDB];
	s0 =	simm.s32 @p2 $0x1  }
0x17: {  	s4 =	simm.s32 $0x1BF5;
	[smem:$0x3FBA] =	sst s0  }
0x18: {  	s0 =	sld [smem:$0x3F9D];
	_ =	swait.ge [sflag:s4], $0x0  }
0x19: {  	s7 =	sld [smem:$0x3F9E]  }
0x1a: {  	s8 =	sadd.s32 $0xFFFFE003, lr  }
0x1b: {  	s9 =	sadd.s32 $0xFFFFFEF7, lr;
	s5 =	simm.s32 $0xFFFFFFFF;
	p2 =	slt.u32 s8, $0xFFFFF086  }
0x1c: {  	p1 =	slt.u32 s9, $0xF7A;
	s5 =	simm.s32 @!p2 $0x0  }
0x1d: {  	s5 =	simm.s32 @p1 $0x1;
	p0 =	seq.s32 s7, s2  }
0x1e: {  	s7 =	smul.u32 @!p0 $0xF7A, s2;
	p2 =	seq.s32 @!p0 s5, $0x0  }
0x1f: {  	s9 =	smul.u32 $0xF7A, s1;
	s8 =	simm.s32 @!p0 $0x1BF5;
	p2 =	por !p2, p0  }
0x20: {  	[sflag:s8] =	ssyncset.s32 @!p0 $0xFFFFF086;
	s6 =	sadd.s32 @!p0 s3, s7;
	s7 =	simm.s32 @!p0 $0x108  }
0x21: {  	s3 =	sadd.s32 s3, s9;
	s6 =	sadd.s32 @!p0 $0x88, s6;
	s7 =	simm.s32 @p2 $0x1082  }
0x22: {  	[simem:s7], [sflag:s8] =	dma.local @!p0 [hbm:s6], $0xF7A  }
0x23: {  	s9 =	sor.u32 $0xD0000000, s2;
	s6 =	simm.s32 $0x108;
	_ =	swait.ge @!p0 [sflag:s8], $0x0  }
0x24: {  	s3 =	sadd.s32 $0x88, s3;
	s6 =	simm.s32 @!p1 $0x1082;
	[sflag:s4] =	ssyncset.s32 $0xFFFFF086  }
0x25: {  	[simem:s6], [sflag:s4] =	dma.local [hbm:s3], $0xF7A  }
0x26: {  	[smem:$0x3F9E] =	sst s1;
	(tag) =	ssettag s2;
	_ =	strace s9  }
0x27: {  	s1 =	sld [smem:$0x3FAE]  }
0x28: {  	s2 =	sld [smem:$0x3FAF]  }
0x29: {  	s4 =	sld [smem:$0x3FB1]  }
0x2a: {  	p0 =	seq.s32 s5, $0x0;
	s5 =	sld [smem:$0x3FB2]  }
0x2b: {  	s6 =	sld [smem:$0x3FB3]  }
0x2c: {  	s7 =	sld [smem:$0x3FB4]  }
0x2d: {  	s3 =	simm.s32 $0x108;
	s8 =	sld [smem:$0x3FB5]  }
0x2e: {  	s3 =	simm.s32 @!p0 $0x1082;
	s9 =	sld [smem:$0x3FB6]  }
0x2f: {  	lr =	sadd.s32 s0, s3;
	s0 =	sld [smem:$0x3FAD]  }
0x30: {  	s3 =	sld [smem:$0x3FB0]  }
0x31: {  	[smem:$0x3FB9] =	sst s10  }
0x32: {  	s10 =	sld [smem:$0x3FB7];
	_ =	sdelay $0x3  }
0x33: {  	p0 =	seq.s32 s10, $0x1;
	s10 =	sld [smem:$0x3FB9];
	_ =	sdelay $0x3  }
0x34: {  	[smem:$0x3FB9] =	sst s10  }
0x35: {  	s10 =	sld [smem:$0x3FB8];
	_ =	sdelay $0x3  }
0x36: {  	p1 =	seq.s32 s10, $0x1;
	s10 =	sld [smem:$0x3FB9];
	_ =	sdelay $0x3  }
0x37: {  	[smem:$0x3FB9] =	sst s10  }
0x38: {  	s10 =	sld [smem:$0x3FBA]  }
0x39: {  	_ = 	snop;
	(pc) =	sbr.ind lr, $3  }
0x3a: {  	_ = 	snop  }
0x3b: {  	_ = 	snop  }
0x3c: {  	p2 =	seq.s32 s10, $0x1;
	s10 =	sld [smem:$0x3FB9]  }
0x3d: {  	_ =	shalt  }
0x3e: {  	_ =	shalt  }
0x3f: {  	_ =	shalt  }
0x40: {  	_ =	shalt  }
0x41: {  	_ =	shalt  }
0x42: {  	_ =	shalt  }
0x43: {  	_ =	shalt  }
0x44: {  	_ =	shalt  }
0x45: {  	_ =	shalt  }
0x46: {  	_ =	shalt  }
0x47: {  	_ =	shalt  }
0x48: {  	_ =	shalt  }
0x49: {  	_ =	shalt  }
0x4a: {  	_ =	shalt  }
0x4b: {  	_ =	shalt  }
0x4c: {  	_ =	shalt  }
0x4d: {  	_ =	shalt  }
0x4e: {  	_ =	shalt  }
0x4f: {  	_ =	shalt  }
0x50: {  	_ =	shalt  }
0x51: {  	_ =	shalt  }
0x52: {  	_ =	shalt  }
0x53: {  	_ =	shalt  }
0x54: {  	_ =	shalt  }
0x55: {  	_ =	shalt  }
0x56: {  	_ =	shalt  }
0x57: {  	_ =	shalt  }
0x58: {  	_ =	shalt  }
0x59: {  	_ =	shalt  }
0x5a: {  	_ =	shalt  }
0x5b: {  	_ =	shalt  }
0x5c: {  	_ =	shalt  }
0x5d: {  	_ =	shalt  }
0x5e: {  	_ =	shalt  }
0x5f: {  	_ =	shalt  }
0x60: {  	_ =	shalt  }
0x61: {  	_ =	shalt  }
0x62: {  	_ =	shalt  }
0x63: {  	_ =	shalt  }
0x64: {  	_ =	shalt  }
0x65: {  	_ =	shalt  }
0x66: {  	_ =	shalt  }
0x67: {  	_ =	shalt  }
0x68: {  	_ =	shalt  }
0x69: {  	_ =	shalt  }
0x6a: {  	_ =	shalt  }
0x6b: {  	_ =	shalt  }
0x6c: {  	_ =	shalt  }
0x6d: {  	_ =	shalt  }
0x6e: {  	_ =	shalt  }
0x6f: {  	_ =	shalt  }
0x70: {  	_ =	shalt  }
0x71: {  	_ =	shalt  }
0x72: {  	_ =	shalt  }
0x73: {  	_ =	shalt  }
0x74: {  	_ =	shalt  }
0x75: {  	_ =	shalt  }
0x76: {  	_ =	shalt  }
0x77: {  	_ =	shalt  }
0x78: {  	_ =	shalt  }
0x79: {  	_ =	shalt  }
0x7a: {  	_ =	shalt  }
0x7b: {  	_ =	shalt  }
0x7c: {  	_ =	shalt  }
0x7d: {  	_ =	shalt  }
0x7e: {  	_ =	shalt  }
0x7f: {  	_ =	shalt  }
0x80: {  	_ =	shalt  }
0x81: {  	_ =	shalt  }
0x82: {  	_ =	shalt  }
0x83: {  	_ =	shalt  }
0x84: {  	_ =	shalt  }
0x85: {  	_ =	shalt  }
0x86: {  	_ =	shalt  }
0x87: {  	_ =	shalt  }
.Lfunc_end0:
.L_simem_size_0:
called_computation_lowered:
.L_overlay_start_0:
0x88: {  	s2 =	sld [smem:$0x3FD9]  }
0x89: {  	s3 =	sld [smem:$0x3FFE];
	_ =	sdelay $0x1  }
0x8a: {  	s1 =	srdreg.scid  }
0x8b: {  	s0 =	sand.u32 $0x1, s1  }
0x8c: {  	s16 =	sshll.u32 s0, $0xA;
	s2 =	sadd.s32 s3, s2  }
0x8d: {  	s2 =	sadd.s32 s2, s16  }
0x8e: {  	[smem:$0x3FC5] =	sst s2  }
0x8f: {  	_ = 	snop  }
0x90: {  	(tm) =	ssettm $0x1  }
0x91: {  	s17 =	sld [smem:$0x3FFB];
	_ =	sdelay $0x3  }
0x92: {  	_ =	strace s17  }
0x93: {  	s2 =	sld [smem:$0x3FFC];
	_ =	sdelay $0x3  }
0x94: {  	_ =	strace s2  }
0x95: {  	s2 =	sld [smem:$0x3FFD];
	_ =	sdelay $0x3  }
0x96: {  	_ =	strace s2  }
0x97: {  	_ =	strace $0x8FFFFFFF  }
0x98: {  	s18 =	sld [smem:$0x3FDB];
	_ =	sdelay $0x1  }
0x99: {  	s19 =	simm.s32 $_scs_section_size  }
0x9a: {  	s4 =	simm.s32 $_size__tile_overlayer_lowered;
	s5 =	simm.s32 $_tile_overlayer_lowered  }
0x9b: {  	s22 =	simm.s32 $0x1BFF;
	s21 =	sshll.u32 s5, $0x1;
	s2 =	sadd.s32 s19, s18  }
0x9c: {  	s6 =	simm.s32 $0x0;
	s20 =	sshll.u32 s4, $0x1;
	s4 =	sadd.s32 s21, s2  }
0x9d: {  	[timem:s6], [sflag:s22] =	dma.local [hbm:s4], s20  }
0x9e: {  	_ =	swait.ge [sflag:s22], s20  }
0x9f: {  	s3 =	ssub.s32 $0x0, s20;
	[sflag:s22] =	ssyncset.done $0x0  }
0xa0: {  	[sflag:s22] =	ssyncadd.s32 s3;
	_ =	sdelay $0x1  }
0xa1: {  	s23 =	simm.s32 $0x1B8B  }
0xa2: {  	_ =	swait.ge [sflag:s23], $0x1  }
0xa3: {  	[sflag:s23] =	ssyncset.done $0x0  }
0xa4: {  	s25 =	simm.s32 $0x1B8E;
	s24 =	sld [smem:$0x3FFE];
	[sflag:s23] =	ssyncadd.s32 $0xFFFFFFFF  }
0xa5: {  	s26 =	simm.s32 $execute0_lowered;
	[smem:$0x3FD2] =	sst s25  }
0xa6: {  	s4 =	sshll.u32 s26, $0x1;
	_ =	strace $0x80000046;
	[dreg:$0x1] =	wrdreg $0xFFFFFFFF  }
0xa7: {  	s28 =	simm.s32 $_size_execute0_lowered;
	s2 =	sadd.s32 s2, s4;
	[dreg:$0x0] =	wrdreg $0x0  }
0xa8: {  	s4 =	sshll.u32 s28, $0x1;
	[dreg:$0x2] =	wrdreg s2  }
0xa9: {  	[dreg:$0x3] =	wrdreg s4  }
0xaa: {  	[dreg:$0x4] =	wrdreg $0xC0  }
0xab: {  	_ =	task [dreg:s6], $0x5FFFF  }
0xac: {  	[dreg:$0x1] =	wrdreg $0xFFFFFFFF  }
0xad: {  	[dreg:$0x0] =	wrdreg $0x60  }
0xae: {  	[dreg:$0x2] =	wrdreg s24  }
0xaf: {  	[dreg:$0x3] =	wrdreg $0x9  }
0xb0: {  	_ =	task.clear_ibuf [dreg:s6], $0x4FFFF;
	_ =	strace $0x90000046  }
0xb1: {  	s29 =	simm.s32 $0x9;
	_ =	strace $0x80000048  }
0xb2: {  	_ =	swait.ge [sflag:s29], $0x1  }
0xb3: {  	[sflag:s29] =	ssyncadd.s32 $0xFFFFFFFF  }
0xb4: {  	_ =	strace $0x90000048  }
0xb5: {  	_ =	sfence  }
0xb6: {  	s30 =	sld [smem:$0x0];
	_ =	sdelay $0x2  }
0xb7: {  	s31 =	sshll.u32 s1, $0xD;
	s1 =	sshrl.u32 s1, $0x2  }
0xb8: {  	s3 =	sand.u32 $0x4000, s31;
	s1 =	sadd.s32 s1, s30  }
0xb9: {  	s0 =	sor.u32 s3, s0;
	s1 =	sshll.u32 s1, $0x11  }
0xba: {  	s0 =	sor.u32 s1, s0  }
0xbb: {  	s0 =	sadd.s32 $0x8F2B, s0  }
0xbc: {  	[sflag:s0] =	ssyncadd.remote.s32 $0x1  }
0xbd: {  	_ =	sfence.sel $0xFFFF  }
0xbe: {  	[dreg:$0x0] =	wrdreg $0xFFFFFFFF;
	(pc) =	sbr.abs _section_cstart, $3  }
0xbf: {  	[dreg:$0x1] =	wrdreg $0xFFFFFFFF  }
0xc0: {  	_ =	task.clear_ibuf [dreg:s6], $0x2FFFF;
	_ =	strace $0x9FFFFFFF  }
0xc1: {  	(tm) =	ssettm $0x7FFFFFFF  }
tec
execute0_lowered:
.L_overlay_start_1:
0x0: {  	(tag) =	ssettag $0x1  }
0x1: {  	s1 =	srdreg.scid;
	s0 =	stileid.u32  }
0x2: {  	s1 =	sand.u32 $0x1, s1;
	s2 =	sshll.u32 s0, $0x1  }
0x3: {  	s3 =	rddreg [dreg:$0x0];
	s4 =	sor.u32 s1, s2;
	s2 =	simm.s32 $0x0  }
0x4: {  	s12 =	simm.s32 $0x1080;
	[smem:$0x7FF] =	sst s2  }
0x5: {  	s13 =	simm.s32 $0x100;
	_ =	strace $0x80000047;
	[dreg:$0x7] =	wrdreg s12  }
0x6: {  	s14 =	simm.s32 $0x1100;
	[dreg:$0x8] =	wrdreg s13  }
0x7: {  	s15 =	simm.s32 $0x180;
	s16 =	simm.s32 $0x1180;
	[dreg:$0x9] =	wrdreg s14  }
0x8: {  	s17 =	simm.s32 $0x1200;
	s18 =	simm.s32 $0x400;
	[dreg:$0xa] =	wrdreg s15  }
0x9: {  	s20 =	simm.s32 $0x480;
	s21 =	simm.s32 $0x1300;
	[dreg:$0xb] =	wrdreg s16  }
0xa: {  	s22 =	simm.s32 $0x500;
	s23 =	simm.s32 $0x1380;
	[dreg:$0xc] =	wrdreg s17  }
0xb: {  	s6 =	simm.s32 $0x80;
	s24 =	simm.s32 $0x580;
	[dreg:$0xd] =	wrdreg s18  }
0xc: {  	s7 =	simm.s32 $0x1000;
	s25 =	simm.s32 $0x1400;
	[dreg:$0xe] =	wrdreg s20  }
0xd: {  	s8 =	simm.s32 $0x200;
	s26 =	simm.s32 $0x600;
	[dreg:$0xf] =	wrdreg s21  }
0xe: {  	s28 =	simm.s32 $0xD80;
	s29 =	simm.s32 $0x1900;
	[dreg:$0x10] =	wrdreg s22  }
0xf: {  	s30 =	simm.s32 $0xE00;
	s31 =	simm.s32 $0x1980;
	[dreg:$0x11] =	wrdreg s23  }
0x10: {  	s1 =	ssub.s32 $0x2, s1;
	s5 =	sshll.u32 s4, $0x7;
	[dreg:$0x12] =	wrdreg s24  }
0x11: {  	s4 =	smul.u32 $0x140, s4;
	s19 =	sshrl.u32 s1, $0x1;
	[dreg:$0x13] =	wrdreg s25  }
0x12: {  	s5 =	sadd.s32 s5, s3;
	s1 =	ssub.s32 s1, s19;
	[dreg:$0x14] =	wrdreg s26  }
0x13: {  	s12 =	simm.s32 $0x1500;
	s14 =	simm.s32 $0x1580;
	s15 =	simm.s32 $0x900  }
0x14: {  	s16 =	simm.s32 $0x1600;
	s17 =	simm.s32 $0x980;
	s18 =	simm.s32 $0x1680  }
0x15: {  	s19 =	simm.s32 $0xA00;
	s20 =	simm.s32 $0x1700;
	s21 =	simm.s32 $0xC00  }
0x16: {  	s22 =	simm.s32 $0x1780;
	s4 =	sadd.s32 s4, s3;
	s5 =	sadd.s32 $0x800, s5  }
0x17: {  	s23 =	simm.s32 $0xC80;
	[dreg:$0x2] =	wrdreg s5;
	s9 =	sadd.s32 $0x5A00, s4  }
0x18: {  	s24 =	simm.s32 $0x1800;
	s10 =	sadd.s32 $0x5A10, s4;
	[dreg:$0x3] =	wrdreg s9  }
0x19: {  	s25 =	simm.s32 $0xD00;
	s11 =	sadd.s32 $0x5A20, s4;
	[dreg:$0x4] =	wrdreg s10  }
0x1a: {  	s26 =	simm.s32 $0x1880;
	s4 =	sadd.s32 $0x5A30, s4;
	[dreg:$0x5] =	wrdreg s11  }
0x1b: {  	s3 =	sadd.s32 $0x1800, s3;
	s5 =	simm.s32 $0x2;
	[dreg:$0x6] =	wrdreg s4  }
0x1c: {  	s4 =	smax.u32 s1, $0x1;
	s9 =	simm.s32 $0x1280;
	s1 =	simm.s32 $0x1  }
.LBB2_1:
0x1d: {  	s0 =	rddreg [dreg:$0x2]  }
0x1e: {  	[tilespmem:s2], [sflag:$0x2] =	stream.linear.gather [hbm4b:s0+s2], $0x280, $0x38;
	[tilespmem:$0x1A00] =	vst v63  }
0x1f: {  	_ =	swait.ge [sflag:s5], $0x280  }
0x20: {  	[sflag:s5] =	ssyncset.done $0x0  }
0x21: {  	[sflag:s5] =	ssyncadd.s32 $0xFFFFFD80  }
0x22: {  	v0 =	vld [tilespmem:$0x0]  }
0x23: {  	v1 =	vld [tilespmem:$0x10]  }
0x24: {  	v2 =	vld [tilespmem:$0x20]  }
0x25: {  	v3 =	vld [tilespmem:$0x30]  }
0x26: {  	v4 =	vld [tilespmem:$0x40]  }
0x27: {  	v5 =	vld [tilespmem:$0x50];
	v0 =	vadd.s32 $0x8340, v0  }
0x28: {  	v57 =	vld [tilespmem:$0x60];
	v56 =	vadd.s32 $0x8340, v1;
	[tilespmem:$0x400] =	vst v0  }
0x29: {  	v59 =	vld [tilespmem:$0x70];
	v58 =	vadd.s32 $0x8340, v2;
	[tilespmem:$0x410] =	vst v56  }
0x2a: {  	v61 =	vld [tilespmem:$0x80];
	v60 =	vadd.s32 $0x8340, v3;
	[tilespmem:$0x420] =	vst v58  }
0x2b: {  	v63 =	vld [tilespmem:$0x90];
	v62 =	vadd.s32 $0x8340, v4;
	[tilespmem:$0x430] =	vst v60  }
0x2c: {  	v9 =	vld [tilespmem:$0xA0];
	v8 =	vadd.s32 $0x8340, v5;
	[tilespmem:$0x440] =	vst v62  }
0x2d: {  	v11 =	vld [tilespmem:$0xB0];
	v10 =	vadd.s32 $0x8340, v57;
	[tilespmem:$0x450] =	vst v8  }
0x2e: {  	v13 =	vld [tilespmem:$0xC0];
	v12 =	vadd.s32 $0x8340, v59;
	[tilespmem:$0x460] =	vst v10  }
0x2f: {  	v15 =	vld [tilespmem:$0xD0];
	v14 =	vadd.s32 $0x8340, v61;
	[tilespmem:$0x470] =	vst v12  }
0x30: {  	v17 =	vld [tilespmem:$0xE0];
	v16 =	vadd.s32 $0x8340, v63;
	[tilespmem:$0x480] =	vst v14  }
0x31: {  	v19 =	vld [tilespmem:$0xF0];
	v18 =	vadd.s32 $0x8340, v9;
	[tilespmem:$0x490] =	vst v16  }
0x32: {  	v21 =	vld [tilespmem:$0x100];
	v20 =	vadd.s32 $0x8340, v11;
	[tilespmem:$0x4A0] =	vst v18  }
0x33: {  	v23 =	vld [tilespmem:$0x110];
	v22 =	vadd.s32 $0x8340, v13;
	[tilespmem:$0x4B0] =	vst v20  }
0x34: {  	v25 =	vld [tilespmem:$0x120];
	v24 =	vadd.s32 $0x8340, v15;
	[tilespmem:$0x4C0] =	vst v22  }
0x35: {  	v27 =	vld [tilespmem:$0x130];
	v26 =	vadd.s32 $0x8340, v17;
	[tilespmem:$0x4D0] =	vst v24  }
0x36: {  	v29 =	vld [tilespmem:$0x140];
	v28 =	vadd.s32 $0x8340, v19;
	[tilespmem:$0x4E0] =	vst v26  }
0x37: {  	v31 =	vld [tilespmem:$0x150];
	v30 =	vadd.s32 $0x8340, v21;
	[tilespmem:$0x4F0] =	vst v28  }
0x38: {  	v33 =	vld [tilespmem:$0x160];
	v32 =	vadd.s32 $0x8340, v23;
	[tilespmem:$0x500] =	vst v30  }
0x39: {  	v35 =	vld [tilespmem:$0x170];
	v34 =	vadd.s32 $0x8340, v25;
	[tilespmem:$0x510] =	vst v32  }
0x3a: {  	v37 =	vld [tilespmem:$0x180];
	v36 =	vadd.s32 $0x8340, v27;
	[tilespmem:$0x520] =	vst v34  }
0x3b: {  	v39 =	vld [tilespmem:$0x190];
	v38 =	vadd.s32 $0x8340, v29;
	[tilespmem:$0x530] =	vst v36  }
0x3c: {  	v41 =	vld [tilespmem:$0x1A0];
	v40 =	vadd.s32 $0x8340, v31;
	[tilespmem:$0x540] =	vst v38  }
0x3d: {  	v43 =	vld [tilespmem:$0x1B0];
	v42 =	vadd.s32 $0x8340, v33;
	[tilespmem:$0x550] =	vst v40  }
0x3e: {  	v45 =	vld [tilespmem:$0x1C0];
	v44 =	vadd.s32 $0x8340, v35;
	[tilespmem:$0x560] =	vst v42  }
0x3f: {  	v47 =	vld [tilespmem:$0x1D0];
	v46 =	vadd.s32 $0x8340, v37;
	[tilespmem:$0x570] =	vst v44  }
0x40: {  	v49 =	vld [tilespmem:$0x1E0];
	v48 =	vadd.s32 $0x8340, v39;
	[tilespmem:$0x580] =	vst v46  }
0x41: {  	v51 =	vld [tilespmem:$0x1F0];
	v50 =	vadd.s32 $0x8340, v41;
	[tilespmem:$0x590] =	vst v48  }
0x42: {  	v53 =	vld [tilespmem:$0x200];
	v52 =	vadd.s32 $0x8340, v43;
	[tilespmem:$0x5A0] =	vst v50  }
0x43: {  	v55 =	vld [tilespmem:$0x210];
	v54 =	vadd.s32 $0x8340, v45;
	[tilespmem:$0x5B0] =	vst v52  }
0x44: {  	v57 =	vld [tilespmem:$0x220];
	[tilespmem:$0x5C0] =	vst v54;
	v56 =	vadd.s32 $0x8340, v47  }
0x45: {  	v59 =	vld [tilespmem:$0x230];
	v58 =	vadd.s32 $0x8340, v49;
	[tilespmem:$0x5D0] =	vst v56  }
0x46: {  	v61 =	vld [tilespmem:$0x240];
	v60 =	vadd.s32 $0x8340, v51;
	[tilespmem:$0x5E0] =	vst v58  }
0x47: {  	v63 =	vld [tilespmem:$0x250];
	v62 =	vadd.s32 $0x8340, v53;
	[tilespmem:$0x5F0] =	vst v60  }
0x48: {  	v9 =	vld [tilespmem:$0x260];
	v8 =	vadd.s32 $0x8340, v55;
	[tilespmem:$0x600] =	vst v62  }
0x49: {  	v11 =	vld [tilespmem:$0x270];
	[tilespmem:$0x610] =	vst v8;
	v10 =	vadd.s32 $0x8340, v57  }
0x4a: {  	v13 =	vld [tilespmem:$0x0];
	v12 =	vadd.s32 $0x8340, v59;
	[tilespmem:$0x620] =	vst v10  }
0x4b: {  	v15 =	vld [tilespmem:$0x10];
	v14 =	vadd.s32 $0x8340, v61;
	[tilespmem:$0x630] =	vst v12  }
0x4c: {  	v17 =	vld [tilespmem:$0x20];
	v16 =	vadd.s32 $0x8340, v63;
	[tilespmem:$0x640] =	vst v14  }
0x4d: {  	v19 =	vld [tilespmem:$0x30];
	v18 =	vadd.s32 $0x8340, v9;
	[tilespmem:$0x650] =	vst v16  }
0x4e: {  	v21 =	vld [tilespmem:$0x40];
	v20 =	vadd.s32 $0x8340, v11;
	[tilespmem:$0x660] =	vst v18  }
0x4f: {  	v23 =	vld [tilespmem:$0x50];
	v22 =	vadd.s32 $0x10680, v13;
	[tilespmem:$0x670] =	vst v20  }
0x50: {  	v25 =	vld [tilespmem:$0x60];
	v24 =	vadd.s32 $0x10680, v15;
	[tilespmem:$0x800] =	vst v22  }
0x51: {  	v27 =	vld [tilespmem:$0x70];
	v26 =	vadd.s32 $0x10680, v17;
	[tilespmem:$0x810] =	vst v24  }
0x52: {  	v29 =	vld [tilespmem:$0x80];
	v28 =	vadd.s32 $0x10680, v19;
	[tilespmem:$0x820] =	vst v26  }
0x53: {  	v31 =	vld [tilespmem:$0x90];
	v30 =	vadd.s32 $0x10680, v21;
	[tilespmem:$0x830] =	vst v28  }
0x54: {  	v33 =	vld [tilespmem:$0xA0];
	v32 =	vadd.s32 $0x10680, v23;
	[tilespmem:$0x840] =	vst v30  }
0x55: {  	v35 =	vld [tilespmem:$0xB0];
	v34 =	vadd.s32 $0x10680, v25;
	[tilespmem:$0x850] =	vst v32  }
0x56: {  	v37 =	vld [tilespmem:$0xC0];
	v36 =	vadd.s32 $0x10680, v27;
	[tilespmem:$0x860] =	vst v34  }
0x57: {  	v39 =	vld [tilespmem:$0xD0];
	v38 =	vadd.s32 $0x10680, v29;
	[tilespmem:$0x870] =	vst v36  }
0x58: {  	v41 =	vld [tilespmem:$0xE0];
	v40 =	vadd.s32 $0x10680, v31;
	[tilespmem:$0x880] =	vst v38  }
0x59: {  	v43 =	vld [tilespmem:$0xF0];
	v42 =	vadd.s32 $0x10680, v33;
	[tilespmem:$0x890] =	vst v40  }
0x5a: {  	v45 =	vld [tilespmem:$0x100];
	v44 =	vadd.s32 $0x10680, v35;
	[tilespmem:$0x8A0] =	vst v42  }
0x5b: {  	v47 =	vld [tilespmem:$0x110];
	v46 =	vadd.s32 $0x10680, v37;
	[tilespmem:$0x8B0] =	vst v44  }
0x5c: {  	v49 =	vld [tilespmem:$0x120];
	v48 =	vadd.s32 $0x10680, v39;
	[tilespmem:$0x8C0] =	vst v46  }
0x5d: {  	v51 =	vld [tilespmem:$0x130];
	v50 =	vadd.s32 $0x10680, v41;
	[tilespmem:$0x8D0] =	vst v48  }
0x5e: {  	v53 =	vld [tilespmem:$0x140];
	v52 =	vadd.s32 $0x10680, v43;
	[tilespmem:$0x8E0] =	vst v50  }
0x5f: {  	v55 =	vld [tilespmem:$0x150];
	v54 =	vadd.s32 $0x10680, v45;
	[tilespmem:$0x8F0] =	vst v52  }
0x60: {  	v8 =	vld [tilespmem:$0x1A0];
	[tilespmem:$0x900] =	vst v54;
	v56 =	vadd.s32 $0x10680, v47  }
0x61: {  	v57 =	vld [tilespmem:$0x160];
	v58 =	vadd.s32 $0x10680, v49;
	[tilespmem:$0x910] =	vst v56  }
0x62: {  	v59 =	vld [tilespmem:$0x170];
	v60 =	vadd.s32 $0x10680, v51;
	[tilespmem:$0x920] =	vst v58  }
0x63: {  	v61 =	vld [tilespmem:$0x180];
	v62 =	vadd.s32 $0x10680, v53;
	[tilespmem:$0x930] =	vst v60  }
0x64: {  	v63 =	vld [tilespmem:$0x190];
	v7 =	vadd.s32 $0x10680, v55;
	[tilespmem:$0x940] =	vst v62  }
0x65: {  	v10 =	vld [tilespmem:$0x1B0];
	[tilespmem:$0x950] =	vst v7;
	v17 =	vadd.s32 $0x10680, v8  }
0x66: {  	v12 =	vld [tilespmem:$0x1C0];
	[tilespmem:$0x9A0] =	vst v17;
	v9 =	vadd.s32 $0x10680, v57  }
0x67: {  	v14 =	vld [tilespmem:$0x1D0];
	v11 =	vadd.s32 $0x10680, v59;
	[tilespmem:$0x960] =	vst v9  }
0x68: {  	v16 =	vld [tilespmem:$0x1E0];
	v13 =	vadd.s32 $0x10680, v61;
	[tilespmem:$0x970] =	vst v11  }
0x69: {  	v18 =	vld [tilespmem:$0x1F0];
	v15 =	vadd.s32 $0x10680, v63;
	[tilespmem:$0x980] =	vst v13  }
0x6a: {  	v20 =	vld [tilespmem:$0x200];
	[tilespmem:$0x990] =	vst v15;
	v19 =	vadd.s32 $0x10680, v10  }
0x6b: {  	v22 =	vld [tilespmem:$0x210];
	v21 =	vadd.s32 $0x10680, v12;
	[tilespmem:$0x9B0] =	vst v19  }
0x6c: {  	v24 =	vld [tilespmem:$0x220];
	v23 =	vadd.s32 $0x10680, v14;
	[tilespmem:$0x9C0] =	vst v21  }
0x6d: {  	v26 =	vld [tilespmem:$0x230];
	v25 =	vadd.s32 $0x10680, v16;
	[tilespmem:$0x9D0] =	vst v23  }
0x6e: {  	v28 =	vld [tilespmem:$0x240];
	v27 =	vadd.s32 $0x10680, v18;
	[tilespmem:$0x9E0] =	vst v25  }
0x6f: {  	v30 =	vld [tilespmem:$0x250];
	v29 =	vadd.s32 $0x10680, v20;
	[tilespmem:$0x9F0] =	vst v27  }
0x70: {  	v32 =	vld [tilespmem:$0x260];
	v31 =	vadd.s32 $0x10680, v22;
	[tilespmem:$0xA00] =	vst v29  }
0x71: {  	v34 =	vld [tilespmem:$0x270];
	v33 =	vadd.s32 $0x10680, v24;
	[tilespmem:$0xA10] =	vst v31  }
0x72: {  	v36 =	vld [tilespmem:$0x0];
	v35 =	vadd.s32 $0x10680, v26;
	[tilespmem:$0xA20] =	vst v33  }
0x73: {  	v38 =	vld [tilespmem:$0x10];
	v37 =	vadd.s32 $0x10680, v28;
	[tilespmem:$0xA30] =	vst v35  }
0x74: {  	v40 =	vld [tilespmem:$0x20];
	v39 =	vadd.s32 $0x10680, v30;
	[tilespmem:$0xA40] =	vst v37  }
0x75: {  	v42 =	vld [tilespmem:$0x30];
	v41 =	vadd.s32 $0x10680, v32;
	[tilespmem:$0xA50] =	vst v39  }
0x76: {  	v44 =	vld [tilespmem:$0x40];
	v43 =	vadd.s32 $0x10680, v34;
	[tilespmem:$0xA60] =	vst v41  }
0x77: {  	v46 =	vld [tilespmem:$0x50];
	v45 =	vadd.s32 $0x189C0, v36;
	[tilespmem:$0xA70] =	vst v43  }
0x78: {  	v48 =	vld [tilespmem:$0x60];
	v47 =	vadd.s32 $0x189C0, v38;
	[tilespmem:$0xC00] =	vst v45  }
0x79: {  	v50 =	vld [tilespmem:$0x70];
	v49 =	vadd.s32 $0x189C0, v40;
	[tilespmem:$0xC10] =	vst v47  }
0x7a: {  	v52 =	vld [tilespmem:$0x80];
	v51 =	vadd.s32 $0x189C0, v42;
	[tilespmem:$0xC20] =	vst v49  }
0x7b: {  	v54 =	vld [tilespmem:$0x90];
	v53 =	vadd.s32 $0x189C0, v44;
	[tilespmem:$0xC30] =	vst v51  }
0x7c: {  	v56 =	vld [tilespmem:$0xA0];
	v55 =	vadd.s32 $0x189C0, v46;
	[tilespmem:$0xC40] =	vst v53  }
0x7d: {  	v58 =	vld [tilespmem:$0xB0];
	v57 =	vadd.s32 $0x189C0, v48;
	[tilespmem:$0xC50] =	vst v55  }
0x7e: {  	v60 =	vld [tilespmem:$0xC0];
	v59 =	vadd.s32 $0x189C0, v50;
	[tilespmem:$0xC60] =	vst v57  }
0x7f: {  	v62 =	vld [tilespmem:$0xD0];
	v61 =	vadd.s32 $0x189C0, v52;
	[tilespmem:$0xC70] =	vst v59  }
0x80: {  	v8 =	vld [tilespmem:$0xE0];
	v63 =	vadd.s32 $0x189C0, v54;
	[tilespmem:$0xC80] =	vst v61  }
0x81: {  	v10 =	vld [tilespmem:$0xF0];
	[tilespmem:$0xC90] =	vst v63;
	v9 =	vadd.s32 $0x189C0, v56  }
0x82: {  	v12 =	vld [tilespmem:$0x100];
	v11 =	vadd.s32 $0x189C0, v58;
	[tilespmem:$0xCA0] =	vst v9  }
0x83: {  	v14 =	vld [tilespmem:$0x110];
	v13 =	vadd.s32 $0x189C0, v60;
	[tilespmem:$0xCB0] =	vst v11  }
0x84: {  	v16 =	vld [tilespmem:$0x120];
	v15 =	vadd.s32 $0x189C0, v62;
	[tilespmem:$0xCC0] =	vst v13  }
0x85: {  	v18 =	vld [tilespmem:$0x130];
	v17 =	vadd.s32 $0x189C0, v8;
	[tilespmem:$0xCD0] =	vst v15  }
0x86: {  	v20 =	vld [tilespmem:$0x140];
	[tilespmem:$0xCE0] =	vst v17;
	v19 =	vadd.s32 $0x189C0, v10  }
0x87: {  	v22 =	vld [tilespmem:$0x150];
	v21 =	vadd.s32 $0x189C0, v12;
	[tilespmem:$0xCF0] =	vst v19  }
0x88: {  	v24 =	vld [tilespmem:$0x160];
	v23 =	vadd.s32 $0x189C0, v14;
	[tilespmem:$0xD00] =	vst v21  }
0x89: {  	v26 =	vld [tilespmem:$0x170];
	v25 =	vadd.s32 $0x189C0, v16;
	[tilespmem:$0xD10] =	vst v23  }
0x8a: {  	v28 =	vld [tilespmem:$0x180];
	v27 =	vadd.s32 $0x189C0, v18;
	[tilespmem:$0xD20] =	vst v25  }
0x8b: {  	v30 =	vld [tilespmem:$0x190];
	v29 =	vadd.s32 $0x189C0, v20;
	[tilespmem:$0xD30] =	vst v27  }
0x8c: {  	v32 =	vld [tilespmem:$0x1A0];
	v31 =	vadd.s32 $0x189C0, v22;
	[tilespmem:$0xD40] =	vst v29  }
0x8d: {  	v34 =	vld [tilespmem:$0x1B0];
	v33 =	vadd.s32 $0x189C0, v24;
	[tilespmem:$0xD50] =	vst v31  }
0x8e: {  	v36 =	vld [tilespmem:$0x1C0];
	v35 =	vadd.s32 $0x189C0, v26;
	[tilespmem:$0xD60] =	vst v33  }
0x8f: {  	v38 =	vld [tilespmem:$0x1D0];
	v37 =	vadd.s32 $0x189C0, v28;
	[tilespmem:$0xD70] =	vst v35  }
0x90: {  	v40 =	vld [tilespmem:$0x1E0];
	v39 =	vadd.s32 $0x189C0, v30;
	[tilespmem:$0xD80] =	vst v37  }
0x91: {  	v42 =	vld [tilespmem:$0x1F0];
	v41 =	vadd.s32 $0x189C0, v32;
	[tilespmem:$0xD90] =	vst v39  }
0x92: {  	v44 =	vld [tilespmem:$0x200];
	v43 =	vadd.s32 $0x189C0, v34;
	[tilespmem:$0xDA0] =	vst v41  }
0x93: {  	v46 =	vld [tilespmem:$0x210];
	v45 =	vadd.s32 $0x189C0, v36;
	[tilespmem:$0xDB0] =	vst v43  }
0x94: {  	v48 =	vld [tilespmem:$0x220];
	v47 =	vadd.s32 $0x189C0, v38;
	[tilespmem:$0xDC0] =	vst v45  }
0x95: {  	v50 =	vld [tilespmem:$0x230];
	v49 =	vadd.s32 $0x189C0, v40;
	[tilespmem:$0xDD0] =	vst v47  }
0x96: {  	v52 =	vld [tilespmem:$0x240];
	v51 =	vadd.s32 $0x189C0, v42;
	[tilespmem:$0xDE0] =	vst v49  }
0x97: {  	v54 =	vld [tilespmem:$0x250];
	v53 =	vadd.s32 $0x189C0, v44;
	[tilespmem:$0xDF0] =	vst v51  }
0x98: {  	v56 =	vld [tilespmem:$0x260];
	v55 =	vadd.s32 $0x189C0, v46;
	[tilespmem:$0xE00] =	vst v53  }
0x99: {  	v58 =	vld [tilespmem:$0x270];
	v57 =	vadd.s32 $0x189C0, v48;
	[tilespmem:$0xE10] =	vst v55  }
0x9a: {  	v59 =	vadd.s32 $0x189C0, v50;
	[tilespmem:$0xE20] =	vst v57  }
0x9b: {  	v60 =	vadd.s32 $0x189C0, v52;
	[tilespmem:$0xE30] =	vst v59  }
0x9c: {  	v61 =	vadd.s32 $0x189C0, v54;
	[tilespmem:$0xE40] =	vst v60  }
0x9d: {  	s13 =	rddreg [dreg:$0x7];
	[tilespmem:$0xE50] =	vst v61;
	v62 =	vadd.s32 $0x189C0, v56  }
0x9e: {  	s0 =	rddreg [dreg:$0x8];
	v63 =	vadd.s32 $0x189C0, v58;
	[tilespmem:$0xE60] =	vst v62  }
0x9f: {  	s10 =	rddreg [dreg:$0x9];
	[tilespmem:$0xE70] =	vst v63  }
0xa0: {  	[tilespmem:s7], [sflag:$0x1] =	stream.indirect.gather [hbm4b:s3+s6], $0x1, s2, s6, $0xb8;
	[tilespmem:$0x1A00] =	vst v63  }
0xa1: {  	s11 =	rddreg [dreg:$0xa]  }
0xa2: {  	[tilespmem:s13], [sflag:$0x1] =	stream.indirect.gather [hbm4b:s3+s6], $0x1, s6, s6, $0xb8;
	[tilespmem:$0x1A00] =	vst v63  }
0xa3: {  	s13 =	rddreg [dreg:$0xb]  }
0xa4: {  	[tilespmem:s10], [sflag:$0x1] =	stream.indirect.gather [hbm4b:s3+s6], $0x1, s0, s6, $0xb8;
	[tilespmem:$0x1A00] =	vst v63  }
0xa5: {  	s10 =	rddreg [dreg:$0xc]  }
0xa6: {  	s0 =	rddreg [dreg:$0x10]  }
0xa7: {  	[tilespmem:s13], [sflag:$0x1] =	stream.indirect.gather [hbm4b:s3+s6], $0x1, s11, s6, $0xb8;
	[tilespmem:$0x1A00] =	vst v63  }
0xa8: {  	s11 =	rddreg [dreg:$0xe]  }
0xa9: {  	s13 =	rddreg [dreg:$0xf]  }
0xaa: {  	[tilespmem:s10], [sflag:$0x1] =	stream.indirect.gather [hbm4b:s3+s6], $0x1, s8, s6, $0xb8;
	[tilespmem:$0x1A00] =	vst v63  }
0xab: {  	s10 =	rddreg [dreg:$0xd]  }
0xac: {  	[tilespmem:s9], [sflag:$0x1] =	stream.indirect.gather [hbm4b:s3+s6], $0x1, s10, s6, $0xb8;
	[tilespmem:$0x1A00] =	vst v63  }
0xad: {  	s10 =	rddreg [dreg:$0x11]  }
0xae: {  	[tilespmem:s13], [sflag:$0x1] =	stream.indirect.gather [hbm4b:s3+s6], $0x1, s11, s6, $0xb8;
	[tilespmem:$0x1A00] =	vst v63  }
0xaf: {  	s11 =	rddreg [dreg:$0x12]  }
0xb0: {  	[tilespmem:s10], [sflag:$0x1] =	stream.indirect.gather [hbm4b:s3+s6], $0x1, s0, s6, $0xb8;
	[tilespmem:$0x1A00] =	vst v63  }
0xb1: {  	s13 =	rddreg [dreg:$0x13]  }
0xb2: {  	[tilespmem:s13], [sflag:$0x1] =	stream.indirect.gather [hbm4b:s3+s6], $0x1, s11, s6, $0xb8;
	[tilespmem:$0x1A00] =	vst v63  }
0xb3: {  	s10 =	rddreg [dreg:$0x14];
	s13 =	simm.s32 $0x1480  }
0xb4: {  	[tilespmem:s13], [sflag:$0x1] =	stream.indirect.gather [hbm4b:s3+s6], $0x1, s10, s6, $0xb8;
	[tilespmem:$0x1A00] =	vst v63  }
0xb5: {  	s10 =	simm.s32 $0x800  }
0xb6: {  	[tilespmem:s12], [sflag:$0x1] =	stream.indirect.gather [hbm4b:s3+s6], $0x1, s10, s6, $0xb8;
	[tilespmem:$0x1A00] =	vst v63  }
0xb7: {  	s11 =	simm.s32 $0x880  }
0xb8: {  	[tilespmem:s14], [sflag:$0x1] =	stream.indirect.gather [hbm4b:s3+s6], $0x1, s11, s6, $0xb8;
	[tilespmem:$0x1A00] =	vst v63  }
0xb9: {  	_ = 	snop  }
0xba: {  	[tilespmem:s16], [sflag:$0x1] =	stream.indirect.gather [hbm4b:s3+s6], $0x1, s15, s6, $0xb8;
	[tilespmem:$0x1A00] =	vst v63  }
0xbb: {  	_ = 	snop  }
0xbc: {  	[tilespmem:s18], [sflag:$0x1] =	stream.indirect.gather [hbm4b:s3+s6], $0x1, s17, s6, $0xb8;
	[tilespmem:$0x1A00] =	vst v63  }
0xbd: {  	_ = 	snop  }
0xbe: {  	[tilespmem:s20], [sflag:$0x1] =	stream.indirect.gather [hbm4b:s3+s6], $0x1, s19, s6, $0xb8;
	[tilespmem:$0x1A00] =	vst v63  }
0xbf: {  	_ = 	snop  }
0xc0: {  	[tilespmem:s22], [sflag:$0x1] =	stream.indirect.gather [hbm4b:s3+s6], $0x1, s21, s6, $0xb8;
	[tilespmem:$0x1A00] =	vst v63  }
0xc1: {  	_ = 	snop  }
0xc2: {  	[tilespmem:s24], [sflag:$0x1] =	stream.indirect.gather [hbm4b:s3+s6], $0x1, s23, s6, $0xb8;
	[tilespmem:$0x1A00] =	vst v63  }
0xc3: {  	_ = 	snop  }
0xc4: {  	[tilespmem:s26], [sflag:$0x1] =	stream.indirect.gather [hbm4b:s3+s6], $0x1, s25, s6, $0xb8;
	[tilespmem:$0x1A00] =	vst v63  }
0xc5: {  	_ = 	snop  }
0xc6: {  	[tilespmem:s29], [sflag:$0x1] =	stream.indirect.gather [hbm4b:s3+s6], $0x1, s28, s6, $0xb8;
	[tilespmem:$0x1A00] =	vst v63  }
0xc7: {  	_ = 	snop  }
0xc8: {  	[tilespmem:s31], [sflag:$0x1] =	stream.indirect.gather [hbm4b:s3+s6], $0x1, s30, s6, $0xb8;
	[tilespmem:$0x1A00] =	vst v63  }
0xc9: {  	_ =	swait.ge [sflag:s1], $0x80  }
0xca: {  	[sflag:s1] =	ssyncset.done $0x0  }
0xcb: {  	[sflag:s1] =	ssyncadd.s32 $0xFFFFFF80  }
0xcc: {  	_ =	swait.ge [sflag:s1], $0x80  }
0xcd: {  	[sflag:s1] =	ssyncset.done $0x0  }
0xce: {  	[sflag:s1] =	ssyncadd.s32 $0xFFFFFF80  }
0xcf: {  	_ =	swait.ge [sflag:s1], $0x80  }
0xd0: {  	[sflag:s1] =	ssyncset.done $0x0  }
0xd1: {  	[sflag:s1] =	ssyncadd.s32 $0xFFFFFF80  }
0xd2: {  	_ =	swait.ge [sflag:s1], $0x80  }
0xd3: {  	[sflag:s1] =	ssyncset.done $0x0  }
0xd4: {  	[sflag:s1] =	ssyncadd.s32 $0xFFFFFF80  }
0xd5: {  	_ =	swait.ge [sflag:s1], $0x80  }
0xd6: {  	[sflag:s1] =	ssyncset.done $0x0  }
0xd7: {  	[sflag:s1] =	ssyncadd.s32 $0xFFFFFF80  }
0xd8: {  	_ =	swait.ge [sflag:s1], $0x80  }
0xd9: {  	[sflag:s1] =	ssyncset.done $0x0  }
0xda: {  	[sflag:s1] =	ssyncadd.s32 $0xFFFFFF80  }
0xdb: {  	_ =	swait.ge [sflag:s1], $0x80  }
0xdc: {  	[sflag:s1] =	ssyncset.done $0x0  }
0xdd: {  	[sflag:s1] =	ssyncadd.s32 $0xFFFFFF80  }
0xde: {  	_ =	swait.ge [sflag:s1], $0x80  }
0xdf: {  	[sflag:s1] =	ssyncset.done $0x0  }
0xe0: {  	[sflag:s1] =	ssyncadd.s32 $0xFFFFFF80  }
0xe1: {  	_ =	swait.ge [sflag:s1], $0x80  }
0xe2: {  	[sflag:s1] =	ssyncset.done $0x0  }
0xe3: {  	[sflag:s1] =	ssyncadd.s32 $0xFFFFFF80  }
0xe4: {  	_ =	swait.ge [sflag:s1], $0x80  }
0xe5: {  	[sflag:s1] =	ssyncset.done $0x0  }
0xe6: {  	[sflag:s1] =	ssyncadd.s32 $0xFFFFFF80  }
0xe7: {  	_ =	swait.ge [sflag:s1], $0x80  }
0xe8: {  	[sflag:s1] =	ssyncset.done $0x0  }
0xe9: {  	[sflag:s1] =	ssyncadd.s32 $0xFFFFFF80  }
0xea: {  	_ =	swait.ge [sflag:s1], $0x80  }
0xeb: {  	[sflag:s1] =	ssyncset.done $0x0  }
0xec: {  	[sflag:s1] =	ssyncadd.s32 $0xFFFFFF80  }
0xed: {  	_ =	swait.ge [sflag:s1], $0x80  }
0xee: {  	[sflag:s1] =	ssyncset.done $0x0  }
0xef: {  	[sflag:s1] =	ssyncadd.s32 $0xFFFFFF80  }
0xf0: {  	_ =	swait.ge [sflag:s1], $0x80  }
0xf1: {  	[sflag:s1] =	ssyncset.done $0x0  }
0xf2: {  	[sflag:s1] =	ssyncadd.s32 $0xFFFFFF80  }
0xf3: {  	_ =	swait.ge [sflag:s1], $0x80  }
0xf4: {  	[sflag:s1] =	ssyncset.done $0x0  }
0xf5: {  	[sflag:s1] =	ssyncadd.s32 $0xFFFFFF80  }
0xf6: {  	_ =	swait.ge [sflag:s1], $0x80  }
0xf7: {  	[sflag:s1] =	ssyncset.done $0x0  }
0xf8: {  	[sflag:s1] =	ssyncadd.s32 $0xFFFFFF80  }
0xf9: {  	_ =	swait.ge [sflag:s1], $0x80  }
0xfa: {  	[sflag:s1] =	ssyncset.done $0x0  }
0xfb: {  	[sflag:s1] =	ssyncadd.s32 $0xFFFFFF80  }
0xfc: {  	_ =	swait.ge [sflag:s1], $0x80  }
0xfd: {  	[sflag:s1] =	ssyncset.done $0x0  }
0xfe: {  	[sflag:s1] =	ssyncadd.s32 $0xFFFFFF80  }
0xff: {  	_ =	swait.ge [sflag:s1], $0x80  }
0x100: {  	[sflag:s1] =	ssyncset.done $0x0  }
0x101: {  	[sflag:s1] =	ssyncadd.s32 $0xFFFFFF80  }
0x102: {  	_ =	swait.ge [sflag:s1], $0x80  }
0x103: {  	[sflag:s1] =	ssyncset.done $0x0  }
0x104: {  	s13 =	rddreg [dreg:$0x3];
	[sflag:s1] =	ssyncadd.s32 $0xFFFFFF80  }
0x105: {  	[hbm4b:s13+s6] =	stream.strided.scatter [tilespmem:s7], [sflag:$0x2], $0x280, s8, s6, $0x38;
	[tilespmem:$0x1A00] =	vst v63  }
0x106: {  	_ =	swait.ge [sflag:s5], $0x280  }
0x107: {  	[sflag:s5] =	ssyncset.done $0x0  }
0x108: {  	s10 =	rddreg [dreg:$0x4];
	[sflag:s5] =	ssyncadd.s32 $0xFFFFFD80  }
0x109: {  	[hbm4b:s10+s6] =	stream.strided.scatter [tilespmem:s9], [sflag:$0x2], $0x280, s8, s6, $0x38;
	[tilespmem:$0x1A00] =	vst v63  }
0x10a: {  	_ =	swait.ge [sflag:s5], $0x280  }
0x10b: {  	[sflag:s5] =	ssyncset.done $0x0  }
0x10c: {  	s11 =	rddreg [dreg:$0x5];
	[sflag:s5] =	ssyncadd.s32 $0xFFFFFD80  }
0x10d: {  	[hbm4b:s11+s6] =	stream.strided.scatter [tilespmem:s12], [sflag:$0x2], $0x280, s8, s6, $0x38;
	[tilespmem:$0x1A00] =	vst v63  }
0x10e: {  	_ =	swait.ge [sflag:s5], $0x280  }
0x10f: {  	p0 =	sne.s32 s4, $0x1;
	[sflag:s5] =	ssyncset.done $0x0  }
.Ltmp0:
0x110: {  	s13 =	rddreg [dreg:$0x6];
	[sflag:s5] =	ssyncadd.s32 $0xFFFFFD80;
	(pc) =	sbr.rel @p0 .LBB2_1-.Ltmp0, $4  }
0x111: {  	[hbm4b:s13+s6] =	stream.strided.scatter [tilespmem:s22], [sflag:$0x2], $0x280, s8, s6, $0x38;
	[tilespmem:$0x1A00] =	vst v63  }
0x112: {  	_ =	swait.ge [sflag:s5], $0x280  }
0x113: {  	[sflag:s5] =	ssyncset.done $0x0  }
0x114: {  	s4 =	sadd.s32 $0xFFFFFFFF, s4;
	[sflag:s5] =	ssyncadd.s32 $0xFFFFFD80  }
0x115: {  	_ =	sfence.sel $0x180000  }
0x116: {  	[bflag:$0x0] =	sbarrier.arrive $0xFFFF  }
0x117: {  	_ =	strace $0x90000047  }
0x118: {  	s0 =	stileid.u32;
	[bflag:$0x2] =	sbarrier.arrive $0xFFFF  }
0x119: {  	p0 =	sne.s32 s0, $0x0;
	s0 =	rddreg [dreg:$0x1]  }
0x11a: {  	s0 =	sadd.s32 @!p0 $0x100000, s0  }
0x11b: {  	[sflag:s0] =	ssyncadd.tile.s32 @!p0 $0x1;
	_ =	shalt  }
.Lfunc_end2:
_tile_overlayer_lowered:
.L_overlay_start_2:
0x11c: {  	(tag) =	ssettag $0x2  }
0x11d: {  	s0 =	rddreg [dreg:$0x0];
	s2 =	stileid.u32  }
0x11e: {  	s1 =	rddreg [dreg:$0x1];
	p0 =	sne.s32 s2, $0x0  }
0x11f: {  	s3 =	rddreg [dreg:$0x2];
	[bflag:$0x3] =	sbarrier.arrive $0xFFFF;
	s2 =	simm.s32 @!p0 $0x1C02  }
0x120: {  	[timem:s3], [sflag:s2] =	dma.local @!p0 [hbm:s0], s1  }
0x121: {  	s0 =	simm.s32 @!p0 $0x2  }
0x122: {  	_ =	swait.ge @!p0 [sflag:s0], s1  }
0x123: {  	s1 =	ssub.s32 @!p0 $0x0, s1;
	[sflag:s0] =	ssyncset.done @!p0 $0x0  }
0x124: {  	[sflag:s0] =	ssyncadd.s32 @!p0 s1  }
0x125: {  	[bflag:$0x3] =	sbarrier.arrive $0xFFFF  }
0x126: {  	_ =	shalt  }

// kernel: kernel.8.cloned.1.call-start
scs
__scs_entry_jumppad:
0x0: {  	(pc) =	sbr.rel $0x88, $3  }
0x1: {  	(tag) =	ssettag $0x0;
	lr =	simm.s32 $0x1  }
0x2: {  	[smem:$0x3F9E] =	sst lr;
	_ =	strace $0xD0000000  }
0x3: {  	_ = 	snop  }
0x4: {  	_ = 	snop  }
0x5: {  	_ = 	snop  }
0x6: {  	_ = 	snop  }
0x7: {  	_ = 	snop  }
__scs_overlays_trampoline_lowered:
0x8: {  	[smem:$0x3FAD] =	sst s0  }
0x9: {  	[smem:$0x3FAE] =	sst s1  }
0xa: {  	[smem:$0x3FAF] =	sst s2  }
0xb: {  	[smem:$0x3FB0] =	sst s3  }
0xc: {  	[smem:$0x3FB1] =	sst s4  }
0xd: {  	[smem:$0x3FB2] =	sst s5  }
0xe: {  	[smem:$0x3FB3] =	sst s6  }
0xf: {  	[smem:$0x3FB4] =	sst s7  }
0x10: {  	[smem:$0x3FB5] =	sst s8  }
0x11: {  	[smem:$0x3FB6] =	sst s9;
	s0 =	simm.s32 @!p0 $0x0  }
0x12: {  	s1 =	sld [smem:$0x3F9C];
	s0 =	simm.s32 @p0 $0x1  }
0x13: {  	[smem:$0x3FB7] =	sst s0;
	s0 =	simm.s32 @!p1 $0x0  }
0x14: {  	s2 =	sld [smem:$0x3F9B];
	s0 =	simm.s32 @p1 $0x1  }
0x15: {  	[smem:$0x3FB8] =	sst s0;
	s0 =	simm.s32 @!p2 $0x0  }
0x16: {  	s3 =	sld [smem:$0x3FDB];
	s0 =	simm.s32 @p2 $0x1  }
0x17: {  	s4 =	simm.s32 $0x1BF5;
	[smem:$0x3FBA] =	sst s0  }
0x18: {  	s0 =	sld [smem:$0x3F9D];
	_ =	swait.ge [sflag:s4], $0x0  }
0x19: {  	s7 =	sld [smem:$0x3F9E]  }
0x1a: {  	s8 =	sadd.s32 $0xFFFFE003, lr  }
0x1b: {  	s9 =	sadd.s32 $0xFFFFFEF7, lr;
	s5 =	simm.s32 $0xFFFFFFFF;
	p2 =	slt.u32 s8, $0xFFFFF086  }
0x1c: {  	p1 =	slt.u32 s9, $0xF7A;
	s5 =	simm.s32 @!p2 $0x0  }
0x1d: {  	s5 =	simm.s32 @p1 $0x1;
	p0 =	seq.s32 s7, s2  }
0x1e: {  	s7 =	smul.u32 @!p0 $0xF7A, s2;
	p2 =	seq.s32 @!p0 s5, $0x0  }
0x1f: {  	s9 =	smul.u32 $0xF7A, s1;
	s8 =	simm.s32 @!p0 $0x1BF5;
	p2 =	por !p2, p0  }
0x20: {  	[sflag:s8] =	ssyncset.s32 @!p0 $0xFFFFF086;
	s6 =	sadd.s32 @!p0 s3, s7;
	s7 =	simm.s32 @!p0 $0x108  }
0x21: {  	s3 =	sadd.s32 s3, s9;
	s6 =	sadd.s32 @!p0 $0x88, s6;
	s7 =	simm.s32 @p2 $0x1082  }
0x22: {  	[simem:s7], [sflag:s8] =	dma.local @!p0 [hbm:s6], $0xF7A  }
0x23: {  	s9 =	sor.u32 $0xD0000000, s2;
	s6 =	simm.s32 $0x108;
	_ =	swait.ge @!p0 [sflag:s8], $0x0  }
0x24: {  	s3 =	sadd.s32 $0x88, s3;
	s6 =	simm.s32 @!p1 $0x1082;
	[sflag:s4] =	ssyncset.s32 $0xFFFFF086  }
0x25: {  	[simem:s6], [sflag:s4] =	dma.local [hbm:s3], $0xF7A  }
0x26: {  	[smem:$0x3F9E] =	sst s1;
	(tag) =	ssettag s2;
	_ =	strace s9  }
0x27: {  	s1 =	sld [smem:$0x3FAE]  }
0x28: {  	s2 =	sld [smem:$0x3FAF]  }
0x29: {  	s4 =	sld [smem:$0x3FB1]  }
0x2a: {  	p0 =	seq.s32 s5, $0x0;
	s5 =	sld [smem:$0x3FB2]  }
0x2b: {  	s6 =	sld [smem:$0x3FB3]  }
0x2c: {  	s7 =	sld [smem:$0x3FB4]  }
0x2d: {  	s3 =	simm.s32 $0x108;
	s8 =	sld [smem:$0x3FB5]  }
0x2e: {  	s3 =	simm.s32 @!p0 $0x1082;
	s9 =	sld [smem:$0x3FB6]  }
0x2f: {  	lr =	sadd.s32 s0, s3;
	s0 =	sld [smem:$0x3FAD]  }
0x30: {  	s3 =	sld [smem:$0x3FB0]  }
0x31: {  	[smem:$0x3FB9] =	sst s10  }
0x32: {  	s10 =	sld [smem:$0x3FB7];
	_ =	sdelay $0x3  }
0x33: {  	p0 =	seq.s32 s10, $0x1;
	s10 =	sld [smem:$0x3FB9];
	_ =	sdelay $0x3  }
0x34: {  	[smem:$0x3FB9] =	sst s10  }
0x35: {  	s10 =	sld [smem:$0x3FB8];
	_ =	sdelay $0x3  }
0x36: {  	p1 =	seq.s32 s10, $0x1;
	s10 =	sld [smem:$0x3FB9];
	_ =	sdelay $0x3  }
0x37: {  	[smem:$0x3FB9] =	sst s10  }
0x38: {  	s10 =	sld [smem:$0x3FBA]  }
0x39: {  	_ = 	snop;
	(pc) =	sbr.ind lr, $3  }
0x3a: {  	_ = 	snop  }
0x3b: {  	_ = 	snop  }
0x3c: {  	p2 =	seq.s32 s10, $0x1;
	s10 =	sld [smem:$0x3FB9]  }
0x3d: {  	_ =	shalt  }
0x3e: {  	_ =	shalt  }
0x3f: {  	_ =	shalt  }
0x40: {  	_ =	shalt  }
0x41: {  	_ =	shalt  }
0x42: {  	_ =	shalt  }
0x43: {  	_ =	shalt  }
0x44: {  	_ =	shalt  }
0x45: {  	_ =	shalt  }
0x46: {  	_ =	shalt  }
0x47: {  	_ =	shalt  }
0x48: {  	_ =	shalt  }
0x49: {  	_ =	shalt  }
0x4a: {  	_ =	shalt  }
0x4b: {  	_ =	shalt  }
0x4c: {  	_ =	shalt  }
0x4d: {  	_ =	shalt  }
0x4e: {  	_ =	shalt  }
0x4f: {  	_ =	shalt  }
0x50: {  	_ =	shalt  }
0x51: {  	_ =	shalt  }
0x52: {  	_ =	shalt  }
0x53: {  	_ =	shalt  }
0x54: {  	_ =	shalt  }
0x55: {  	_ =	shalt  }
0x56: {  	_ =	shalt  }
0x57: {  	_ =	shalt  }
0x58: {  	_ =	shalt  }
0x59: {  	_ =	shalt  }
0x5a: {  	_ =	shalt  }
0x5b: {  	_ =	shalt  }
0x5c: {  	_ =	shalt  }
0x5d: {  	_ =	shalt  }
0x5e: {  	_ =	shalt  }
0x5f: {  	_ =	shalt  }
0x60: {  	_ =	shalt  }
0x61: {  	_ =	shalt  }
0x62: {  	_ =	shalt  }
0x63: {  	_ =	shalt  }
0x64: {  	_ =	shalt  }
0x65: {  	_ =	shalt  }
0x66: {  	_ =	shalt  }
0x67: {  	_ =	shalt  }
0x68: {  	_ =	shalt  }
0x69: {  	_ =	shalt  }
0x6a: {  	_ =	shalt  }
0x6b: {  	_ =	shalt  }
0x6c: {  	_ =	shalt  }
0x6d: {  	_ =	shalt  }
0x6e: {  	_ =	shalt  }
0x6f: {  	_ =	shalt  }
0x70: {  	_ =	shalt  }
0x71: {  	_ =	shalt  }
0x72: {  	_ =	shalt  }
0x73: {  	_ =	shalt  }
0x74: {  	_ =	shalt  }
0x75: {  	_ =	shalt  }
0x76: {  	_ =	shalt  }
0x77: {  	_ =	shalt  }
0x78: {  	_ =	shalt  }
0x79: {  	_ =	shalt  }
0x7a: {  	_ =	shalt  }
0x7b: {  	_ =	shalt  }
0x7c: {  	_ =	shalt  }
0x7d: {  	_ =	shalt  }
0x7e: {  	_ =	shalt  }
0x7f: {  	_ =	shalt  }
0x80: {  	_ =	shalt  }
0x81: {  	_ =	shalt  }
0x82: {  	_ =	shalt  }
0x83: {  	_ =	shalt  }
0x84: {  	_ =	shalt  }
0x85: {  	_ =	shalt  }
0x86: {  	_ =	shalt  }
0x87: {  	_ =	shalt  }
.Lfunc_end0:
.L_simem_size_0:
called_computation.1_lowered:
.L_overlay_start_0:
0x88: {  	s2 =	sld [smem:$0x3FD9]  }
0x89: {  	s3 =	sld [smem:$0x3FFE];
	_ =	sdelay $0x1  }
0x8a: {  	s1 =	srdreg.scid  }
0x8b: {  	s0 =	sand.u32 $0x1, s1  }
0x8c: {  	s16 =	sshll.u32 s0, $0xA;
	s2 =	sadd.s32 s3, s2  }
0x8d: {  	s2 =	sadd.s32 s2, s16  }
0x8e: {  	[smem:$0x3FC5] =	sst s2  }
0x8f: {  	_ = 	snop  }
0x90: {  	(tm) =	ssettm $0x1  }
0x91: {  	s17 =	sld [smem:$0x3FFB];
	_ =	sdelay $0x3  }
0x92: {  	_ =	strace s17  }
0x93: {  	s2 =	sld [smem:$0x3FFC];
	_ =	sdelay $0x3  }
0x94: {  	_ =	strace s2  }
0x95: {  	s2 =	sld [smem:$0x3FFD];
	_ =	sdelay $0x3  }
0x96: {  	_ =	strace s2  }
0x97: {  	_ =	strace $0x8FFFFFFF  }
0x98: {  	s18 =	sld [smem:$0x3FDB];
	_ =	sdelay $0x1  }
0x99: {  	s19 =	simm.s32 $_scs_section_size  }
0x9a: {  	s4 =	simm.s32 $_size__tile_overlayer_lowered;
	s5 =	simm.s32 $_tile_overlayer_lowered  }
0x9b: {  	s22 =	simm.s32 $0x1BFF;
	s21 =	sshll.u32 s5, $0x1;
	s2 =	sadd.s32 s19, s18  }
0x9c: {  	s6 =	simm.s32 $0x0;
	s20 =	sshll.u32 s4, $0x1;
	s4 =	sadd.s32 s21, s2  }
0x9d: {  	[timem:s6], [sflag:s22] =	dma.local [hbm:s4], s20  }
0x9e: {  	_ =	swait.ge [sflag:s22], s20  }
0x9f: {  	s3 =	ssub.s32 $0x0, s20;
	[sflag:s22] =	ssyncset.done $0x0  }
0xa0: {  	[sflag:s22] =	ssyncadd.s32 s3;
	_ =	sdelay $0x1  }
0xa1: {  	s23 =	simm.s32 $0x1B8B  }
0xa2: {  	_ =	swait.ge [sflag:s23], $0x1  }
0xa3: {  	[sflag:s23] =	ssyncset.done $0x0  }
0xa4: {  	s25 =	simm.s32 $0x1B8E;
	s24 =	sld [smem:$0x3FFE];
	[sflag:s23] =	ssyncadd.s32 $0xFFFFFFFF  }
0xa5: {  	s26 =	simm.s32 $execute0_lowered;
	[smem:$0x3FD2] =	sst s25  }
0xa6: {  	s4 =	sshll.u32 s26, $0x1;
	_ =	strace $0x80000049;
	[dreg:$0x1] =	wrdreg $0xFFFFFFFF  }
0xa7: {  	s28 =	simm.s32 $_size_execute0_lowered;
	s2 =	sadd.s32 s2, s4;
	[dreg:$0x0] =	wrdreg $0x0  }
0xa8: {  	s4 =	sshll.u32 s28, $0x1;
	[dreg:$0x2] =	wrdreg s2  }
0xa9: {  	[dreg:$0x3] =	wrdreg s4  }
0xaa: {  	[dreg:$0x4] =	wrdreg $0xC0  }
0xab: {  	_ =	task [dreg:s6], $0x5FFFF  }
0xac: {  	[dreg:$0x1] =	wrdreg $0xFFFFFFFF  }
0xad: {  	[dreg:$0x0] =	wrdreg $0x60  }
0xae: {  	[dreg:$0x2] =	wrdreg s24  }
0xaf: {  	[dreg:$0x3] =	wrdreg $0x9  }
0xb0: {  	_ =	task.clear_ibuf [dreg:s6], $0x4FFFF;
	_ =	strace $0x90000049  }
0xb1: {  	s29 =	simm.s32 $0x9;
	_ =	strace $0x8000004B  }
0xb2: {  	_ =	swait.ge [sflag:s29], $0x1  }
0xb3: {  	[sflag:s29] =	ssyncadd.s32 $0xFFFFFFFF  }
0xb4: {  	_ =	strace $0x9000004B  }
0xb5: {  	_ =	sfence  }
0xb6: {  	s30 =	sld [smem:$0x0];
	_ =	sdelay $0x2  }
0xb7: {  	s31 =	sshll.u32 s1, $0xD;
	s1 =	sshrl.u32 s1, $0x2  }
0xb8: {  	s3 =	sand.u32 $0x4000, s31;
	s1 =	sadd.s32 s1, s30  }
0xb9: {  	s0 =	sor.u32 s3, s0;
	s1 =	sshll.u32 s1, $0x11  }
0xba: {  	s0 =	sor.u32 s1, s0  }
0xbb: {  	s0 =	sadd.s32 $0x8F2B, s0  }
0xbc: {  	[sflag:s0] =	ssyncadd.remote.s32 $0x1  }
0xbd: {  	_ =	sfence.sel $0xFFFF  }
0xbe: {  	[dreg:$0x0] =	wrdreg $0xFFFFFFFF;
	(pc) =	sbr.abs _section_cstart, $3  }
0xbf: {  	[dreg:$0x1] =	wrdreg $0xFFFFFFFF  }
0xc0: {  	_ =	task.clear_ibuf [dreg:s6], $0x2FFFF;
	_ =	strace $0x9FFFFFFF  }
0xc1: {  	(tm) =	ssettm $0x7FFFFFFF  }
tec
execute0_lowered:
.L_overlay_start_1:
0x0: {  	(tag) =	ssettag $0x1  }
0x1: {  	s1 =	srdreg.scid;
	s0 =	stileid.u32  }
0x2: {  	s16 =	sand.u32 $0x1, s1;
	s29 =	sshll.u32 s0, $0x1  }
0x3: {  	s17 =	rddreg [dreg:$0x0];
	s18 =	sor.u32 s16, s29  }
0x4: {  	s2 =	simm.s32 $0x0;
	s1 =	rddreg [dreg:$0x1];
	s3 =	sshll.u32 s18, $0x7  }
0x5: {  	[smem:$0x7FF] =	sst s2;
	s3 =	sadd.s32 s3, s17  }
0x6: {  	_ =	strace $0x8000004A;
	s4 =	sadd.s32 $0x800, s3;
	s3 =	simm.s32 $0x2  }
0x7: {  	[tilespmem:s2], [sflag:$0x2] =	stream.linear.gather [hbm4b:s4+s2], $0x280, $0x38;
	[tilespmem:$0x680] =	vst v63  }
0x8: {  	_ =	swait.ge [sflag:s3], $0x280  }
0x9: {  	s6 =	simm.s32 $0x80;
	[sflag:s3] =	ssyncset.done $0x0  }
0xa: {  	s7 =	simm.s32 $0x400;
	s5 =	sadd.s32 $0x8200, s17;
	[sflag:s3] =	ssyncadd.s32 $0xFFFFFD80  }
0xb: {  	[tilespmem:s7], [sflag:$0x1] =	stream.indirect.gather [hbm4b:s5+s6], $0x1, s2, s6, $0xb8;
	[tilespmem:$0x680] =	vst v63  }
0xc: {  	s8 =	simm.s32 $0x480  }
0xd: {  	[tilespmem:s8], [sflag:$0x1] =	stream.indirect.gather [hbm4b:s5+s6], $0x1, s6, s6, $0xb8;
	[tilespmem:$0x680] =	vst v63  }
0xe: {  	s9 =	simm.s32 $0x100;
	s10 =	simm.s32 $0x500  }
0xf: {  	[tilespmem:s10], [sflag:$0x1] =	stream.indirect.gather [hbm4b:s5+s6], $0x1, s9, s6, $0xb8;
	[tilespmem:$0x680] =	vst v63  }
0x10: {  	s11 =	simm.s32 $0x180;
	s12 =	simm.s32 $0x580  }
0x11: {  	[tilespmem:s12], [sflag:$0x1] =	stream.indirect.gather [hbm4b:s5+s6], $0x1, s11, s6, $0xb8;
	[tilespmem:$0x680] =	vst v63  }
0x12: {  	s13 =	simm.s32 $0x200;
	s14 =	simm.s32 $0x600;
	s15 =	simm.s32 $0x1  }
0x13: {  	[tilespmem:s14], [sflag:$0x1] =	stream.indirect.gather [hbm4b:s5+s6], $0x1, s13, s6, $0xb8;
	[tilespmem:$0x680] =	vst v63  }
0x14: {  	_ =	swait.ge [sflag:s15], $0x80  }
0x15: {  	[sflag:s15] =	ssyncset.done $0x0  }
0x16: {  	[sflag:s15] =	ssyncadd.s32 $0xFFFFFF80  }
0x17: {  	_ =	swait.ge [sflag:s15], $0x80  }
0x18: {  	[sflag:s15] =	ssyncset.done $0x0  }
0x19: {  	[sflag:s15] =	ssyncadd.s32 $0xFFFFFF80  }
0x1a: {  	_ =	swait.ge [sflag:s15], $0x80  }
0x1b: {  	[sflag:s15] =	ssyncset.done $0x0  }
0x1c: {  	s16 =	ssub.s32 $0x2, s16;
	[sflag:s15] =	ssyncadd.s32 $0xFFFFFF80  }
0x1d: {  	s19 =	sshrl.u32 s16, $0x1;
	_ =	swait.ge [sflag:s15], $0x80  }
0x1e: {  	s30 =	ssub.s32 s16, s19;
	[sflag:s15] =	ssyncset.done $0x0  }
0x1f: {  	s18 =	smul.u32 $0x50, s18;
	s31 =	smax.u32 s30, $0x1;
	[sflag:s15] =	ssyncadd.s32 $0xFFFFFF80  }
0x20: {  	p0 =	sne.s32 s31, $0x1;
	_ =	swait.ge [sflag:s15], $0x80  }
.Ltmp0:
0x21: {  	s17 =	sadd.s32 s18, s17;
	[sflag:s15] =	ssyncset.done $0x0;
	(pc) =	sbr.rel @!p0 .LBB2_2-.Ltmp0, $4  }
0x22: {  	s16 =	sadd.s32 $0x1800, s17;
	[sflag:s15] =	ssyncadd.s32 $0xFFFFFF80  }
0x23: {  	[hbm4b:s16+s2] =	stream.linear.scatter [tilespmem:s7], [sflag:$0x2], $0x280, $0x38;
	[tilespmem:$0x680] =	vst v63  }
0x24: {  	_ =	swait.ge [sflag:s3], $0x280  }
0x25: {  	s17 =	sadd.s32 $0xFFFFFFFF, s31;
	[sflag:s3] =	ssyncset.done $0x0  }
.LBB2_1:
0x26: {  	p0 =	sne.s32 s17, $0x1;
	s17 =	sadd.s32 $0xFFFFFFFF, s17;
	[sflag:s3] =	ssyncadd.s32 $0xFFFFFD80  }
0x27: {  	[tilespmem:s2], [sflag:$0x2] =	stream.linear.gather [hbm4b:s4+s2], $0x280, $0x38;
	[tilespmem:$0x680] =	vst v63  }
0x28: {  	_ =	swait.ge [sflag:s3], $0x280  }
0x29: {  	[sflag:s3] =	ssyncset.done $0x0  }
0x2a: {  	[sflag:s3] =	ssyncadd.s32 $0xFFFFFD80  }
0x2b: {  	[tilespmem:s7], [sflag:$0x1] =	stream.indirect.gather [hbm4b:s5+s6], $0x1, s2, s6, $0xb8;
	[tilespmem:$0x680] =	vst v63  }
0x2c: {  	_ = 	snop  }
0x2d: {  	[tilespmem:s8], [sflag:$0x1] =	stream.indirect.gather [hbm4b:s5+s6], $0x1, s6, s6, $0xb8;
	[tilespmem:$0x680] =	vst v63  }
0x2e: {  	_ = 	snop  }
0x2f: {  	[tilespmem:s10], [sflag:$0x1] =	stream.indirect.gather [hbm4b:s5+s6], $0x1, s9, s6, $0xb8;
	[tilespmem:$0x680] =	vst v63  }
0x30: {  	_ = 	snop  }
0x31: {  	[tilespmem:s12], [sflag:$0x1] =	stream.indirect.gather [hbm4b:s5+s6], $0x1, s11, s6, $0xb8;
	[tilespmem:$0x680] =	vst v63  }
0x32: {  	_ = 	snop  }
0x33: {  	[tilespmem:s14], [sflag:$0x1] =	stream.indirect.gather [hbm4b:s5+s6], $0x1, s13, s6, $0xb8;
	[tilespmem:$0x680] =	vst v63  }
0x34: {  	_ =	swait.ge [sflag:s15], $0x80  }
0x35: {  	[sflag:s15] =	ssyncset.done $0x0  }
0x36: {  	[sflag:s15] =	ssyncadd.s32 $0xFFFFFF80  }
0x37: {  	_ =	swait.ge [sflag:s15], $0x80  }
0x38: {  	[sflag:s15] =	ssyncset.done $0x0  }
0x39: {  	[sflag:s15] =	ssyncadd.s32 $0xFFFFFF80  }
0x3a: {  	_ =	swait.ge [sflag:s15], $0x80  }
0x3b: {  	[sflag:s15] =	ssyncset.done $0x0  }
0x3c: {  	[sflag:s15] =	ssyncadd.s32 $0xFFFFFF80  }
0x3d: {  	_ =	swait.ge [sflag:s15], $0x80  }
0x3e: {  	[sflag:s15] =	ssyncset.done $0x0  }
0x3f: {  	[sflag:s15] =	ssyncadd.s32 $0xFFFFFF80  }
0x40: {  	_ =	swait.ge [sflag:s15], $0x80  }
.Ltmp1:
0x41: {  	[sflag:s15] =	ssyncset.done $0x0;
	(pc) =	sbr.rel @p0 .LBB2_1-.Ltmp1, $4  }
0x42: {  	[sflag:s15] =	ssyncadd.s32 $0xFFFFFF80  }
0x43: {  	[hbm4b:s16+s2] =	stream.linear.scatter [tilespmem:s7], [sflag:$0x2], $0x280, $0x38;
	[tilespmem:$0x680] =	vst v63  }
0x44: {  	_ =	swait.ge [sflag:s3], $0x280  }
0x45: {  	[sflag:s3] =	ssyncset.done $0x0  }
.LBB2_2:
0x46: {  	[sflag:s3] =	ssyncadd.s32 $0xFFFFFD80  }
0x47: {  	_ =	sfence.sel $0x180000  }
0x48: {  	[bflag:$0x0] =	sbarrier.arrive $0xFFFF  }
0x49: {  	p0 =	sne.s32 s0, $0x0;
	_ =	strace $0x9000004A  }
0x4a: {  	s0 =	sadd.s32 @!p0 $0x100000, s1;
	[bflag:$0x2] =	sbarrier.arrive $0xFFFF  }
0x4b: {  	[sflag:s0] =	ssyncadd.tile.s32 @!p0 $0x1;
	_ =	shalt  }
.Lfunc_end2:
_tile_overlayer_lowered:
.L_overlay_start_2:
0x4c: {  	(tag) =	ssettag $0x2  }
0x4d: {  	s0 =	rddreg [dreg:$0x0];
	s2 =	stileid.u32  }
0x4e: {  	s1 =	rddreg [dreg:$0x1];
	p0 =	sne.s32 s2, $0x0  }
0x4f: {  	s3 =	rddreg [dreg:$0x2];
	[bflag:$0x3] =	sbarrier.arrive $0xFFFF;
	s2 =	simm.s32 @!p0 $0x1C02  }
0x50: {  	[timem:s3], [sflag:s2] =	dma.local @!p0 [hbm:s0], s1  }
0x51: {  	s0 =	simm.s32 @!p0 $0x2  }
0x52: {  	_ =	swait.ge @!p0 [sflag:s0], s1  }
0x53: {  	s1 =	ssub.s32 @!p0 $0x0, s1;
	[sflag:s0] =	ssyncset.done @!p0 $0x0  }
0x54: {  	[sflag:s0] =	ssyncadd.s32 @!p0 s1  }
0x55: {  	[bflag:$0x3] =	sbarrier.arrive $0xFFFF  }
0x56: {  	_ =	shalt  }

</sc_bundles>
